<compile_context>
chip_gen: v7x
topology: tpu7x:2x2x1
jax: 0.10.2.dev20260603
libtpu: 0.0.44.dev20260713+nightly
codegen_flags: <defaults>
</compile_context>

<pallas_src>
import functools

import jax
import jax.numpy as jnp
from jax import lax
from jax.experimental import pallas as pl
from jax.experimental.pallas import tpu as pltpu
from jax.experimental.pallas import tpu_sc as plsc

L = 128
N = L * L
NUM_CORES = 2
NUM_SUBCORES = 16
NUM_WORKERS = NUM_CORES * NUM_SUBCORES
LANES = 16
CHUNKS = L // LANES
UNROLL = 4
DEPTH = 3


def _make_sc_permute(batch):
    assert batch % (2 * NUM_WORKERS) == 0
    rows_per_worker = batch // NUM_WORKERS

    mesh = plsc.VectorSubcoreMesh(
        core_axis_name="c",
        subcore_axis_name="s",
        num_cores=NUM_CORES,
        num_subcores=NUM_SUBCORES,
    )

    @functools.partial(
        pl.kernel,
        out_type=jax.ShapeDtypeStruct((batch, 1, L, L), jnp.float32),
        mesh=mesh,
        scratch_types=[
            pltpu.VMEM((N,), jnp.float32),
            pltpu.VMEM((N,), jnp.float32),
            pltpu.VMEM((N,), jnp.float32),
            pltpu.VMEM((1, L, L), jnp.float32),
            pltpu.VMEM((1, L, L), jnp.float32),
            pltpu.VMEM((1, L, L), jnp.float32),
            pltpu.SemaphoreType.DMA,
            pltpu.SemaphoreType.DMA,
            pltpu.SemaphoreType.DMA,
            pltpu.SemaphoreType.DMA,
            pltpu.SemaphoreType.DMA,
            pltpu.SemaphoreType.DMA,
        ],
        compiler_params=pltpu.CompilerParams(needs_layout_passes=False),
    )
    def permute(x_hbm, out_hbm, xin0_v, xin1_v, xin2_v,
                out0_v, out1_v, out2_v, in_sem0, in_sem1, in_sem2,
                out_sem0, out_sem1, out_sem2):
        wid = lax.axis_index("s") * NUM_CORES + lax.axis_index("c")
        base = wid * rows_per_worker
        xin_bufs = (xin0_v, xin1_v, xin2_v)
        out_bufs = (out0_v, out1_v, out2_v)
        in_sems = (in_sem0, in_sem1, in_sem2)
        out_sems = (out_sem0, out_sem1, out_sem2)

        def start_in(row, b):
            pltpu.async_copy(x_hbm.at[row], xin_bufs[b], in_sems[b])

        def wait_in(row, b):
            pltpu.make_async_copy(
                x_hbm.at[row], xin_bufs[b], in_sems[b]).wait()

        for b in range(DEPTH):
            start_in(base + b, b)

        ii = lax.iota(jnp.int32, LANES)
        col129 = tuple(129 * (u * LANES) + 129 * ii for u in range(CHUNKS))
        thresh = tuple(N + u * LANES + ii for u in range(CHUNKS))

        def do_gather(b):
            @plsc.parallel_loop(0, L, step=1, unroll=UNROLL)
            def _gather(r):
                rbase = r * L
                for u in range(CHUNKS):
                    flat = rbase + col129[u]
                    idx = jnp.where(flat >= thresh[u], flat - N, flat)
                    out_bufs[b][0, r, pl.ds(u * LANES, LANES)] = (
                        plsc.load_gather(xin_bufs[b], [idx]))

        groups = rows_per_worker // DEPTH
        rem = rows_per_worker % DEPTH

        def group_body(g, carry):
            for b in range(DEPTH):
                row = base + g * DEPTH + b
                wait_in(row, b)
                @pl.when(g > 0)
                def _wait_out():
                    pltpu.make_async_copy(
                        out_bufs[b], out_hbm.at[row - DEPTH],
                        out_sems[b]).wait()
                do_gather(b)
                pltpu.async_copy(out_bufs[b], out_hbm.at[row], out_sems[b])

                @pl.when(row + DEPTH < base + rows_per_worker)
                def _refill():
                    start_in(row + DEPTH, b)
            return carry

        lax.fori_loop(0, groups, group_body, 0, unroll=False)

        for j in range(rem):
            b = j
            row = base + groups * DEPTH + j
            wait_in(row, b)
            pltpu.make_async_copy(
                out_bufs[b], out_hbm.at[row - DEPTH], out_sems[b]).wait()
            do_gather(b)
            pltpu.async_copy(out_bufs[b], out_hbm.at[row], out_sems[b])

        for k in range(rows_per_worker - DEPTH, rows_per_worker):
            b = k % DEPTH
            pltpu.make_async_copy(
                out_bufs[b], out_hbm.at[base + k], out_sems[b]).wait()

    return permute


def kernel(x):
    batch = x.shape[0]
    x = x.reshape(batch, N)
    return _make_sc_permute(batch)(x)

# --- scband reference (transcript-rebuilt; emitter-appended) ---
"""Pipeline reference for scband-reshape-to-triangular-b-35991825940788 (READ-ONLY COPY).

The authoritative reference and input builder live on the scoring server;
editing this copy changes nothing except your own understanding.
"""

import jax, jax.numpy as jnp
import numpy as np

L = 128
LATTICE_SHAPE = (1, L, L)

def _make_permutation():
    # Same construction as ReshapeTo_TriangularB.__init__: roll each column i by -i
    p = np.arange(L * L, dtype=np.int32).reshape(L, L)
    for i in range(p.shape[1]):
        p[:, i] = np.roll(p[:, i], shift=-i)
    return jnp.asarray(p)

def setup_inputs(seed: int = 0) -> dict:
    key = jax.random.key(seed)
    x = jax.random.normal(key, (4096, L * L), dtype=jnp.float32)
    return {"x": x}

def reference(x):
    perm = _make_permutation()  # int32[L, L], constant index map
    x = x.reshape(x.shape[0], -1)
    # gather along site axis with 2D permutation -> (B, L, L)
    x = x[:, perm]
    x = x.reshape(x.shape[0], *LATTICE_SHAPE)
    return x

if __name__ == "__main__":
    import jax
    _d = setup_inputs()
    print(jax.jit(kernel)(*tuple(_d.values())))

</pallas_src>

<mosaic_0001>
#map = affine_map<(d0, d1) -> (0, 0)>
#map1 = affine_map<(d0, d1) -> (0, 0, 0, 0)>
module attributes {stable_mosaic.version = 14 : i64} {
  func.func @permute(%arg0: i32, %arg1: i32, %arg2: memref<4096x16384xf32, #tpu.memory_space<hbm>>, %arg3: memref<4096x1x128x128xf32, #tpu.memory_space<hbm>>, %arg4: memref<16384xf32, #tpu.memory_space<vmem>>, %arg5: memref<16384xf32, #tpu.memory_space<vmem>>, %arg6: memref<16384xf32, #tpu.memory_space<vmem>>, %arg7: memref<1x128x128xf32, #tpu.memory_space<vmem>>, %arg8: memref<1x128x128xf32, #tpu.memory_space<vmem>>, %arg9: memref<1x128x128xf32, #tpu.memory_space<vmem>>, %arg10: memref<!tpu.dma_semaphore, #tpu.memory_space<semaphore_mem>>, %arg11: memref<!tpu.dma_semaphore, #tpu.memory_space<semaphore_mem>>, %arg12: memref<!tpu.dma_semaphore, #tpu.memory_space<semaphore_mem>>, %arg13: memref<!tpu.dma_semaphore, #tpu.memory_space<semaphore_mem>>, %arg14: memref<!tpu.dma_semaphore, #tpu.memory_space<semaphore_mem>>, %arg15: memref<!tpu.dma_semaphore, #tpu.memory_space<semaphore_mem>>) attributes {dimension_semantics = [#tpu.dimension_semantics<core_parallel>, #tpu.dimension_semantics<subcore_parallel>], iteration_bounds = array<i64: 2, 16>, scalar_prefetch = 0 : i64, scratch_operands = 12 : i64, tpu.core_type = #tpu.core_type<sc_vector_subcore>, window_params = [{transform_indices = #map}, {transform_indices = #map1}]} {
    %mul3A = arith.constant 2 : i32
    %mul3A_0 = arith.muli %arg1, %mul3A : i32
    %add3A = arith.addi %mul3A_0, %arg0 : i32
    %mul3A_1 = arith.constant 128 : i32
    %mul3A_2 = arith.muli %add3A, %mul3A_1 : i32
    %add3A_3 = arith.constant 0 : i32
    %add3A_4 = arith.addi %mul3A_2, %add3A_3 : i32
    %dma_start3A = arith.constant 0 : i32
    %dma_start3A_5 = tpu.memref_slice %arg2[%add3A_4, %dma_start3A] : memref<4096x16384xf32, #tpu.memory_space<hbm>> -> memref<1x16384xf32, #tpu.memory_space<hbm>>
    %dma_start3A_6 = tpu.memref_squeeze %dma_start3A_5 : memref<1x16384xf32, #tpu.memory_space<hbm>> -> memref<16384xf32, #tpu.memory_space<hbm>>
    %dma_start3A_7 = arith.constant 0 : i32
    %dma_start3A_8 = tpu.memref_slice %arg2[%add3A_4, %dma_start3A_7] : memref<4096x16384xf32, #tpu.memory_space<hbm>> -> memref<1x16384xf32, #tpu.memory_space<hbm>>
    %dma_start3A_9 = tpu.memref_squeeze %dma_start3A_8 : memref<1x16384xf32, #tpu.memory_space<hbm>> -> memref<16384xf32, #tpu.memory_space<hbm>>
    tpu.enqueue_dma source(%dma_start3A_9 : memref<16384xf32, #tpu.memory_space<hbm>>) target(%arg4 : memref<16384xf32, #tpu.memory_space<vmem>>) target_semaphore(%arg10 : memref<!tpu.dma_semaphore, #tpu.memory_space<semaphore_mem>>)
    %add3A_10 = arith.constant 1 : i32
    %add3A_11 = arith.addi %mul3A_2, %add3A_10 : i32
    %dma_start3A_12 = arith.constant 0 : i32
    %dma_start3A_13 = tpu.memref_slice %arg2[%add3A_11, %dma_start3A_12] : memref<4096x16384xf32, #tpu.memory_space<hbm>> -> memref<1x16384xf32, #tpu.memory_space<hbm>>
    %dma_start3A_14 = tpu.memref_squeeze %dma_start3A_13 : memref<1x16384xf32, #tpu.memory_space<hbm>> -> memref<16384xf32, #tpu.memory_space<hbm>>
    %dma_start3A_15 = arith.constant 0 : i32
    %dma_start3A_16 = tpu.memref_slice %arg2[%add3A_11, %dma_start3A_15] : memref<4096x16384xf32, #tpu.memory_space<hbm>> -> memref<1x16384xf32, #tpu.memory_space<hbm>>
    %dma_start3A_17 = tpu.memref_squeeze %dma_start3A_16 : memref<1x16384xf32, #tpu.memory_space<hbm>> -> memref<16384xf32, #tpu.memory_space<hbm>>
    tpu.enqueue_dma source(%dma_start3A_17 : memref<16384xf32, #tpu.memory_space<hbm>>) target(%arg5 : memref<16384xf32, #tpu.memory_space<vmem>>) target_semaphore(%arg11 : memref<!tpu.dma_semaphore, #tpu.memory_space<semaphore_mem>>)
    %add3A_18 = arith.constant 2 : i32
    %add3A_19 = arith.addi %mul3A_2, %add3A_18 : i32
    %dma_start3A_20 = arith.constant 0 : i32
    %dma_start3A_21 = tpu.memref_slice %arg2[%add3A_19, %dma_start3A_20] : memref<4096x16384xf32, #tpu.memory_space<hbm>> -> memref<1x16384xf32, #tpu.memory_space<hbm>>
    %dma_start3A_22 = tpu.memref_squeeze %dma_start3A_21 : memref<1x16384xf32, #tpu.memory_space<hbm>> -> memref<16384xf32, #tpu.memory_space<hbm>>
    %dma_start3A_23 = arith.constant 0 : i32
    %dma_start3A_24 = tpu.memref_slice %arg2[%add3A_19, %dma_start3A_23] : memref<4096x16384xf32, #tpu.memory_space<hbm>> -> memref<1x16384xf32, #tpu.memory_space<hbm>>
    %dma_start3A_25 = tpu.memref_squeeze %dma_start3A_24 : memref<1x16384xf32, #tpu.memory_space<hbm>> -> memref<16384xf32, #tpu.memory_space<hbm>>
    tpu.enqueue_dma source(%dma_start3A_25 : memref<16384xf32, #tpu.memory_space<hbm>>) target(%arg6 : memref<16384xf32, #tpu.memory_space<vmem>>) target_semaphore(%arg12 : memref<!tpu.dma_semaphore, #tpu.memory_space<semaphore_mem>>)
    %iota3A = tpu.iota {dimensions = array<i32: 0>} : vector<16xi32>
    %mul3A_26 = arith.constant 129 : i32
    %mul3A_27 = vector.broadcast %mul3A_26 : i32 to vector<16xi32>
    %mul3A_28 = arith.muli %mul3A_27, %iota3A : vector<16xi32>
    %add3A_29 = arith.constant 0 : i32
    %add3A_30 = vector.broadcast %add3A_29 : i32 to vector<16xi32>
    %add3A_31 = arith.addi %add3A_30, %mul3A_28 : vector<16xi32>
    %mul3A_32 = arith.constant 129 : i32
    %mul3A_33 = vector.broadcast %mul3A_32 : i32 to vector<16xi32>
    %mul3A_34 = arith.muli %mul3A_33, %iota3A : vector<16xi32>
    %add3A_35 = arith.constant 2064 : i32
    %add3A_36 = vector.broadcast %add3A_35 : i32 to vector<16xi32>
    %add3A_37 = arith.addi %add3A_36, %mul3A_34 : vector<16xi32>
    %mul3A_38 = arith.constant 129 : i32
    %mul3A_39 = vector.broadcast %mul3A_38 : i32 to vector<16xi32>
    %mul3A_40 = arith.muli %mul3A_39, %iota3A : vector<16xi32>
    %add3A_41 = arith.constant 4128 : i32
    %add3A_42 = vector.broadcast %add3A_41 : i32 to vector<16xi32>
    %add3A_43 = arith.addi %add3A_42, %mul3A_40 : vector<16xi32>
    %mul3A_44 = arith.constant 129 : i32
    %mul3A_45 = vector.broadcast %mul3A_44 : i32 to vector<16xi32>
    %mul3A_46 = arith.muli %mul3A_45, %iota3A : vector<16xi32>
    %add3A_47 = arith.constant 6192 : i32
    %add3A_48 = vector.broadcast %add3A_47 : i32 to vector<16xi32>
    %add3A_49 = arith.addi %add3A_48, %mul3A_46 : vector<16xi32>
    %mul3A_50 = arith.constant 129 : i32
    %mul3A_51 = vector.broadcast %mul3A_50 : i32 to vector<16xi32>
    %mul3A_52 = arith.muli %mul3A_51, %iota3A : vector<16xi32>
    %add3A_53 = arith.constant 8256 : i32
    %add3A_54 = vector.broadcast %add3A_53 : i32 to vector<16xi32>
    %add3A_55 = arith.addi %add3A_54, %mul3A_52 : vector<16xi32>
    %mul3A_56 = arith.constant 129 : i32
    %mul3A_57 = vector.broadcast %mul3A_56 : i32 to vector<16xi32>
    %mul3A_58 = arith.muli %mul3A_57, %iota3A : vector<16xi32>
    %add3A_59 = arith.constant 10320 : i32
    %add3A_60 = vector.broadcast %add3A_59 : i32 to vector<16xi32>
    %add3A_61 = arith.addi %add3A_60, %mul3A_58 : vector<16xi32>
    %mul3A_62 = arith.constant 129 : i32
    %mul3A_63 = vector.broadcast %mul3A_62 : i32 to vector<16xi32>
    %mul3A_64 = arith.muli %mul3A_63, %iota3A : vector<16xi32>
    %add3A_65 = arith.constant 12384 : i32
    %add3A_66 = vector.broadcast %add3A_65 : i32 to vector<16xi32>
    %add3A_67 = arith.addi %add3A_66, %mul3A_64 : vector<16xi32>
    %mul3A_68 = arith.constant 129 : i32
    %mul3A_69 = vector.broadcast %mul3A_68 : i32 to vector<16xi32>
    %mul3A_70 = arith.muli %mul3A_69, %iota3A : vector<16xi32>
    %add3A_71 = arith.constant 14448 : i32
    %add3A_72 = vector.broadcast %add3A_71 : i32 to vector<16xi32>
    %add3A_73 = arith.addi %add3A_72, %mul3A_70 : vector<16xi32>
    %add3A_74 = arith.constant 16384 : i32
    %add3A_75 = vector.broadcast %add3A_74 : i32 to vector<16xi32>
    %add3A_76 = arith.addi %add3A_75, %iota3A : vector<16xi32>
    %add3A_77 = arith.constant 16400 : i32
    %add3A_78 = vector.broadcast %add3A_77 : i32 to vector<16xi32>
    %add3A_79 = arith.addi %add3A_78, %iota3A : vector<16xi32>
    %add3A_80 = arith.constant 16416 : i32
    %add3A_81 = vector.broadcast %add3A_80 : i32 to vector<16xi32>
    %add3A_82 = arith.addi %add3A_81, %iota3A : vector<16xi32>
    %add3A_83 = arith.constant 16432 : i32
    %add3A_84 = vector.broadcast %add3A_83 : i32 to vector<16xi32>
    %add3A_85 = arith.addi %add3A_84, %iota3A : vector<16xi32>
    %add3A_86 = arith.constant 16448 : i32
    %add3A_87 = vector.broadcast %add3A_86 : i32 to vector<16xi32>
    %add3A_88 = arith.addi %add3A_87, %iota3A : vector<16xi32>
    %add3A_89 = arith.constant 16464 : i32
    %add3A_90 = vector.broadcast %add3A_89 : i32 to vector<16xi32>
    %add3A_91 = arith.addi %add3A_90, %iota3A : vector<16xi32>
    %add3A_92 = arith.constant 16480 : i32
    %add3A_93 = vector.broadcast %add3A_92 : i32 to vector<16xi32>
    %add3A_94 = arith.addi %add3A_93, %iota3A : vector<16xi32>
    %add3A_95 = arith.constant 16496 : i32
    %add3A_96 = vector.broadcast %add3A_95 : i32 to vector<16xi32>
    %add3A_97 = arith.addi %add3A_96, %iota3A : vector<16xi32>
    %scan3A = arith.constant 0 : i32
    %scan3A_98 = arith.constant 0 : i32
    %scan3A_99 = arith.constant 42 : i32
    %scan3A_100 = arith.addi %scan3A_98, %scan3A_99 : i32
    %scan3A_101 = arith.constant 1 : i32
    scf.for %scan3A_206 = %scan3A_98 to %scan3A_100 step %scan3A_101  : i32 {
      %mul3A_207 = arith.constant 3 : i32
      %mul3A_208 = arith.muli %scan3A_206, %mul3A_207 : i32
      %add3A_209 = arith.addi %mul3A_2, %mul3A_208 : i32
      %add3A_210 = arith.constant 0 : i32
      %add3A_211 = arith.addi %add3A_209, %add3A_210 : i32
      %dma_wait3A_212 = arith.constant 0 : i32
      %dma_wait3A_213 = tpu.memref_slice %arg2[%add3A_211, %dma_wait3A_212] : memref<4096x16384xf32, #tpu.memory_space<hbm>> -> memref<1x16384xf32, #tpu.memory_space<hbm>>
      %dma_wait3A_214 = tpu.memref_squeeze %dma_wait3A_213 : memref<1x16384xf32, #tpu.memory_space<hbm>> -> memref<16384xf32, #tpu.memory_space<hbm>>
      %dma_wait3A_215 = arith.constant 0 : i32
      %dma_wait3A_216 = tpu.memref_slice %arg2[%add3A_211, %dma_wait3A_215] : memref<4096x16384xf32, #tpu.memory_space<hbm>> -> memref<1x16384xf32, #tpu.memory_space<hbm>>
      %dma_wait3A_217 = tpu.memref_squeeze %dma_wait3A_216 : memref<1x16384xf32, #tpu.memory_space<hbm>> -> memref<16384xf32, #tpu.memory_space<hbm>>
      tpu.wait_dma2 semaphore(%arg10 : memref<!tpu.dma_semaphore, #tpu.memory_space<semaphore_mem>>) src(%dma_wait3A_217 : memref<16384xf32, #tpu.memory_space<hbm>>) dst(%arg4 : memref<16384xf32, #tpu.memory_space<vmem>>)
      %gt3A = arith.constant 0 : i32
      %gt3A_218 = arith.cmpi sgt, %scan3A_206, %gt3A : i32
      %convert_element_type3A = arith.extui %gt3A_218 : i1 to i32
      %cond3A = arith.constant 0 : i32
      %cond3A_219 = arith.cmpi ne, %convert_element_type3A, %cond3A : i32
      scf.if %cond3A_219 {
        %sub3A_314 = arith.constant 3 : i32
        %sub3A_315 = arith.subi %add3A_211, %sub3A_314 : i32
        %dma_wait3A_316 = arith.constant 0 : i32
        %dma_wait3A_317 = arith.constant 0 : i32
        %dma_wait3A_318 = arith.constant 0 : i32
        %dma_wait3A_319 = tpu.memref_slice %arg3[%sub3A_315, %dma_wait3A_316, %dma_wait3A_317, %dma_wait3A_318] : memref<4096x1x128x128xf32, #tpu.memory_space<hbm>> -> memref<1x1x128x128xf32, #tpu.memory_space<hbm>>
        %dma_wait3A_320 = tpu.memref_squeeze %dma_wait3A_319 : memref<1x1x128x128xf32, #tpu.memory_space<hbm>> -> memref<1x128x128xf32, #tpu.memory_space<hbm>>
        %dma_wait3A_321 = arith.constant 0 : i32
        %dma_wait3A_322 = arith.constant 0 : i32
        %dma_wait3A_323 = arith.constant 0 : i32
        %dma_wait3A_324 = tpu.memref_slice %arg3[%sub3A_315, %dma_wait3A_321, %dma_wait3A_322, %dma_wait3A_323] : memref<4096x1x128x128xf32, #tpu.memory_space<hbm>> -> memref<1x1x128x128xf32, #tpu.memory_space<hbm>>
        %dma_wait3A_325 = tpu.memref_squeeze %dma_wait3A_324 : memref<1x1x128x128xf32, #tpu.memory_space<hbm>> -> memref<1x128x128xf32, #tpu.memory_space<hbm>>
        tpu.wait_dma2 semaphore(%arg13 : memref<!tpu.dma_semaphore, #tpu.memory_space<semaphore_mem>>) src(%arg7 : memref<1x128x128xf32, #tpu.memory_space<vmem>>) dst(%dma_wait3A_325 : memref<1x128x128xf32, #tpu.memory_space<hbm>>)
      } else {
      }
      %parallel_loop3A_220 = arith.constant 0 : i32
      %parallel_loop3A_221 = arith.constant 128 : i32
      %parallel_loop3A_222 = arith.constant 1 : i32
      scf.for %parallel_loop3A_314 = %parallel_loop3A_220 to %parallel_loop3A_221 step %parallel_loop3A_222  : i32 {
        %parallel_loop3A_315 = arith.constant 128 : i32
        %parallel_loop3A_316 = arith.muli %parallel_loop3A_314, %parallel_loop3A_315 : i32
        %parallel_loop3A_317 = vector.broadcast %parallel_loop3A_316 : i32 to vector<16xi32>
        %parallel_loop3A_318 = arith.addi %parallel_loop3A_317, %add3A_31 : vector<16xi32>
        %parallel_loop3A_319 = arith.cmpi sge, %parallel_loop3A_318, %add3A_76 : vector<16xi32>
        %parallel_loop3A_320 = arith.constant 16384 : i32
        %parallel_loop3A_321 = vector.broadcast %parallel_loop3A_320 : i32 to vector<16xi32>
        %parallel_loop3A_322 = arith.subi %parallel_loop3A_318, %parallel_loop3A_321 : vector<16xi32>
        %parallel_loop3A_323 = arith.select %parallel_loop3A_319, %parallel_loop3A_322, %parallel_loop3A_318 : vector<16xi1>, vector<16xi32>
        %parallel_loop3A_324 = tpu.vector_load_idx %arg4[%parallel_loop3A_323] : memref<16384xf32, #tpu.memory_space<vmem>>[vector<16xi32>], vector<16xf32>,
        %parallel_loop3A_325 = arith.constant 0 : i32
        %parallel_loop3A_326 = arith.index_cast %parallel_loop3A_325 : i32 to index
        %parallel_loop3A_327 = arith.index_cast %parallel_loop3A_314 : i32 to index
        %parallel_loop3A_328 = arith.constant 0 : index
        %parallel_loop3A_329 = tpu.vector_load %arg7[%parallel_loop3A_326, %parallel_loop3A_327, %parallel_loop3A_328] {strides = array<i32>} : memref<1x128x128xf32, #tpu.memory_space<vmem>>, vector<16xf32>,
        tpu.vector_store %arg7[%parallel_loop3A_326, %parallel_loop3A_327, %parallel_loop3A_328], %parallel_loop3A_324 {strides = array<i32>} : memref<1x128x128xf32, #tpu.memory_space<vmem>>, vector<16xf32>,
        %parallel_loop3A_330 = vector.broadcast %parallel_loop3A_316 : i32 to vector<16xi32>
        %parallel_loop3A_331 = arith.addi %parallel_loop3A_330, %add3A_37 : vector<16xi32>
        %parallel_loop3A_332 = arith.cmpi sge, %parallel_loop3A_331, %add3A_79 : vector<16xi32>
        %parallel_loop3A_333 = arith.constant 16384 : i32
        %parallel_loop3A_334 = vector.broadcast %parallel_loop3A_333 : i32 to vector<16xi32>
        %parallel_loop3A_335 = arith.subi %parallel_loop3A_331, %parallel_loop3A_334 : vector<16xi32>
        %parallel_loop3A_336 = arith.select %parallel_loop3A_332, %parallel_loop3A_335, %parallel_loop3A_331 : vector<16xi1>, vector<16xi32>
        %parallel_loop3A_337 = tpu.vector_load_idx %arg4[%parallel_loop3A_336] : memref<16384xf32, #tpu.memory_space<vmem>>[vector<16xi32>], vector<16xf32>,
        %parallel_loop3A_338 = arith.constant 0 : i32
        %parallel_loop3A_339 = arith.index_cast %parallel_loop3A_338 : i32 to index
        %parallel_loop3A_340 = arith.index_cast %parallel_loop3A_314 : i32 to index
        %parallel_loop3A_341 = arith.constant 16 : index
        %parallel_loop3A_342 = tpu.vector_load %arg7[%parallel_loop3A_339, %parallel_loop3A_340, %parallel_loop3A_341] {strides = array<i32>} : memref<1x128x128xf32, #tpu.memory_space<vmem>>, vector<16xf32>,
        tpu.vector_store %arg7[%parallel_loop3A_339, %parallel_loop3A_340, %parallel_loop3A_341], %parallel_loop3A_337 {strides = array<i32>} : memref<1x128x128xf32, #tpu.memory_space<vmem>>, vector<16xf32>,
        %parallel_loop3A_343 = vector.broadcast %parallel_loop3A_316 : i32 to vector<16xi32>
        %parallel_loop3A_344 = arith.addi %parallel_loop3A_343, %add3A_43 : vector<16xi32>
        %parallel_loop3A_345 = arith.cmpi sge, %parallel_loop3A_344, %add3A_82 : vector<16xi32>
        %parallel_loop3A_346 = arith.constant 16384 : i32
        %parallel_loop3A_347 = vector.broadcast %parallel_loop3A_346 : i32 to vector<16xi32>
        %parallel_loop3A_348 = arith.subi %parallel_loop3A_344, %parallel_loop3A_347 : vector<16xi32>
        %parallel_loop3A_349 = arith.select %parallel_loop3A_345, %parallel_loop3A_348, %parallel_loop3A_344 : vector<16xi1>, vector<16xi32>
        %parallel_loop3A_350 = tpu.vector_load_idx %arg4[%parallel_loop3A_349] : memref<16384xf32, #tpu.memory_space<vmem>>[vector<16xi32>], vector<16xf32>,
        %parallel_loop3A_351 = arith.constant 0 : i32
        %parallel_loop3A_352 = arith.index_cast %parallel_loop3A_351 : i32 to index
        %parallel_loop3A_353 = arith.index_cast %parallel_loop3A_314 : i32 to index
        %parallel_loop3A_354 = arith.constant 32 : index
        %parallel_loop3A_355 = tpu.vector_load %arg7[%parallel_loop3A_352, %parallel_loop3A_353, %parallel_loop3A_354] {strides = array<i32>} : memref<1x128x128xf32, #tpu.memory_space<vmem>>, vector<16xf32>,
        tpu.vector_store %arg7[%parallel_loop3A_352, %parallel_loop3A_353, %parallel_loop3A_354], %parallel_loop3A_350 {strides = array<i32>} : memref<1x128x128xf32, #tpu.memory_space<vmem>>, vector<16xf32>,
        %parallel_loop3A_356 = vector.broadcast %parallel_loop3A_316 : i32 to vector<16xi32>
        %parallel_loop3A_357 = arith.addi %parallel_loop3A_356, %add3A_49 : vector<16xi32>
        %parallel_loop3A_358 = arith.cmpi sge, %parallel_loop3A_357, %add3A_85 : vector<16xi32>
        %parallel_loop3A_359 = arith.constant 16384 : i32
        %parallel_loop3A_360 = vector.broadcast %parallel_loop3A_359 : i32 to vector<16xi32>
        %parallel_loop3A_361 = arith.subi %parallel_loop3A_357, %parallel_loop3A_360 : vector<16xi32>
        %parallel_loop3A_362 = arith.select %parallel_loop3A_358, %parallel_loop3A_361, %parallel_loop3A_357 : vector<16xi1>, vector<16xi32>
        %parallel_loop3A_363 = tpu.vector_load_idx %arg4[%parallel_loop3A_362] : memref<16384xf32, #tpu.memory_space<vmem>>[vector<16xi32>], vector<16xf32>,
        %parallel_loop3A_364 = arith.constant 0 : i32
        %parallel_loop3A_365 = arith.index_cast %parallel_loop3A_364 : i32 to index
        %parallel_loop3A_366 = arith.index_cast %parallel_loop3A_314 : i32 to index
        %parallel_loop3A_367 = arith.constant 48 : index
        %parallel_loop3A_368 = tpu.vector_load %arg7[%parallel_loop3A_365, %parallel_loop3A_366, %parallel_loop3A_367] {strides = array<i32>} : memref<1x128x128xf32, #tpu.memory_space<vmem>>, vector<16xf32>,
        tpu.vector_store %arg7[%parallel_loop3A_365, %parallel_loop3A_366, %parallel_loop3A_367], %parallel_loop3A_363 {strides = array<i32>} : memref<1x128x128xf32, #tpu.memory_space<vmem>>, vector<16xf32>,
        %parallel_loop3A_369 = vector.broadcast %parallel_loop3A_316 : i32 to vector<16xi32>
        %parallel_loop3A_370 = arith.addi %parallel_loop3A_369, %add3A_55 : vector<16xi32>
        %parallel_loop3A_371 = arith.cmpi sge, %parallel_loop3A_370, %add3A_88 : vector<16xi32>
        %parallel_loop3A_372 = arith.constant 16384 : i32
        %parallel_loop3A_373 = vector.broadcast %parallel_loop3A_372 : i32 to vector<16xi32>
        %parallel_loop3A_374 = arith.subi %parallel_loop3A_370, %parallel_loop3A_373 : vector<16xi32>
        %parallel_loop3A_375 = arith.select %parallel_loop3A_371, %parallel_loop3A_374, %parallel_loop3A_370 : vector<16xi1>, vector<16xi32>
        %parallel_loop3A_376 = tpu.vector_load_idx %arg4[%parallel_loop3A_375] : memref<16384xf32, #tpu.memory_space<vmem>>[vector<16xi32>], vector<16xf32>,
        %parallel_loop3A_377 = arith.constant 0 : i32
        %parallel_loop3A_378 = arith.index_cast %parallel_loop3A_377 : i32 to index
        %parallel_loop3A_379 = arith.index_cast %parallel_loop3A_314 : i32 to index
        %parallel_loop3A_380 = arith.constant 64 : index
        %parallel_loop3A_381 = tpu.vector_load %arg7[%parallel_loop3A_378, %parallel_loop3A_379, %parallel_loop3A_380] {strides = array<i32>} : memref<1x128x128xf32, #tpu.memory_space<vmem>>, vector<16xf32>,
        tpu.vector_store %arg7[%parallel_loop3A_378, %parallel_loop3A_379, %parallel_loop3A_380], %parallel_loop3A_376 {strides = array<i32>} : memref<1x128x128xf32, #tpu.memory_space<vmem>>, vector<16xf32>,
        %parallel_loop3A_382 = vector.broadcast %parallel_loop3A_316 : i32 to vector<16xi32>
        %parallel_loop3A_383 = arith.addi %parallel_loop3A_382, %add3A_61 : vector<16xi32>
        %parallel_loop3A_384 = arith.cmpi sge, %parallel_loop3A_383, %add3A_91 : vector<16xi32>
        %parallel_loop3A_385 = arith.constant 16384 : i32
        %parallel_loop3A_386 = vector.broadcast %parallel_loop3A_385 : i32 to vector<16xi32>
        %parallel_loop3A_387 = arith.subi %parallel_loop3A_383, %parallel_loop3A_386 : vector<16xi32>
        %parallel_loop3A_388 = arith.select %parallel_loop3A_384, %parallel_loop3A_387, %parallel_loop3A_383 : vector<16xi1>, vector<16xi32>
        %parallel_loop3A_389 = tpu.vector_load_idx %arg4[%parallel_loop3A_388] : memref<16384xf32, #tpu.memory_space<vmem>>[vector<16xi32>], vector<16xf32>,
        %parallel_loop3A_390 = arith.constant 0 : i32
        %parallel_loop3A_391 = arith.index_cast %parallel_loop3A_390 : i32 to index
        %parallel_loop3A_392 = arith.index_cast %parallel_loop3A_314 : i32 to index
        %parallel_loop3A_393 = arith.constant 80 : index
        %parallel_loop3A_394 = tpu.vector_load %arg7[%parallel_loop3A_391, %parallel_loop3A_392, %parallel_loop3A_393] {strides = array<i32>} : memref<1x128x128xf32, #tpu.memory_space<vmem>>, vector<16xf32>,
        tpu.vector_store %arg7[%parallel_loop3A_391, %parallel_loop3A_392, %parallel_loop3A_393], %parallel_loop3A_389 {strides = array<i32>} : memref<1x128x128xf32, #tpu.memory_space<vmem>>, vector<16xf32>,
        %parallel_loop3A_395 = vector.broadcast %parallel_loop3A_316 : i32 to vector<16xi32>
        %parallel_loop3A_396 = arith.addi %parallel_loop3A_395, %add3A_67 : vector<16xi32>
        %parallel_loop3A_397 = arith.cmpi sge, %parallel_loop3A_396, %add3A_94 : vector<16xi32>
        %parallel_loop3A_398 = arith.constant 16384 : i32
        %parallel_loop3A_399 = vector.broadcast %parallel_loop3A_398 : i32 to vector<16xi32>
        %parallel_loop3A_400 = arith.subi %parallel_loop3A_396, %parallel_loop3A_399 : vector<16xi32>
        %parallel_loop3A_401 = arith.select %parallel_loop3A_397, %parallel_loop3A_400, %parallel_loop3A_396 : vector<16xi1>, vector<16xi32>
        %parallel_loop3A_402 = tpu.vector_load_idx %arg4[%parallel_loop3A_401] : memref<16384xf32, #tpu.memory_space<vmem>>[vector<16xi32>], vector<16xf32>,
        %parallel_loop3A_403 = arith.constant 0 : i32
        %parallel_loop3A_404 = arith.index_cast %parallel_loop3A_403 : i32 to index
        %parallel_loop3A_405 = arith.index_cast %parallel_loop3A_314 : i32 to index
        %parallel_loop3A_406 = arith.constant 96 : index
        %parallel_loop3A_407 = tpu.vector_load %arg7[%parallel_loop3A_404, %parallel_loop3A_405, %parallel_loop3A_406] {strides = array<i32>} : memref<1x128x128xf32, #tpu.memory_space<vmem>>, vector<16xf32>,
        tpu.vector_store %arg7[%parallel_loop3A_404, %parallel_loop3A_405, %parallel_loop3A_406], %parallel_loop3A_402 {strides = array<i32>} : memref<1x128x128xf32, #tpu.memory_space<vmem>>, vector<16xf32>,
        %parallel_loop3A_408 = vector.broadcast %parallel_loop3A_316 : i32 to vector<16xi32>
        %parallel_loop3A_409 = arith.addi %parallel_loop3A_408, %add3A_73 : vector<16xi32>
        %parallel_loop3A_410 = arith.cmpi sge, %parallel_loop3A_409, %add3A_97 : vector<16xi32>
        %parallel_loop3A_411 = arith.constant 16384 : i32
        %parallel_loop3A_412 = vector.broadcast %parallel_loop3A_411 : i32 to vector<16xi32>
        %parallel_loop3A_413 = arith.subi %parallel_loop3A_409, %parallel_loop3A_412 : vector<16xi32>
        %parallel_loop3A_414 = arith.select %parallel_loop3A_410, %parallel_loop3A_413, %parallel_loop3A_409 : vector<16xi1>, vector<16xi32>
        %parallel_loop3A_415 = tpu.vector_load_idx %arg4[%parallel_loop3A_414] : memref<16384xf32, #tpu.memory_space<vmem>>[vector<16xi32>], vector<16xf32>,
        %parallel_loop3A_416 = arith.constant 0 : i32
        %parallel_loop3A_417 = arith.index_cast %parallel_loop3A_416 : i32 to index
        %parallel_loop3A_418 = arith.index_cast %parallel_loop3A_314 : i32 to index
        %parallel_loop3A_419 = arith.constant 112 : index
        %parallel_loop3A_420 = tpu.vector_load %arg7[%parallel_loop3A_417, %parallel_loop3A_418, %parallel_loop3A_419] {strides = array<i32>} : memref<1x128x128xf32, #tpu.memory_space<vmem>>, vector<16xf32>,
        tpu.vector_store %arg7[%parallel_loop3A_417, %parallel_loop3A_418, %parallel_loop3A_419], %parallel_loop3A_415 {strides = array<i32>} : memref<1x128x128xf32, #tpu.memory_space<vmem>>, vector<16xf32>,
      } {sc.loop_unroll_factor = 4 : i64, sc.parallel_access}
      %dma_start3A_223 = arith.constant 0 : i32
      %dma_start3A_224 = arith.constant 0 : i32
      %dma_start3A_225 = arith.constant 0 : i32
      %dma_start3A_226 = tpu.memref_slice %arg3[%add3A_211, %dma_start3A_223, %dma_start3A_224, %dma_start3A_225] : memref<4096x1x128x128xf32, #tpu.memory_space<hbm>> -> memref<1x1x128x128xf32, #tpu.memory_space<hbm>>
      %dma_start3A_227 = tpu.memref_squeeze %dma_start3A_226 : memref<1x1x128x128xf32, #tpu.memory_space<hbm>> -> memref<1x128x128xf32, #tpu.memory_space<hbm>>
      %dma_start3A_228 = arith.constant 0 : i32
      %dma_start3A_229 = arith.constant 0 : i32
      %dma_start3A_230 = arith.constant 0 : i32
      %dma_start3A_231 = tpu.memref_slice %arg3[%add3A_211, %dma_start3A_228, %dma_start3A_229, %dma_start3A_230] : memref<4096x1x128x128xf32, #tpu.memory_space<hbm>> -> memref<1x1x128x128xf32, #tpu.memory_space<hbm>>
      %dma_start3A_232 = tpu.memref_squeeze %dma_start3A_231 : memref<1x1x128x128xf32, #tpu.memory_space<hbm>> -> memref<1x128x128xf32, #tpu.memory_space<hbm>>
      tpu.enqueue_dma source(%arg7 : memref<1x128x128xf32, #tpu.memory_space<vmem>>) target(%dma_start3A_232 : memref<1x128x128xf32, #tpu.memory_space<hbm>>) target_semaphore(%arg13 : memref<!tpu.dma_semaphore, #tpu.memory_space<semaphore_mem>>)
      %add3A_233 = arith.constant 3 : i32
      %add3A_234 = arith.addi %add3A_211, %add3A_233 : i32
      %add3A_235 = arith.constant 128 : i32
      %add3A_236 = arith.addi %mul3A_2, %add3A_235 : i32
      %lt3A = arith.cmpi slt, %add3A_234, %add3A_236 : i32
      %convert_element_type3A_237 = arith.extui %lt3A : i1 to i32
      %cond3A_238 = arith.constant 0 : i32
      %cond3A_239 = arith.cmpi ne, %convert_element_type3A_237, %cond3A_238 : i32
      scf.if %cond3A_239 {
        %add3A_314 = arith.constant 3 : i32
        %add3A_315 = arith.addi %add3A_211, %add3A_314 : i32
        %dma_start3A_316 = arith.constant 0 : i32
        %dma_start3A_317 = tpu.memref_slice %arg2[%add3A_315, %dma_start3A_316] : memref<4096x16384xf32, #tpu.memory_space<hbm>> -> memref<1x16384xf32, #tpu.memory_space<hbm>>
        %dma_start3A_318 = tpu.memref_squeeze %dma_start3A_317 : memref<1x16384xf32, #tpu.memory_space<hbm>> -> memref<16384xf32, #tpu.memory_space<hbm>>
        %dma_start3A_319 = arith.constant 0 : i32
        %dma_start3A_320 = tpu.memref_slice %arg2[%add3A_315, %dma_start3A_319] : memref<4096x16384xf32, #tpu.memory_space<hbm>> -> memref<1x16384xf32, #tpu.memory_space<hbm>>
        %dma_start3A_321 = tpu.memref_squeeze %dma_start3A_320 : memref<1x16384xf32, #tpu.memory_space<hbm>> -> memref<16384xf32, #tpu.memory_space<hbm>>
        tpu.enqueue_dma source(%dma_start3A_321 : memref<16384xf32, #tpu.memory_space<hbm>>) target(%arg4 : memref<16384xf32, #tpu.memory_space<vmem>>) target_semaphore(%arg10 : memref<!tpu.dma_semaphore, #tpu.memory_space<semaphore_mem>>)
      } else {
      }
      %mul3A_240 = arith.constant 3 : i32
      %mul3A_241 = arith.muli %scan3A_206, %mul3A_240 : i32
      %add3A_242 = arith.addi %mul3A_2, %mul3A_241 : i32
      %add3A_243 = arith.constant 1 : i32
      %add3A_244 = arith.addi %add3A_242, %add3A_243 : i32
      %dma_wait3A_245 = arith.constant 0 : i32
      %dma_wait3A_246 = tpu.memref_slice %arg2[%add3A_244, %dma_wait3A_245] : memref<4096x16384xf32, #tpu.memory_space<hbm>> -> memref<1x16384xf32, #tpu.memory_space<hbm>>
      %dma_wait3A_247 = tpu.memref_squeeze %dma_wait3A_246 : memref<1x16384xf32, #tpu.memory_space<hbm>> -> memref<16384xf32, #tpu.memory_space<hbm>>
      %dma_wait3A_248 = arith.constant 0 : i32
      %dma_wait3A_249 = tpu.memref_slice %arg2[%add3A_244, %dma_wait3A_248] : memref<4096x16384xf32, #tpu.memory_space<hbm>> -> memref<1x16384xf32, #tpu.memory_space<hbm>>
      %dma_wait3A_250 = tpu.memref_squeeze %dma_wait3A_249 : memref<1x16384xf32, #tpu.memory_space<hbm>> -> memref<16384xf32, #tpu.memory_space<hbm>>
      tpu.wait_dma2 semaphore(%arg11 : memref<!tpu.dma_semaphore, #tpu.memory_space<semaphore_mem>>) src(%dma_wait3A_250 : memref<16384xf32, #tpu.memory_space<hbm>>) dst(%arg5 : memref<16384xf32, #tpu.memory_space<vmem>>)
      %gt3A_251 = arith.constant 0 : i32
      %gt3A_252 = arith.cmpi sgt, %scan3A_206, %gt3A_251 : i32
      %convert_element_type3A_253 = arith.extui %gt3A_252 : i1 to i32
      %cond3A_254 = arith.constant 0 : i32
      %cond3A_255 = arith.cmpi ne, %convert_element_type3A_253, %cond3A_254 : i32
      scf.if %cond3A_255 {
        %sub3A_314 = arith.constant 3 : i32
        %sub3A_315 = arith.subi %add3A_244, %sub3A_314 : i32
        %dma_wait3A_316 = arith.constant 0 : i32
        %dma_wait3A_317 = arith.constant 0 : i32
        %dma_wait3A_318 = arith.constant 0 : i32
        %dma_wait3A_319 = tpu.memref_slice %arg3[%sub3A_315, %dma_wait3A_316, %dma_wait3A_317, %dma_wait3A_318] : memref<4096x1x128x128xf32, #tpu.memory_space<hbm>> -> memref<1x1x128x128xf32, #tpu.memory_space<hbm>>
        %dma_wait3A_320 = tpu.memref_squeeze %dma_wait3A_319 : memref<1x1x128x128xf32, #tpu.memory_space<hbm>> -> memref<1x128x128xf32, #tpu.memory_space<hbm>>
        %dma_wait3A_321 = arith.constant 0 : i32
        %dma_wait3A_322 = arith.constant 0 : i32
        %dma_wait3A_323 = arith.constant 0 : i32
        %dma_wait3A_324 = tpu.memref_slice %arg3[%sub3A_315, %dma_wait3A_321, %dma_wait3A_322, %dma_wait3A_323] : memref<4096x1x128x128xf32, #tpu.memory_space<hbm>> -> memref<1x1x128x128xf32, #tpu.memory_space<hbm>>
        %dma_wait3A_325 = tpu.memref_squeeze %dma_wait3A_324 : memref<1x1x128x128xf32, #tpu.memory_space<hbm>> -> memref<1x128x128xf32, #tpu.memory_space<hbm>>
        tpu.wait_dma2 semaphore(%arg14 : memref<!tpu.dma_semaphore, #tpu.memory_space<semaphore_mem>>) src(%arg8 : memref<1x128x128xf32, #tpu.memory_space<vmem>>) dst(%dma_wait3A_325 : memref<1x128x128xf32, #tpu.memory_space<hbm>>)
      } else {
      }
      %parallel_loop3A_256 = arith.constant 0 : i32
      %parallel_loop3A_257 = arith.constant 128 : i32
      %parallel_loop3A_258 = arith.constant 1 : i32
      scf.for %parallel_loop3A_314 = %parallel_loop3A_256 to %parallel_loop3A_257 step %parallel_loop3A_258  : i32 {
        %parallel_loop3A_315 = arith.constant 128 : i32
        %parallel_loop3A_316 = arith.muli %parallel_loop3A_314, %parallel_loop3A_315 : i32
        %parallel_loop3A_317 = vector.broadcast %parallel_loop3A_316 : i32 to vector<16xi32>
        %parallel_loop3A_318 = arith.addi %parallel_loop3A_317, %add3A_31 : vector<16xi32>
        %parallel_loop3A_319 = arith.cmpi sge, %parallel_loop3A_318, %add3A_76 : vector<16xi32>
        %parallel_loop3A_320 = arith.constant 16384 : i32
        %parallel_loop3A_321 = vector.broadcast %parallel_loop3A_320 : i32 to vector<16xi32>
        %parallel_loop3A_322 = arith.subi %parallel_loop3A_318, %parallel_loop3A_321 : vector<16xi32>
        %parallel_loop3A_323 = arith.select %parallel_loop3A_319, %parallel_loop3A_322, %parallel_loop3A_318 : vector<16xi1>, vector<16xi32>
        %parallel_loop3A_324 = tpu.vector_load_idx %arg5[%parallel_loop3A_323] : memref<16384xf32, #tpu.memory_space<vmem>>[vector<16xi32>], vector<16xf32>,
        %parallel_loop3A_325 = arith.constant 0 : i32
        %parallel_loop3A_326 = arith.index_cast %parallel_loop3A_325 : i32 to index
        %parallel_loop3A_327 = arith.index_cast %parallel_loop3A_314 : i32 to index
        %parallel_loop3A_328 = arith.constant 0 : index
        %parallel_loop3A_329 = tpu.vector_load %arg8[%parallel_loop3A_326, %parallel_loop3A_327, %parallel_loop3A_328] {strides = array<i32>} : memref<1x128x128xf32, #tpu.memory_space<vmem>>, vector<16xf32>,
        tpu.vector_store %arg8[%parallel_loop3A_326, %parallel_loop3A_327, %parallel_loop3A_328], %parallel_loop3A_324 {strides = array<i32>} : memref<1x128x128xf32, #tpu.memory_space<vmem>>, vector<16xf32>,
        %parallel_loop3A_330 = vector.broadcast %parallel_loop3A_316 : i32 to vector<16xi32>
        %parallel_loop3A_331 = arith.addi %parallel_loop3A_330, %add3A_37 : vector<16xi32>
        %parallel_loop3A_332 = arith.cmpi sge, %parallel_loop3A_331, %add3A_79 : vector<16xi32>
        %parallel_loop3A_333 = arith.constant 16384 : i32
        %parallel_loop3A_334 = vector.broadcast %parallel_loop3A_333 : i32 to vector<16xi32>
        %parallel_loop3A_335 = arith.subi %parallel_loop3A_331, %parallel_loop3A_334 : vector<16xi32>
        %parallel_loop3A_336 = arith.select %parallel_loop3A_332, %parallel_loop3A_335, %parallel_loop3A_331 : vector<16xi1>, vector<16xi32>
        %parallel_loop3A_337 = tpu.vector_load_idx %arg5[%parallel_loop3A_336] : memref<16384xf32, #tpu.memory_space<vmem>>[vector<16xi32>], vector<16xf32>,
        %parallel_loop3A_338 = arith.constant 0 : i32
        %parallel_loop3A_339 = arith.index_cast %parallel_loop3A_338 : i32 to index
        %parallel_loop3A_340 = arith.index_cast %parallel_loop3A_314 : i32 to index
        %parallel_loop3A_341 = arith.constant 16 : index
        %parallel_loop3A_342 = tpu.vector_load %arg8[%parallel_loop3A_339, %parallel_loop3A_340, %parallel_loop3A_341] {strides = array<i32>} : memref<1x128x128xf32, #tpu.memory_space<vmem>>, vector<16xf32>,
        tpu.vector_store %arg8[%parallel_loop3A_339, %parallel_loop3A_340, %parallel_loop3A_341], %parallel_loop3A_337 {strides = array<i32>} : memref<1x128x128xf32, #tpu.memory_space<vmem>>, vector<16xf32>,
        %parallel_loop3A_343 = vector.broadcast %parallel_loop3A_316 : i32 to vector<16xi32>
        %parallel_loop3A_344 = arith.addi %parallel_loop3A_343, %add3A_43 : vector<16xi32>
        %parallel_loop3A_345 = arith.cmpi sge, %parallel_loop3A_344, %add3A_82 : vector<16xi32>
        %parallel_loop3A_346 = arith.constant 16384 : i32
        %parallel_loop3A_347 = vector.broadcast %parallel_loop3A_346 : i32 to vector<16xi32>
        %parallel_loop3A_348 = arith.subi %parallel_loop3A_344, %parallel_loop3A_347 : vector<16xi32>
        %parallel_loop3A_349 = arith.select %parallel_loop3A_345, %parallel_loop3A_348, %parallel_loop3A_344 : vector<16xi1>, vector<16xi32>
        %parallel_loop3A_350 = tpu.vector_load_idx %arg5[%parallel_loop3A_349] : memref<16384xf32, #tpu.memory_space<vmem>>[vector<16xi32>], vector<16xf32>,
        %parallel_loop3A_351 = arith.constant 0 : i32
        %parallel_loop3A_352 = arith.index_cast %parallel_loop3A_351 : i32 to index
        %parallel_loop3A_353 = arith.index_cast %parallel_loop3A_314 : i32 to index
        %parallel_loop3A_354 = arith.constant 32 : index
        %parallel_loop3A_355 = tpu.vector_load %arg8[%parallel_loop3A_352, %parallel_loop3A_353, %parallel_loop3A_354] {strides = array<i32>} : memref<1x128x128xf32, #tpu.memory_space<vmem>>, vector<16xf32>,
        tpu.vector_store %arg8[%parallel_loop3A_352, %parallel_loop3A_353, %parallel_loop3A_354], %parallel_loop3A_350 {strides = array<i32>} : memref<1x128x128xf32, #tpu.memory_space<vmem>>, vector<16xf32>,
        %parallel_loop3A_356 = vector.broadcast %parallel_loop3A_316 : i32 to vector<16xi32>
        %parallel_loop3A_357 = arith.addi %parallel_loop3A_356, %add3A_49 : vector<16xi32>
        %parallel_loop3A_358 = arith.cmpi sge, %parallel_loop3A_357, %add3A_85 : vector<16xi32>
        %parallel_loop3A_359 = arith.constant 16384 : i32
        %parallel_loop3A_360 = vector.broadcast %parallel_loop3A_359 : i32 to vector<16xi32>
        %parallel_loop3A_361 = arith.subi %parallel_loop3A_357, %parallel_loop3A_360 : vector<16xi32>
        %parallel_loop3A_362 = arith.select %parallel_loop3A_358, %parallel_loop3A_361, %parallel_loop3A_357 : vector<16xi1>, vector<16xi32>
        %parallel_loop3A_363 = tpu.vector_load_idx %arg5[%parallel_loop3A_362] : memref<16384xf32, #tpu.memory_space<vmem>>[vector<16xi32>], vector<16xf32>,
        %parallel_loop3A_364 = arith.constant 0 : i32
        %parallel_loop3A_365 = arith.index_cast %parallel_loop3A_364 : i32 to index
        %parallel_loop3A_366 = arith.index_cast %parallel_loop3A_314 : i32 to index
        %parallel_loop3A_367 = arith.constant 48 : index
        %parallel_loop3A_368 = tpu.vector_load %arg8[%parallel_loop3A_365, %parallel_loop3A_366, %parallel_loop3A_367] {strides = array<i32>} : memref<1x128x128xf32, #tpu.memory_space<vmem>>, vector<16xf32>,
        tpu.vector_store %arg8[%parallel_loop3A_365, %parallel_loop3A_366, %parallel_loop3A_367], %parallel_loop3A_363 {strides = array<i32>} : memref<1x128x128xf32, #tpu.memory_space<vmem>>, vector<16xf32>,
        %parallel_loop3A_369 = vector.broadcast %parallel_loop3A_316 : i32 to vector<16xi32>
        %parallel_loop3A_370 = arith.addi %parallel_loop3A_369, %add3A_55 : vector<16xi32>
        %parallel_loop3A_371 = arith.cmpi sge, %parallel_loop3A_370, %add3A_88 : vector<16xi32>
        %parallel_loop3A_372 = arith.constant 16384 : i32
        %parallel_loop3A_373 = vector.broadcast %parallel_loop3A_372 : i32 to vector<16xi32>
        %parallel_loop3A_374 = arith.subi %parallel_loop3A_370, %parallel_loop3A_373 : vector<16xi32>
        %parallel_loop3A_375 = arith.select %parallel_loop3A_371, %parallel_loop3A_374, %parallel_loop3A_370 : vector<16xi1>, vector<16xi32>
        %parallel_loop3A_376 = tpu.vector_load_idx %arg5[%parallel_loop3A_375] : memref<16384xf32, #tpu.memory_space<vmem>>[vector<16xi32>], vector<16xf32>,
        %parallel_loop3A_377 = arith.constant 0 : i32
        %parallel_loop3A_378 = arith.index_cast %parallel_loop3A_377 : i32 to index
        %parallel_loop3A_379 = arith.index_cast %parallel_loop3A_314 : i32 to index
        %parallel_loop3A_380 = arith.constant 64 : index
        %parallel_loop3A_381 = tpu.vector_load %arg8[%parallel_loop3A_378, %parallel_loop3A_379, %parallel_loop3A_380] {strides = array<i32>} : memref<1x128x128xf32, #tpu.memory_space<vmem>>, vector<16xf32>,
        tpu.vector_store %arg8[%parallel_loop3A_378, %parallel_loop3A_379, %parallel_loop3A_380], %parallel_loop3A_376 {strides = array<i32>} : memref<1x128x128xf32, #tpu.memory_space<vmem>>, vector<16xf32>,
        %parallel_loop3A_382 = vector.broadcast %parallel_loop3A_316 : i32 to vector<16xi32>
        %parallel_loop3A_383 = arith.addi %parallel_loop3A_382, %add3A_61 : vector<16xi32>
        %parallel_loop3A_384 = arith.cmpi sge, %parallel_loop3A_383, %add3A_91 : vector<16xi32>
        %parallel_loop3A_385 = arith.constant 16384 : i32
        %parallel_loop3A_386 = vector.broadcast %parallel_loop3A_385 : i32 to vector<16xi32>
        %parallel_loop3A_387 = arith.subi %parallel_loop3A_383, %parallel_loop3A_386 : vector<16xi32>
        %parallel_loop3A_388 = arith.select %parallel_loop3A_384, %parallel_loop3A_387, %parallel_loop3A_383 : vector<16xi1>, vector<16xi32>
        %parallel_loop3A_389 = tpu.vector_load_idx %arg5[%parallel_loop3A_388] : memref<16384xf32, #tpu.memory_space<vmem>>[vector<16xi32>], vector<16xf32>,
        %parallel_loop3A_390 = arith.constant 0 : i32
        %parallel_loop3A_391 = arith.index_cast %parallel_loop3A_390 : i32 to index
        %parallel_loop3A_392 = arith.index_cast %parallel_loop3A_314 : i32 to index
        %parallel_loop3A_393 = arith.constant 80 : index
        %parallel_loop3A_394 = tpu.vector_load %arg8[%parallel_loop3A_391, %parallel_loop3A_392, %parallel_loop3A_393] {strides = array<i32>} : memref<1x128x128xf32, #tpu.memory_space<vmem>>, vector<16xf32>,
        tpu.vector_store %arg8[%parallel_loop3A_391, %parallel_loop3A_392, %parallel_loop3A_393], %parallel_loop3A_389 {strides = array<i32>} : memref<1x128x128xf32, #tpu.memory_space<vmem>>, vector<16xf32>,
        %parallel_loop3A_395 = vector.broadcast %parallel_loop3A_316 : i32 to vector<16xi32>
        %parallel_loop3A_396 = arith.addi %parallel_loop3A_395, %add3A_67 : vector<16xi32>
        %parallel_loop3A_397 = arith.cmpi sge, %parallel_loop3A_396, %add3A_94 : vector<16xi32>
        %parallel_loop3A_398 = arith.constant 16384 : i32
        %parallel_loop3A_399 = vector.broadcast %parallel_loop3A_398 : i32 to vector<16xi32>
        %parallel_loop3A_400 = arith.subi %parallel_loop3A_396, %parallel_loop3A_399 : vector<16xi32>
        %parallel_loop3A_401 = arith.select %parallel_loop3A_397, %parallel_loop3A_400, %parallel_loop3A_396 : vector<16xi1>, vector<16xi32>
        %parallel_loop3A_402 = tpu.vector_load_idx %arg5[%parallel_loop3A_401] : memref<16384xf32, #tpu.memory_space<vmem>>[vector<16xi32>], vector<16xf32>,
        %parallel_loop3A_403 = arith.constant 0 : i32
        %parallel_loop3A_404 = arith.index_cast %parallel_loop3A_403 : i32 to index
        %parallel_loop3A_405 = arith.index_cast %parallel_loop3A_314 : i32 to index
        %parallel_loop3A_406 = arith.constant 96 : index
        %parallel_loop3A_407 = tpu.vector_load %arg8[%parallel_loop3A_404, %parallel_loop3A_405, %parallel_loop3A_406] {strides = array<i32>} : memref<1x128x128xf32, #tpu.memory_space<vmem>>, vector<16xf32>,
        tpu.vector_store %arg8[%parallel_loop3A_404, %parallel_loop3A_405, %parallel_loop3A_406], %parallel_loop3A_402 {strides = array<i32>} : memref<1x128x128xf32, #tpu.memory_space<vmem>>, vector<16xf32>,
        %parallel_loop3A_408 = vector.broadcast %parallel_loop3A_316 : i32 to vector<16xi32>
        %parallel_loop3A_409 = arith.addi %parallel_loop3A_408, %add3A_73 : vector<16xi32>
        %parallel_loop3A_410 = arith.cmpi sge, %parallel_loop3A_409, %add3A_97 : vector<16xi32>
        %parallel_loop3A_411 = arith.constant 16384 : i32
        %parallel_loop3A_412 = vector.broadcast %parallel_loop3A_411 : i32 to vector<16xi32>
        %parallel_loop3A_413 = arith.subi %parallel_loop3A_409, %parallel_loop3A_412 : vector<16xi32>
        %parallel_loop3A_414 = arith.select %parallel_loop3A_410, %parallel_loop3A_413, %parallel_loop3A_409 : vector<16xi1>, vector<16xi32>
        %parallel_loop3A_415 = tpu.vector_load_idx %arg5[%parallel_loop3A_414] : memref<16384xf32, #tpu.memory_space<vmem>>[vector<16xi32>], vector<16xf32>,
        %parallel_loop3A_416 = arith.constant 0 : i32
        %parallel_loop3A_417 = arith.index_cast %parallel_loop3A_416 : i32 to index
        %parallel_loop3A_418 = arith.index_cast %parallel_loop3A_314 : i32 to index
        %parallel_loop3A_419 = arith.constant 112 : index
        %parallel_loop3A_420 = tpu.vector_load %arg8[%parallel_loop3A_417, %parallel_loop3A_418, %parallel_loop3A_419] {strides = array<i32>} : memref<1x128x128xf32, #tpu.memory_space<vmem>>, vector<16xf32>,
        tpu.vector_store %arg8[%parallel_loop3A_417, %parallel_loop3A_418, %parallel_loop3A_419], %parallel_loop3A_415 {strides = array<i32>} : memref<1x128x128xf32, #tpu.memory_space<vmem>>, vector<16xf32>,
      } {sc.loop_unroll_factor = 4 : i64, sc.parallel_access}
      %dma_start3A_259 = arith.constant 0 : i32
      %dma_start3A_260 = arith.constant 0 : i32
      %dma_start3A_261 = arith.constant 0 : i32
      %dma_start3A_262 = tpu.memref_slice %arg3[%add3A_244, %dma_start3A_259, %dma_start3A_260, %dma_start3A_261] : memref<4096x1x128x128xf32, #tpu.memory_space<hbm>> -> memref<1x1x128x128xf32, #tpu.memory_space<hbm>>
      %dma_start3A_263 = tpu.memref_squeeze %dma_start3A_262 : memref<1x1x128x128xf32, #tpu.memory_space<hbm>> -> memref<1x128x128xf32, #tpu.memory_space<hbm>>
      %dma_start3A_264 = arith.constant 0 : i32
      %dma_start3A_265 = arith.constant 0 : i32
      %dma_start3A_266 = arith.constant 0 : i32
      %dma_start3A_267 = tpu.memref_slice %arg3[%add3A_244, %dma_start3A_264, %dma_start3A_265, %dma_start3A_266] : memref<4096x1x128x128xf32, #tpu.memory_space<hbm>> -> memref<1x1x128x128xf32, #tpu.memory_space<hbm>>
      %dma_start3A_268 = tpu.memref_squeeze %dma_start3A_267 : memref<1x1x128x128xf32, #tpu.memory_space<hbm>> -> memref<1x128x128xf32, #tpu.memory_space<hbm>>
      tpu.enqueue_dma source(%arg8 : memref<1x128x128xf32, #tpu.memory_space<vmem>>) target(%dma_start3A_268 : memref<1x128x128xf32, #tpu.memory_space<hbm>>) target_semaphore(%arg14 : memref<!tpu.dma_semaphore, #tpu.memory_space<semaphore_mem>>)
      %add3A_269 = arith.constant 3 : i32
      %add3A_270 = arith.addi %add3A_244, %add3A_269 : i32
      %add3A_271 = arith.constant 128 : i32
      %add3A_272 = arith.addi %mul3A_2, %add3A_271 : i32
      %lt3A_273 = arith.cmpi slt, %add3A_270, %add3A_272 : i32
      %convert_element_type3A_274 = arith.extui %lt3A_273 : i1 to i32
      %cond3A_275 = arith.constant 0 : i32
      %cond3A_276 = arith.cmpi ne, %convert_element_type3A_274, %cond3A_275 : i32
      scf.if %cond3A_276 {
        %add3A_314 = arith.constant 3 : i32
        %add3A_315 = arith.addi %add3A_244, %add3A_314 : i32
        %dma_start3A_316 = arith.constant 0 : i32
        %dma_start3A_317 = tpu.memref_slice %arg2[%add3A_315, %dma_start3A_316] : memref<4096x16384xf32, #tpu.memory_space<hbm>> -> memref<1x16384xf32, #tpu.memory_space<hbm>>
        %dma_start3A_318 = tpu.memref_squeeze %dma_start3A_317 : memref<1x16384xf32, #tpu.memory_space<hbm>> -> memref<16384xf32, #tpu.memory_space<hbm>>
        %dma_start3A_319 = arith.constant 0 : i32
        %dma_start3A_320 = tpu.memref_slice %arg2[%add3A_315, %dma_start3A_319] : memref<4096x16384xf32, #tpu.memory_space<hbm>> -> memref<1x16384xf32, #tpu.memory_space<hbm>>
        %dma_start3A_321 = tpu.memref_squeeze %dma_start3A_320 : memref<1x16384xf32, #tpu.memory_space<hbm>> -> memref<16384xf32, #tpu.memory_space<hbm>>
        tpu.enqueue_dma source(%dma_start3A_321 : memref<16384xf32, #tpu.memory_space<hbm>>) target(%arg5 : memref<16384xf32, #tpu.memory_space<vmem>>) target_semaphore(%arg11 : memref<!tpu.dma_semaphore, #tpu.memory_space<semaphore_mem>>)
      } else {
      }
      %mul3A_277 = arith.constant 3 : i32
      %mul3A_278 = arith.muli %scan3A_206, %mul3A_277 : i32
      %add3A_279 = arith.addi %mul3A_2, %mul3A_278 : i32
      %add3A_280 = arith.constant 2 : i32
      %add3A_281 = arith.addi %add3A_279, %add3A_280 : i32
      %dma_wait3A_282 = arith.constant 0 : i32
      %dma_wait3A_283 = tpu.memref_slice %arg2[%add3A_281, %dma_wait3A_282] : memref<4096x16384xf32, #tpu.memory_space<hbm>> -> memref<1x16384xf32, #tpu.memory_space<hbm>>
      %dma_wait3A_284 = tpu.memref_squeeze %dma_wait3A_283 : memref<1x16384xf32, #tpu.memory_space<hbm>> -> memref<16384xf32, #tpu.memory_space<hbm>>
      %dma_wait3A_285 = arith.constant 0 : i32
      %dma_wait3A_286 = tpu.memref_slice %arg2[%add3A_281, %dma_wait3A_285] : memref<4096x16384xf32, #tpu.memory_space<hbm>> -> memref<1x16384xf32, #tpu.memory_space<hbm>>
      %dma_wait3A_287 = tpu.memref_squeeze %dma_wait3A_286 : memref<1x16384xf32, #tpu.memory_space<hbm>> -> memref<16384xf32, #tpu.memory_space<hbm>>
      tpu.wait_dma2 semaphore(%arg12 : memref<!tpu.dma_semaphore, #tpu.memory_space<semaphore_mem>>) src(%dma_wait3A_287 : memref<16384xf32, #tpu.memory_space<hbm>>) dst(%arg6 : memref<16384xf32, #tpu.memory_space<vmem>>)
      %gt3A_288 = arith.constant 0 : i32
      %gt3A_289 = arith.cmpi sgt, %scan3A_206, %gt3A_288 : i32
      %convert_element_type3A_290 = arith.extui %gt3A_289 : i1 to i32
      %cond3A_291 = arith.constant 0 : i32
      %cond3A_292 = arith.cmpi ne, %convert_element_type3A_290, %cond3A_291 : i32
      scf.if %cond3A_292 {
        %sub3A_314 = arith.constant 3 : i32
        %sub3A_315 = arith.subi %add3A_281, %sub3A_314 : i32
        %dma_wait3A_316 = arith.constant 0 : i32
        %dma_wait3A_317 = arith.constant 0 : i32
        %dma_wait3A_318 = arith.constant 0 : i32
        %dma_wait3A_319 = tpu.memref_slice %arg3[%sub3A_315, %dma_wait3A_316, %dma_wait3A_317, %dma_wait3A_318] : memref<4096x1x128x128xf32, #tpu.memory_space<hbm>> -> memref<1x1x128x128xf32, #tpu.memory_space<hbm>>
        %dma_wait3A_320 = tpu.memref_squeeze %dma_wait3A_319 : memref<1x1x128x128xf32, #tpu.memory_space<hbm>> -> memref<1x128x128xf32, #tpu.memory_space<hbm>>
        %dma_wait3A_321 = arith.constant 0 : i32
        %dma_wait3A_322 = arith.constant 0 : i32
        %dma_wait3A_323 = arith.constant 0 : i32
        %dma_wait3A_324 = tpu.memref_slice %arg3[%sub3A_315, %dma_wait3A_321, %dma_wait3A_322, %dma_wait3A_323] : memref<4096x1x128x128xf32, #tpu.memory_space<hbm>> -> memref<1x1x128x128xf32, #tpu.memory_space<hbm>>
        %dma_wait3A_325 = tpu.memref_squeeze %dma_wait3A_324 : memref<1x1x128x128xf32, #tpu.memory_space<hbm>> -> memref<1x128x128xf32, #tpu.memory_space<hbm>>
        tpu.wait_dma2 semaphore(%arg15 : memref<!tpu.dma_semaphore, #tpu.memory_space<semaphore_mem>>) src(%arg9 : memref<1x128x128xf32, #tpu.memory_space<vmem>>) dst(%dma_wait3A_325 : memref<1x128x128xf32, #tpu.memory_space<hbm>>)
      } else {
      }
      %parallel_loop3A_293 = arith.constant 0 : i32
      %parallel_loop3A_294 = arith.constant 128 : i32
      %parallel_loop3A_295 = arith.constant 1 : i32
      scf.for %parallel_loop3A_314 = %parallel_loop3A_293 to %parallel_loop3A_294 step %parallel_loop3A_295  : i32 {
        %parallel_loop3A_315 = arith.constant 128 : i32
        %parallel_loop3A_316 = arith.muli %parallel_loop3A_314, %parallel_loop3A_315 : i32
        %parallel_loop3A_317 = vector.broadcast %parallel_loop3A_316 : i32 to vector<16xi32>
        %parallel_loop3A_318 = arith.addi %parallel_loop3A_317, %add3A_31 : vector<16xi32>
        %parallel_loop3A_319 = arith.cmpi sge, %parallel_loop3A_318, %add3A_76 : vector<16xi32>
        %parallel_loop3A_320 = arith.constant 16384 : i32
        %parallel_loop3A_321 = vector.broadcast %parallel_loop3A_320 : i32 to vector<16xi32>
        %parallel_loop3A_322 = arith.subi %parallel_loop3A_318, %parallel_loop3A_321 : vector<16xi32>
        %parallel_loop3A_323 = arith.select %parallel_loop3A_319, %parallel_loop3A_322, %parallel_loop3A_318 : vector<16xi1>, vector<16xi32>
        %parallel_loop3A_324 = tpu.vector_load_idx %arg6[%parallel_loop3A_323] : memref<16384xf32, #tpu.memory_space<vmem>>[vector<16xi32>], vector<16xf32>,
        %parallel_loop3A_325 = arith.constant 0 : i32
        %parallel_loop3A_326 = arith.index_cast %parallel_loop3A_325 : i32 to index
        %parallel_loop3A_327 = arith.index_cast %parallel_loop3A_314 : i32 to index
        %parallel_loop3A_328 = arith.constant 0 : index
        %parallel_loop3A_329 = tpu.vector_load %arg9[%parallel_loop3A_326, %parallel_loop3A_327, %parallel_loop3A_328] {strides = array<i32>} : memref<1x128x128xf32, #tpu.memory_space<vmem>>, vector<16xf32>,
        tpu.vector_store %arg9[%parallel_loop3A_326, %parallel_loop3A_327, %parallel_loop3A_328], %parallel_loop3A_324 {strides = array<i32>} : memref<1x128x128xf32, #tpu.memory_space<vmem>>, vector<16xf32>,
        %parallel_loop3A_330 = vector.broadcast %parallel_loop3A_316 : i32 to vector<16xi32>
        %parallel_loop3A_331 = arith.addi %parallel_loop3A_330, %add3A_37 : vector<16xi32>
        %parallel_loop3A_332 = arith.cmpi sge, %parallel_loop3A_331, %add3A_79 : vector<16xi32>
        %parallel_loop3A_333 = arith.constant 16384 : i32
        %parallel_loop3A_334 = vector.broadcast %parallel_loop3A_333 : i32 to vector<16xi32>
        %parallel_loop3A_335 = arith.subi %parallel_loop3A_331, %parallel_loop3A_334 : vector<16xi32>
        %parallel_loop3A_336 = arith.select %parallel_loop3A_332, %parallel_loop3A_335, %parallel_loop3A_331 : vector<16xi1>, vector<16xi32>
        %parallel_loop3A_337 = tpu.vector_load_idx %arg6[%parallel_loop3A_336] : memref<16384xf32, #tpu.memory_space<vmem>>[vector<16xi32>], vector<16xf32>,
        %parallel_loop3A_338 = arith.constant 0 : i32
        %parallel_loop3A_339 = arith.index_cast %parallel_loop3A_338 : i32 to index
        %parallel_loop3A_340 = arith.index_cast %parallel_loop3A_314 : i32 to index
        %parallel_loop3A_341 = arith.constant 16 : index
        %parallel_loop3A_342 = tpu.vector_load %arg9[%parallel_loop3A_339, %parallel_loop3A_340, %parallel_loop3A_341] {strides = array<i32>} : memref<1x128x128xf32, #tpu.memory_space<vmem>>, vector<16xf32>,
        tpu.vector_store %arg9[%parallel_loop3A_339, %parallel_loop3A_340, %parallel_loop3A_341], %parallel_loop3A_337 {strides = array<i32>} : memref<1x128x128xf32, #tpu.memory_space<vmem>>, vector<16xf32>,
        %parallel_loop3A_343 = vector.broadcast %parallel_loop3A_316 : i32 to vector<16xi32>
        %parallel_loop3A_344 = arith.addi %parallel_loop3A_343, %add3A_43 : vector<16xi32>
        %parallel_loop3A_345 = arith.cmpi sge, %parallel_loop3A_344, %add3A_82 : vector<16xi32>
        %parallel_loop3A_346 = arith.constant 16384 : i32
        %parallel_loop3A_347 = vector.broadcast %parallel_loop3A_346 : i32 to vector<16xi32>
        %parallel_loop3A_348 = arith.subi %parallel_loop3A_344, %parallel_loop3A_347 : vector<16xi32>
        %parallel_loop3A_349 = arith.select %parallel_loop3A_345, %parallel_loop3A_348, %parallel_loop3A_344 : vector<16xi1>, vector<16xi32>
        %parallel_loop3A_350 = tpu.vector_load_idx %arg6[%parallel_loop3A_349] : memref<16384xf32, #tpu.memory_space<vmem>>[vector<16xi32>], vector<16xf32>,
        %parallel_loop3A_351 = arith.constant 0 : i32
        %parallel_loop3A_352 = arith.index_cast %parallel_loop3A_351 : i32 to index
        %parallel_loop3A_353 = arith.index_cast %parallel_loop3A_314 : i32 to index
        %parallel_loop3A_354 = arith.constant 32 : index
        %parallel_loop3A_355 = tpu.vector_load %arg9[%parallel_loop3A_352, %parallel_loop3A_353, %parallel_loop3A_354] {strides = array<i32>} : memref<1x128x128xf32, #tpu.memory_space<vmem>>, vector<16xf32>,
        tpu.vector_store %arg9[%parallel_loop3A_352, %parallel_loop3A_353, %parallel_loop3A_354], %parallel_loop3A_350 {strides = array<i32>} : memref<1x128x128xf32, #tpu.memory_space<vmem>>, vector<16xf32>,
        %parallel_loop3A_356 = vector.broadcast %parallel_loop3A_316 : i32 to vector<16xi32>
        %parallel_loop3A_357 = arith.addi %parallel_loop3A_356, %add3A_49 : vector<16xi32>
        %parallel_loop3A_358 = arith.cmpi sge, %parallel_loop3A_357, %add3A_85 : vector<16xi32>
        %parallel_loop3A_359 = arith.constant 16384 : i32
        %parallel_loop3A_360 = vector.broadcast %parallel_loop3A_359 : i32 to vector<16xi32>
        %parallel_loop3A_361 = arith.subi %parallel_loop3A_357, %parallel_loop3A_360 : vector<16xi32>
        %parallel_loop3A_362 = arith.select %parallel_loop3A_358, %parallel_loop3A_361, %parallel_loop3A_357 : vector<16xi1>, vector<16xi32>
        %parallel_loop3A_363 = tpu.vector_load_idx %arg6[%parallel_loop3A_362] : memref<16384xf32, #tpu.memory_space<vmem>>[vector<16xi32>], vector<16xf32>,
        %parallel_loop3A_364 = arith.constant 0 : i32
        %parallel_loop3A_365 = arith.index_cast %parallel_loop3A_364 : i32 to index
        %parallel_loop3A_366 = arith.index_cast %parallel_loop3A_314 : i32 to index
        %parallel_loop3A_367 = arith.constant 48 : index
        %parallel_loop3A_368 = tpu.vector_load %arg9[%parallel_loop3A_365, %parallel_loop3A_366, %parallel_loop3A_367] {strides = array<i32>} : memref<1x128x128xf32, #tpu.memory_space<vmem>>, vector<16xf32>,
        tpu.vector_store %arg9[%parallel_loop3A_365, %parallel_loop3A_366, %parallel_loop3A_367], %parallel_loop3A_363 {strides = array<i32>} : memref<1x128x128xf32, #tpu.memory_space<vmem>>, vector<16xf32>,
        %parallel_loop3A_369 = vector.broadcast %parallel_loop3A_316 : i32 to vector<16xi32>
        %parallel_loop3A_370 = arith.addi %parallel_loop3A_369, %add3A_55 : vector<16xi32>
        %parallel_loop3A_371 = arith.cmpi sge, %parallel_loop3A_370, %add3A_88 : vector<16xi32>
        %parallel_loop3A_372 = arith.constant 16384 : i32
        %parallel_loop3A_373 = vector.broadcast %parallel_loop3A_372 : i32 to vector<16xi32>
        %parallel_loop3A_374 = arith.subi %parallel_loop3A_370, %parallel_loop3A_373 : vector<16xi32>
        %parallel_loop3A_375 = arith.select %parallel_loop3A_371, %parallel_loop3A_374, %parallel_loop3A_370 : vector<16xi1>, vector<16xi32>
        %parallel_loop3A_376 = tpu.vector_load_idx %arg6[%parallel_loop3A_375] : memref<16384xf32, #tpu.memory_space<vmem>>[vector<16xi32>], vector<16xf32>,
        %parallel_loop3A_377 = arith.constant 0 : i32
        %parallel_loop3A_378 = arith.index_cast %parallel_loop3A_377 : i32 to index
        %parallel_loop3A_379 = arith.index_cast %parallel_loop3A_314 : i32 to index
        %parallel_loop3A_380 = arith.constant 64 : index
        %parallel_loop3A_381 = tpu.vector_load %arg9[%parallel_loop3A_378, %parallel_loop3A_379, %parallel_loop3A_380] {strides = array<i32>} : memref<1x128x128xf32, #tpu.memory_space<vmem>>, vector<16xf32>,
        tpu.vector_store %arg9[%parallel_loop3A_378, %parallel_loop3A_379, %parallel_loop3A_380], %parallel_loop3A_376 {strides = array<i32>} : memref<1x128x128xf32, #tpu.memory_space<vmem>>, vector<16xf32>,
        %parallel_loop3A_382 = vector.broadcast %parallel_loop3A_316 : i32 to vector<16xi32>
        %parallel_loop3A_383 = arith.addi %parallel_loop3A_382, %add3A_61 : vector<16xi32>
        %parallel_loop3A_384 = arith.cmpi sge, %parallel_loop3A_383, %add3A_91 : vector<16xi32>
        %parallel_loop3A_385 = arith.constant 16384 : i32
        %parallel_loop3A_386 = vector.broadcast %parallel_loop3A_385 : i32 to vector<16xi32>
        %parallel_loop3A_387 = arith.subi %parallel_loop3A_383, %parallel_loop3A_386 : vector<16xi32>
        %parallel_loop3A_388 = arith.select %parallel_loop3A_384, %parallel_loop3A_387, %parallel_loop3A_383 : vector<16xi1>, vector<16xi32>
        %parallel_loop3A_389 = tpu.vector_load_idx %arg6[%parallel_loop3A_388] : memref<16384xf32, #tpu.memory_space<vmem>>[vector<16xi32>], vector<16xf32>,
        %parallel_loop3A_390 = arith.constant 0 : i32
        %parallel_loop3A_391 = arith.index_cast %parallel_loop3A_390 : i32 to index
        %parallel_loop3A_392 = arith.index_cast %parallel_loop3A_314 : i32 to index
        %parallel_loop3A_393 = arith.constant 80 : index
        %parallel_loop3A_394 = tpu.vector_load %arg9[%parallel_loop3A_391, %parallel_loop3A_392, %parallel_loop3A_393] {strides = array<i32>} : memref<1x128x128xf32, #tpu.memory_space<vmem>>, vector<16xf32>,
        tpu.vector_store %arg9[%parallel_loop3A_391, %parallel_loop3A_392, %parallel_loop3A_393], %parallel_loop3A_389 {strides = array<i32>} : memref<1x128x128xf32, #tpu.memory_space<vmem>>, vector<16xf32>,
        %parallel_loop3A_395 = vector.broadcast %parallel_loop3A_316 : i32 to vector<16xi32>
        %parallel_loop3A_396 = arith.addi %parallel_loop3A_395, %add3A_67 : vector<16xi32>
        %parallel_loop3A_397 = arith.cmpi sge, %parallel_loop3A_396, %add3A_94 : vector<16xi32>
        %parallel_loop3A_398 = arith.constant 16384 : i32
        %parallel_loop3A_399 = vector.broadcast %parallel_loop3A_398 : i32 to vector<16xi32>
        %parallel_loop3A_400 = arith.subi %parallel_loop3A_396, %parallel_loop3A_399 : vector<16xi32>
        %parallel_loop3A_401 = arith.select %parallel_loop3A_397, %parallel_loop3A_400, %parallel_loop3A_396 : vector<16xi1>, vector<16xi32>
        %parallel_loop3A_402 = tpu.vector_load_idx %arg6[%parallel_loop3A_401] : memref<16384xf32, #tpu.memory_space<vmem>>[vector<16xi32>], vector<16xf32>,
        %parallel_loop3A_403 = arith.constant 0 : i32
        %parallel_loop3A_404 = arith.index_cast %parallel_loop3A_403 : i32 to index
        %parallel_loop3A_405 = arith.index_cast %parallel_loop3A_314 : i32 to index
        %parallel_loop3A_406 = arith.constant 96 : index
        %parallel_loop3A_407 = tpu.vector_load %arg9[%parallel_loop3A_404, %parallel_loop3A_405, %parallel_loop3A_406] {strides = array<i32>} : memref<1x128x128xf32, #tpu.memory_space<vmem>>, vector<16xf32>,
        tpu.vector_store %arg9[%parallel_loop3A_404, %parallel_loop3A_405, %parallel_loop3A_406], %parallel_loop3A_402 {strides = array<i32>} : memref<1x128x128xf32, #tpu.memory_space<vmem>>, vector<16xf32>,
        %parallel_loop3A_408 = vector.broadcast %parallel_loop3A_316 : i32 to vector<16xi32>
        %parallel_loop3A_409 = arith.addi %parallel_loop3A_408, %add3A_73 : vector<16xi32>
        %parallel_loop3A_410 = arith.cmpi sge, %parallel_loop3A_409, %add3A_97 : vector<16xi32>
        %parallel_loop3A_411 = arith.constant 16384 : i32
        %parallel_loop3A_412 = vector.broadcast %parallel_loop3A_411 : i32 to vector<16xi32>
        %parallel_loop3A_413 = arith.subi %parallel_loop3A_409, %parallel_loop3A_412 : vector<16xi32>
        %parallel_loop3A_414 = arith.select %parallel_loop3A_410, %parallel_loop3A_413, %parallel_loop3A_409 : vector<16xi1>, vector<16xi32>
        %parallel_loop3A_415 = tpu.vector_load_idx %arg6[%parallel_loop3A_414] : memref<16384xf32, #tpu.memory_space<vmem>>[vector<16xi32>], vector<16xf32>,
        %parallel_loop3A_416 = arith.constant 0 : i32
        %parallel_loop3A_417 = arith.index_cast %parallel_loop3A_416 : i32 to index
        %parallel_loop3A_418 = arith.index_cast %parallel_loop3A_314 : i32 to index
        %parallel_loop3A_419 = arith.constant 112 : index
        %parallel_loop3A_420 = tpu.vector_load %arg9[%parallel_loop3A_417, %parallel_loop3A_418, %parallel_loop3A_419] {strides = array<i32>} : memref<1x128x128xf32, #tpu.memory_space<vmem>>, vector<16xf32>,
        tpu.vector_store %arg9[%parallel_loop3A_417, %parallel_loop3A_418, %parallel_loop3A_419], %parallel_loop3A_415 {strides = array<i32>} : memref<1x128x128xf32, #tpu.memory_space<vmem>>, vector<16xf32>,
      } {sc.loop_unroll_factor = 4 : i64, sc.parallel_access}
      %dma_start3A_296 = arith.constant 0 : i32
      %dma_start3A_297 = arith.constant 0 : i32
      %dma_start3A_298 = arith.constant 0 : i32
      %dma_start3A_299 = tpu.memref_slice %arg3[%add3A_281, %dma_start3A_296, %dma_start3A_297, %dma_start3A_298] : memref<4096x1x128x128xf32, #tpu.memory_space<hbm>> -> memref<1x1x128x128xf32, #tpu.memory_space<hbm>>
      %dma_start3A_300 = tpu.memref_squeeze %dma_start3A_299 : memref<1x1x128x128xf32, #tpu.memory_space<hbm>> -> memref<1x128x128xf32, #tpu.memory_space<hbm>>
      %dma_start3A_301 = arith.constant 0 : i32
      %dma_start3A_302 = arith.constant 0 : i32
      %dma_start3A_303 = arith.constant 0 : i32
      %dma_start3A_304 = tpu.memref_slice %arg3[%add3A_281, %dma_start3A_301, %dma_start3A_302, %dma_start3A_303] : memref<4096x1x128x128xf32, #tpu.memory_space<hbm>> -> memref<1x1x128x128xf32, #tpu.memory_space<hbm>>
      %dma_start3A_305 = tpu.memref_squeeze %dma_start3A_304 : memref<1x1x128x128xf32, #tpu.memory_space<hbm>> -> memref<1x128x128xf32, #tpu.memory_space<hbm>>
      tpu.enqueue_dma source(%arg9 : memref<1x128x128xf32, #tpu.memory_space<vmem>>) target(%dma_start3A_305 : memref<1x128x128xf32, #tpu.memory_space<hbm>>) target_semaphore(%arg15 : memref<!tpu.dma_semaphore, #tpu.memory_space<semaphore_mem>>)
      %add3A_306 = arith.constant 3 : i32
      %add3A_307 = arith.addi %add3A_281, %add3A_306 : i32
      %add3A_308 = arith.constant 128 : i32
      %add3A_309 = arith.addi %mul3A_2, %add3A_308 : i32
      %lt3A_310 = arith.cmpi slt, %add3A_307, %add3A_309 : i32
      %convert_element_type3A_311 = arith.extui %lt3A_310 : i1 to i32
      %cond3A_312 = arith.constant 0 : i32
      %cond3A_313 = arith.cmpi ne, %convert_element_type3A_311, %cond3A_312 : i32
      scf.if %cond3A_313 {
        %add3A_314 = arith.constant 3 : i32
        %add3A_315 = arith.addi %add3A_281, %add3A_314 : i32
        %dma_start3A_316 = arith.constant 0 : i32
        %dma_start3A_317 = tpu.memref_slice %arg2[%add3A_315, %dma_start3A_316] : memref<4096x16384xf32, #tpu.memory_space<hbm>> -> memref<1x16384xf32, #tpu.memory_space<hbm>>
        %dma_start3A_318 = tpu.memref_squeeze %dma_start3A_317 : memref<1x16384xf32, #tpu.memory_space<hbm>> -> memref<16384xf32, #tpu.memory_space<hbm>>
        %dma_start3A_319 = arith.constant 0 : i32
        %dma_start3A_320 = tpu.memref_slice %arg2[%add3A_315, %dma_start3A_319] : memref<4096x16384xf32, #tpu.memory_space<hbm>> -> memref<1x16384xf32, #tpu.memory_space<hbm>>
        %dma_start3A_321 = tpu.memref_squeeze %dma_start3A_320 : memref<1x16384xf32, #tpu.memory_space<hbm>> -> memref<16384xf32, #tpu.memory_space<hbm>>
        tpu.enqueue_dma source(%dma_start3A_321 : memref<16384xf32, #tpu.memory_space<hbm>>) target(%arg6 : memref<16384xf32, #tpu.memory_space<vmem>>) target_semaphore(%arg12 : memref<!tpu.dma_semaphore, #tpu.memory_space<semaphore_mem>>)
      } else {
      }
    }
    %scan3A_102 = arith.constant 42 : i32
    %add3A_103 = arith.constant 126 : i32
    %add3A_104 = arith.addi %mul3A_2, %add3A_103 : i32
    %add3A_105 = arith.constant 0 : i32
    %add3A_106 = arith.addi %add3A_104, %add3A_105 : i32
    %dma_wait3A = arith.constant 0 : i32
    %dma_wait3A_107 = tpu.memref_slice %arg2[%add3A_106, %dma_wait3A] : memref<4096x16384xf32, #tpu.memory_space<hbm>> -> memref<1x16384xf32, #tpu.memory_space<hbm>>
    %dma_wait3A_108 = tpu.memref_squeeze %dma_wait3A_107 : memref<1x16384xf32, #tpu.memory_space<hbm>> -> memref<16384xf32, #tpu.memory_space<hbm>>
    %dma_wait3A_109 = arith.constant 0 : i32
    %dma_wait3A_110 = tpu.memref_slice %arg2[%add3A_106, %dma_wait3A_109] : memref<4096x16384xf32, #tpu.memory_space<hbm>> -> memref<1x16384xf32, #tpu.memory_space<hbm>>
    %dma_wait3A_111 = tpu.memref_squeeze %dma_wait3A_110 : memref<1x16384xf32, #tpu.memory_space<hbm>> -> memref<16384xf32, #tpu.memory_space<hbm>>
    tpu.wait_dma2 semaphore(%arg10 : memref<!tpu.dma_semaphore, #tpu.memory_space<semaphore_mem>>) src(%dma_wait3A_111 : memref<16384xf32, #tpu.memory_space<hbm>>) dst(%arg4 : memref<16384xf32, #tpu.memory_space<vmem>>)
    %sub3A = arith.constant 3 : i32
    %sub3A_112 = arith.subi %add3A_106, %sub3A : i32
    %dma_wait3A_113 = arith.constant 0 : i32
    %dma_wait3A_114 = arith.constant 0 : i32
    %dma_wait3A_115 = arith.constant 0 : i32
    %dma_wait3A_116 = tpu.memref_slice %arg3[%sub3A_112, %dma_wait3A_113, %dma_wait3A_114, %dma_wait3A_115] : memref<4096x1x128x128xf32, #tpu.memory_space<hbm>> -> memref<1x1x128x128xf32, #tpu.memory_space<hbm>>
    %dma_wait3A_117 = tpu.memref_squeeze %dma_wait3A_116 : memref<1x1x128x128xf32, #tpu.memory_space<hbm>> -> memref<1x128x128xf32, #tpu.memory_space<hbm>>
    %dma_wait3A_118 = arith.constant 0 : i32
    %dma_wait3A_119 = arith.constant 0 : i32
    %dma_wait3A_120 = arith.constant 0 : i32
    %dma_wait3A_121 = tpu.memref_slice %arg3[%sub3A_112, %dma_wait3A_118, %dma_wait3A_119, %dma_wait3A_120] : memref<4096x1x128x128xf32, #tpu.memory_space<hbm>> -> memref<1x1x128x128xf32, #tpu.memory_space<hbm>>
    %dma_wait3A_122 = tpu.memref_squeeze %dma_wait3A_121 : memref<1x1x128x128xf32, #tpu.memory_space<hbm>> -> memref<1x128x128xf32, #tpu.memory_space<hbm>>
    tpu.wait_dma2 semaphore(%arg13 : memref<!tpu.dma_semaphore, #tpu.memory_space<semaphore_mem>>) src(%arg7 : memref<1x128x128xf32, #tpu.memory_space<vmem>>) dst(%dma_wait3A_122 : memref<1x128x128xf32, #tpu.memory_space<hbm>>)
    %parallel_loop3A = arith.constant 0 : i32
    %parallel_loop3A_123 = arith.constant 128 : i32
    %parallel_loop3A_124 = arith.constant 1 : i32
    scf.for %parallel_loop3A_206 = %parallel_loop3A to %parallel_loop3A_123 step %parallel_loop3A_124  : i32 {
      %parallel_loop3A_207 = arith.constant 128 : i32
      %parallel_loop3A_208 = arith.muli %parallel_loop3A_206, %parallel_loop3A_207 : i32
      %parallel_loop3A_209 = vector.broadcast %parallel_loop3A_208 : i32 to vector<16xi32>
      %parallel_loop3A_210 = arith.addi %parallel_loop3A_209, %add3A_31 : vector<16xi32>
      %parallel_loop3A_211 = arith.cmpi sge, %parallel_loop3A_210, %add3A_76 : vector<16xi32>
      %parallel_loop3A_212 = arith.constant 16384 : i32
      %parallel_loop3A_213 = vector.broadcast %parallel_loop3A_212 : i32 to vector<16xi32>
      %parallel_loop3A_214 = arith.subi %parallel_loop3A_210, %parallel_loop3A_213 : vector<16xi32>
      %parallel_loop3A_215 = arith.select %parallel_loop3A_211, %parallel_loop3A_214, %parallel_loop3A_210 : vector<16xi1>, vector<16xi32>
      %parallel_loop3A_216 = tpu.vector_load_idx %arg4[%parallel_loop3A_215] : memref<16384xf32, #tpu.memory_space<vmem>>[vector<16xi32>], vector<16xf32>,
      %parallel_loop3A_217 = arith.constant 0 : i32
      %parallel_loop3A_218 = arith.index_cast %parallel_loop3A_217 : i32 to index
      %parallel_loop3A_219 = arith.index_cast %parallel_loop3A_206 : i32 to index
      %parallel_loop3A_220 = arith.constant 0 : index
      %parallel_loop3A_221 = tpu.vector_load %arg7[%parallel_loop3A_218, %parallel_loop3A_219, %parallel_loop3A_220] {strides = array<i32>} : memref<1x128x128xf32, #tpu.memory_space<vmem>>, vector<16xf32>,
      tpu.vector_store %arg7[%parallel_loop3A_218, %parallel_loop3A_219, %parallel_loop3A_220], %parallel_loop3A_216 {strides = array<i32>} : memref<1x128x128xf32, #tpu.memory_space<vmem>>, vector<16xf32>,
      %parallel_loop3A_222 = vector.broadcast %parallel_loop3A_208 : i32 to vector<16xi32>
      %parallel_loop3A_223 = arith.addi %parallel_loop3A_222, %add3A_37 : vector<16xi32>
      %parallel_loop3A_224 = arith.cmpi sge, %parallel_loop3A_223, %add3A_79 : vector<16xi32>
      %parallel_loop3A_225 = arith.constant 16384 : i32
      %parallel_loop3A_226 = vector.broadcast %parallel_loop3A_225 : i32 to vector<16xi32>
      %parallel_loop3A_227 = arith.subi %parallel_loop3A_223, %parallel_loop3A_226 : vector<16xi32>
      %parallel_loop3A_228 = arith.select %parallel_loop3A_224, %parallel_loop3A_227, %parallel_loop3A_223 : vector<16xi1>, vector<16xi32>
      %parallel_loop3A_229 = tpu.vector_load_idx %arg4[%parallel_loop3A_228] : memref<16384xf32, #tpu.memory_space<vmem>>[vector<16xi32>], vector<16xf32>,
      %parallel_loop3A_230 = arith.constant 0 : i32
      %parallel_loop3A_231 = arith.index_cast %parallel_loop3A_230 : i32 to index
      %parallel_loop3A_232 = arith.index_cast %parallel_loop3A_206 : i32 to index
      %parallel_loop3A_233 = arith.constant 16 : index
      %parallel_loop3A_234 = tpu.vector_load %arg7[%parallel_loop3A_231, %parallel_loop3A_232, %parallel_loop3A_233] {strides = array<i32>} : memref<1x128x128xf32, #tpu.memory_space<vmem>>, vector<16xf32>,
      tpu.vector_store %arg7[%parallel_loop3A_231, %parallel_loop3A_232, %parallel_loop3A_233], %parallel_loop3A_229 {strides = array<i32>} : memref<1x128x128xf32, #tpu.memory_space<vmem>>, vector<16xf32>,
      %parallel_loop3A_235 = vector.broadcast %parallel_loop3A_208 : i32 to vector<16xi32>
      %parallel_loop3A_236 = arith.addi %parallel_loop3A_235, %add3A_43 : vector<16xi32>
      %parallel_loop3A_237 = arith.cmpi sge, %parallel_loop3A_236, %add3A_82 : vector<16xi32>
      %parallel_loop3A_238 = arith.constant 16384 : i32
      %parallel_loop3A_239 = vector.broadcast %parallel_loop3A_238 : i32 to vector<16xi32>
      %parallel_loop3A_240 = arith.subi %parallel_loop3A_236, %parallel_loop3A_239 : vector<16xi32>
      %parallel_loop3A_241 = arith.select %parallel_loop3A_237, %parallel_loop3A_240, %parallel_loop3A_236 : vector<16xi1>, vector<16xi32>
      %parallel_loop3A_242 = tpu.vector_load_idx %arg4[%parallel_loop3A_241] : memref<16384xf32, #tpu.memory_space<vmem>>[vector<16xi32>], vector<16xf32>,
      %parallel_loop3A_243 = arith.constant 0 : i32
      %parallel_loop3A_244 = arith.index_cast %parallel_loop3A_243 : i32 to index
      %parallel_loop3A_245 = arith.index_cast %parallel_loop3A_206 : i32 to index
      %parallel_loop3A_246 = arith.constant 32 : index
      %parallel_loop3A_247 = tpu.vector_load %arg7[%parallel_loop3A_244, %parallel_loop3A_245, %parallel_loop3A_246] {strides = array<i32>} : memref<1x128x128xf32, #tpu.memory_space<vmem>>, vector<16xf32>,
      tpu.vector_store %arg7[%parallel_loop3A_244, %parallel_loop3A_245, %parallel_loop3A_246], %parallel_loop3A_242 {strides = array<i32>} : memref<1x128x128xf32, #tpu.memory_space<vmem>>, vector<16xf32>,
      %parallel_loop3A_248 = vector.broadcast %parallel_loop3A_208 : i32 to vector<16xi32>
      %parallel_loop3A_249 = arith.addi %parallel_loop3A_248, %add3A_49 : vector<16xi32>
      %parallel_loop3A_250 = arith.cmpi sge, %parallel_loop3A_249, %add3A_85 : vector<16xi32>
      %parallel_loop3A_251 = arith.constant 16384 : i32
      %parallel_loop3A_252 = vector.broadcast %parallel_loop3A_251 : i32 to vector<16xi32>
      %parallel_loop3A_253 = arith.subi %parallel_loop3A_249, %parallel_loop3A_252 : vector<16xi32>
      %parallel_loop3A_254 = arith.select %parallel_loop3A_250, %parallel_loop3A_253, %parallel_loop3A_249 : vector<16xi1>, vector<16xi32>
      %parallel_loop3A_255 = tpu.vector_load_idx %arg4[%parallel_loop3A_254] : memref<16384xf32, #tpu.memory_space<vmem>>[vector<16xi32>], vector<16xf32>,
      %parallel_loop3A_256 = arith.constant 0 : i32
      %parallel_loop3A_257 = arith.index_cast %parallel_loop3A_256 : i32 to index
      %parallel_loop3A_258 = arith.index_cast %parallel_loop3A_206 : i32 to index
      %parallel_loop3A_259 = arith.constant 48 : index
      %parallel_loop3A_260 = tpu.vector_load %arg7[%parallel_loop3A_257, %parallel_loop3A_258, %parallel_loop3A_259] {strides = array<i32>} : memref<1x128x128xf32, #tpu.memory_space<vmem>>, vector<16xf32>,
      tpu.vector_store %arg7[%parallel_loop3A_257, %parallel_loop3A_258, %parallel_loop3A_259], %parallel_loop3A_255 {strides = array<i32>} : memref<1x128x128xf32, #tpu.memory_space<vmem>>, vector<16xf32>,
      %parallel_loop3A_261 = vector.broadcast %parallel_loop3A_208 : i32 to vector<16xi32>
      %parallel_loop3A_262 = arith.addi %parallel_loop3A_261, %add3A_55 : vector<16xi32>
      %parallel_loop3A_263 = arith.cmpi sge, %parallel_loop3A_262, %add3A_88 : vector<16xi32>
      %parallel_loop3A_264 = arith.constant 16384 : i32
      %parallel_loop3A_265 = vector.broadcast %parallel_loop3A_264 : i32 to vector<16xi32>
      %parallel_loop3A_266 = arith.subi %parallel_loop3A_262, %parallel_loop3A_265 : vector<16xi32>
      %parallel_loop3A_267 = arith.select %parallel_loop3A_263, %parallel_loop3A_266, %parallel_loop3A_262 : vector<16xi1>, vector<16xi32>
      %parallel_loop3A_268 = tpu.vector_load_idx %arg4[%parallel_loop3A_267] : memref<16384xf32, #tpu.memory_space<vmem>>[vector<16xi32>], vector<16xf32>,
      %parallel_loop3A_269 = arith.constant 0 : i32
      %parallel_loop3A_270 = arith.index_cast %parallel_loop3A_269 : i32 to index
      %parallel_loop3A_271 = arith.index_cast %parallel_loop3A_206 : i32 to index
      %parallel_loop3A_272 = arith.constant 64 : index
      %parallel_loop3A_273 = tpu.vector_load %arg7[%parallel_loop3A_270, %parallel_loop3A_271, %parallel_loop3A_272] {strides = array<i32>} : memref<1x128x128xf32, #tpu.memory_space<vmem>>, vector<16xf32>,
      tpu.vector_store %arg7[%parallel_loop3A_270, %parallel_loop3A_271, %parallel_loop3A_272], %parallel_loop3A_268 {strides = array<i32>} : memref<1x128x128xf32, #tpu.memory_space<vmem>>, vector<16xf32>,
      %parallel_loop3A_274 = vector.broadcast %parallel_loop3A_208 : i32 to vector<16xi32>
      %parallel_loop3A_275 = arith.addi %parallel_loop3A_274, %add3A_61 : vector<16xi32>
      %parallel_loop3A_276 = arith.cmpi sge, %parallel_loop3A_275, %add3A_91 : vector<16xi32>
      %parallel_loop3A_277 = arith.constant 16384 : i32
      %parallel_loop3A_278 = vector.broadcast %parallel_loop3A_277 : i32 to vector<16xi32>
      %parallel_loop3A_279 = arith.subi %parallel_loop3A_275, %parallel_loop3A_278 : vector<16xi32>
      %parallel_loop3A_280 = arith.select %parallel_loop3A_276, %parallel_loop3A_279, %parallel_loop3A_275 : vector<16xi1>, vector<16xi32>
      %parallel_loop3A_281 = tpu.vector_load_idx %arg4[%parallel_loop3A_280] : memref<16384xf32, #tpu.memory_space<vmem>>[vector<16xi32>], vector<16xf32>,
      %parallel_loop3A_282 = arith.constant 0 : i32
      %parallel_loop3A_283 = arith.index_cast %parallel_loop3A_282 : i32 to index
      %parallel_loop3A_284 = arith.index_cast %parallel_loop3A_206 : i32 to index
      %parallel_loop3A_285 = arith.constant 80 : index
      %parallel_loop3A_286 = tpu.vector_load %arg7[%parallel_loop3A_283, %parallel_loop3A_284, %parallel_loop3A_285] {strides = array<i32>} : memref<1x128x128xf32, #tpu.memory_space<vmem>>, vector<16xf32>,
      tpu.vector_store %arg7[%parallel_loop3A_283, %parallel_loop3A_284, %parallel_loop3A_285], %parallel_loop3A_281 {strides = array<i32>} : memref<1x128x128xf32, #tpu.memory_space<vmem>>, vector<16xf32>,
      %parallel_loop3A_287 = vector.broadcast %parallel_loop3A_208 : i32 to vector<16xi32>
      %parallel_loop3A_288 = arith.addi %parallel_loop3A_287, %add3A_67 : vector<16xi32>
      %parallel_loop3A_289 = arith.cmpi sge, %parallel_loop3A_288, %add3A_94 : vector<16xi32>
      %parallel_loop3A_290 = arith.constant 16384 : i32
      %parallel_loop3A_291 = vector.broadcast %parallel_loop3A_290 : i32 to vector<16xi32>
      %parallel_loop3A_292 = arith.subi %parallel_loop3A_288, %parallel_loop3A_291 : vector<16xi32>
      %parallel_loop3A_293 = arith.select %parallel_loop3A_289, %parallel_loop3A_292, %parallel_loop3A_288 : vector<16xi1>, vector<16xi32>
      %parallel_loop3A_294 = tpu.vector_load_idx %arg4[%parallel_loop3A_293] : memref<16384xf32, #tpu.memory_space<vmem>>[vector<16xi32>], vector<16xf32>,
      %parallel_loop3A_295 = arith.constant 0 : i32
      %parallel_loop3A_296 = arith.index_cast %parallel_loop3A_295 : i32 to index
      %parallel_loop3A_297 = arith.index_cast %parallel_loop3A_206 : i32 to index
      %parallel_loop3A_298 = arith.constant 96 : index
      %parallel_loop3A_299 = tpu.vector_load %arg7[%parallel_loop3A_296, %parallel_loop3A_297, %parallel_loop3A_298] {strides = array<i32>} : memref<1x128x128xf32, #tpu.memory_space<vmem>>, vector<16xf32>,
      tpu.vector_store %arg7[%parallel_loop3A_296, %parallel_loop3A_297, %parallel_loop3A_298], %parallel_loop3A_294 {strides = array<i32>} : memref<1x128x128xf32, #tpu.memory_space<vmem>>, vector<16xf32>,
      %parallel_loop3A_300 = vector.broadcast %parallel_loop3A_208 : i32 to vector<16xi32>
      %parallel_loop3A_301 = arith.addi %parallel_loop3A_300, %add3A_73 : vector<16xi32>
      %parallel_loop3A_302 = arith.cmpi sge, %parallel_loop3A_301, %add3A_97 : vector<16xi32>
      %parallel_loop3A_303 = arith.constant 16384 : i32
      %parallel_loop3A_304 = vector.broadcast %parallel_loop3A_303 : i32 to vector<16xi32>
      %parallel_loop3A_305 = arith.subi %parallel_loop3A_301, %parallel_loop3A_304 : vector<16xi32>
      %parallel_loop3A_306 = arith.select %parallel_loop3A_302, %parallel_loop3A_305, %parallel_loop3A_301 : vector<16xi1>, vector<16xi32>
      %parallel_loop3A_307 = tpu.vector_load_idx %arg4[%parallel_loop3A_306] : memref<16384xf32, #tpu.memory_space<vmem>>[vector<16xi32>], vector<16xf32>,
      %parallel_loop3A_308 = arith.constant 0 : i32
      %parallel_loop3A_309 = arith.index_cast %parallel_loop3A_308 : i32 to index
      %parallel_loop3A_310 = arith.index_cast %parallel_loop3A_206 : i32 to index
      %parallel_loop3A_311 = arith.constant 112 : index
      %parallel_loop3A_312 = tpu.vector_load %arg7[%parallel_loop3A_309, %parallel_loop3A_310, %parallel_loop3A_311] {strides = array<i32>} : memref<1x128x128xf32, #tpu.memory_space<vmem>>, vector<16xf32>,
      tpu.vector_store %arg7[%parallel_loop3A_309, %parallel_loop3A_310, %parallel_loop3A_311], %parallel_loop3A_307 {strides = array<i32>} : memref<1x128x128xf32, #tpu.memory_space<vmem>>, vector<16xf32>,
    } {sc.loop_unroll_factor = 4 : i64, sc.parallel_access}
    %dma_start3A_125 = arith.constant 0 : i32
    %dma_start3A_126 = arith.constant 0 : i32
    %dma_start3A_127 = arith.constant 0 : i32
    %dma_start3A_128 = tpu.memref_slice %arg3[%add3A_106, %dma_start3A_125, %dma_start3A_126, %dma_start3A_127] : memref<4096x1x128x128xf32, #tpu.memory_space<hbm>> -> memref<1x1x128x128xf32, #tpu.memory_space<hbm>>
    %dma_start3A_129 = tpu.memref_squeeze %dma_start3A_128 : memref<1x1x128x128xf32, #tpu.memory_space<hbm>> -> memref<1x128x128xf32, #tpu.memory_space<hbm>>
    %dma_start3A_130 = arith.constant 0 : i32
    %dma_start3A_131 = arith.constant 0 : i32
    %dma_start3A_132 = arith.constant 0 : i32
    %dma_start3A_133 = tpu.memref_slice %arg3[%add3A_106, %dma_start3A_130, %dma_start3A_131, %dma_start3A_132] : memref<4096x1x128x128xf32, #tpu.memory_space<hbm>> -> memref<1x1x128x128xf32, #tpu.memory_space<hbm>>
    %dma_start3A_134 = tpu.memref_squeeze %dma_start3A_133 : memref<1x1x128x128xf32, #tpu.memory_space<hbm>> -> memref<1x128x128xf32, #tpu.memory_space<hbm>>
    tpu.enqueue_dma source(%arg7 : memref<1x128x128xf32, #tpu.memory_space<vmem>>) target(%dma_start3A_134 : memref<1x128x128xf32, #tpu.memory_space<hbm>>) target_semaphore(%arg13 : memref<!tpu.dma_semaphore, #tpu.memory_space<semaphore_mem>>)
    %add3A_135 = arith.constant 126 : i32
    %add3A_136 = arith.addi %mul3A_2, %add3A_135 : i32
    %add3A_137 = arith.constant 1 : i32
    %add3A_138 = arith.addi %add3A_136, %add3A_137 : i32
    %dma_wait3A_139 = arith.constant 0 : i32
    %dma_wait3A_140 = tpu.memref_slice %arg2[%add3A_138, %dma_wait3A_139] : memref<4096x16384xf32, #tpu.memory_space<hbm>> -> memref<1x16384xf32, #tpu.memory_space<hbm>>
    %dma_wait3A_141 = tpu.memref_squeeze %dma_wait3A_140 : memref<1x16384xf32, #tpu.memory_space<hbm>> -> memref<16384xf32, #tpu.memory_space<hbm>>
    %dma_wait3A_142 = arith.constant 0 : i32
    %dma_wait3A_143 = tpu.memref_slice %arg2[%add3A_138, %dma_wait3A_142] : memref<4096x16384xf32, #tpu.memory_space<hbm>> -> memref<1x16384xf32, #tpu.memory_space<hbm>>
    %dma_wait3A_144 = tpu.memref_squeeze %dma_wait3A_143 : memref<1x16384xf32, #tpu.memory_space<hbm>> -> memref<16384xf32, #tpu.memory_space<hbm>>
    tpu.wait_dma2 semaphore(%arg11 : memref<!tpu.dma_semaphore, #tpu.memory_space<semaphore_mem>>) src(%dma_wait3A_144 : memref<16384xf32, #tpu.memory_space<hbm>>) dst(%arg5 : memref<16384xf32, #tpu.memory_space<vmem>>)
    %sub3A_145 = arith.constant 3 : i32
    %sub3A_146 = arith.subi %add3A_138, %sub3A_145 : i32
    %dma_wait3A_147 = arith.constant 0 : i32
    %dma_wait3A_148 = arith.constant 0 : i32
    %dma_wait3A_149 = arith.constant 0 : i32
    %dma_wait3A_150 = tpu.memref_slice %arg3[%sub3A_146, %dma_wait3A_147, %dma_wait3A_148, %dma_wait3A_149] : memref<4096x1x128x128xf32, #tpu.memory_space<hbm>> -> memref<1x1x128x128xf32, #tpu.memory_space<hbm>>
    %dma_wait3A_151 = tpu.memref_squeeze %dma_wait3A_150 : memref<1x1x128x128xf32, #tpu.memory_space<hbm>> -> memref<1x128x128xf32, #tpu.memory_space<hbm>>
    %dma_wait3A_152 = arith.constant 0 : i32
    %dma_wait3A_153 = arith.constant 0 : i32
    %dma_wait3A_154 = arith.constant 0 : i32
    %dma_wait3A_155 = tpu.memref_slice %arg3[%sub3A_146, %dma_wait3A_152, %dma_wait3A_153, %dma_wait3A_154] : memref<4096x1x128x128xf32, #tpu.memory_space<hbm>> -> memref<1x1x128x128xf32, #tpu.memory_space<hbm>>
    %dma_wait3A_156 = tpu.memref_squeeze %dma_wait3A_155 : memref<1x1x128x128xf32, #tpu.memory_space<hbm>> -> memref<1x128x128xf32, #tpu.memory_space<hbm>>
    tpu.wait_dma2 semaphore(%arg14 : memref<!tpu.dma_semaphore, #tpu.memory_space<semaphore_mem>>) src(%arg8 : memref<1x128x128xf32, #tpu.memory_space<vmem>>) dst(%dma_wait3A_156 : memref<1x128x128xf32, #tpu.memory_space<hbm>>)
    %parallel_loop3A_157 = arith.constant 0 : i32
    %parallel_loop3A_158 = arith.constant 128 : i32
    %parallel_loop3A_159 = arith.constant 1 : i32
    scf.for %parallel_loop3A_206 = %parallel_loop3A_157 to %parallel_loop3A_158 step %parallel_loop3A_159  : i32 {
      %parallel_loop3A_207 = arith.constant 128 : i32
      %parallel_loop3A_208 = arith.muli %parallel_loop3A_206, %parallel_loop3A_207 : i32
      %parallel_loop3A_209 = vector.broadcast %parallel_loop3A_208 : i32 to vector<16xi32>
      %parallel_loop3A_210 = arith.addi %parallel_loop3A_209, %add3A_31 : vector<16xi32>
      %parallel_loop3A_211 = arith.cmpi sge, %parallel_loop3A_210, %add3A_76 : vector<16xi32>
      %parallel_loop3A_212 = arith.constant 16384 : i32
      %parallel_loop3A_213 = vector.broadcast %parallel_loop3A_212 : i32 to vector<16xi32>
      %parallel_loop3A_214 = arith.subi %parallel_loop3A_210, %parallel_loop3A_213 : vector<16xi32>
      %parallel_loop3A_215 = arith.select %parallel_loop3A_211, %parallel_loop3A_214, %parallel_loop3A_210 : vector<16xi1>, vector<16xi32>
      %parallel_loop3A_216 = tpu.vector_load_idx %arg5[%parallel_loop3A_215] : memref<16384xf32, #tpu.memory_space<vmem>>[vector<16xi32>], vector<16xf32>,
      %parallel_loop3A_217 = arith.constant 0 : i32
      %parallel_loop3A_218 = arith.index_cast %parallel_loop3A_217 : i32 to index
      %parallel_loop3A_219 = arith.index_cast %parallel_loop3A_206 : i32 to index
      %parallel_loop3A_220 = arith.constant 0 : index
      %parallel_loop3A_221 = tpu.vector_load %arg8[%parallel_loop3A_218, %parallel_loop3A_219, %parallel_loop3A_220] {strides = array<i32>} : memref<1x128x128xf32, #tpu.memory_space<vmem>>, vector<16xf32>,
      tpu.vector_store %arg8[%parallel_loop3A_218, %parallel_loop3A_219, %parallel_loop3A_220], %parallel_loop3A_216 {strides = array<i32>} : memref<1x128x128xf32, #tpu.memory_space<vmem>>, vector<16xf32>,
      %parallel_loop3A_222 = vector.broadcast %parallel_loop3A_208 : i32 to vector<16xi32>
      %parallel_loop3A_223 = arith.addi %parallel_loop3A_222, %add3A_37 : vector<16xi32>
      %parallel_loop3A_224 = arith.cmpi sge, %parallel_loop3A_223, %add3A_79 : vector<16xi32>
      %parallel_loop3A_225 = arith.constant 16384 : i32
      %parallel_loop3A_226 = vector.broadcast %parallel_loop3A_225 : i32 to vector<16xi32>
      %parallel_loop3A_227 = arith.subi %parallel_loop3A_223, %parallel_loop3A_226 : vector<16xi32>
      %parallel_loop3A_228 = arith.select %parallel_loop3A_224, %parallel_loop3A_227, %parallel_loop3A_223 : vector<16xi1>, vector<16xi32>
      %parallel_loop3A_229 = tpu.vector_load_idx %arg5[%parallel_loop3A_228] : memref<16384xf32, #tpu.memory_space<vmem>>[vector<16xi32>], vector<16xf32>,
      %parallel_loop3A_230 = arith.constant 0 : i32
      %parallel_loop3A_231 = arith.index_cast %parallel_loop3A_230 : i32 to index
      %parallel_loop3A_232 = arith.index_cast %parallel_loop3A_206 : i32 to index
      %parallel_loop3A_233 = arith.constant 16 : index
      %parallel_loop3A_234 = tpu.vector_load %arg8[%parallel_loop3A_231, %parallel_loop3A_232, %parallel_loop3A_233] {strides = array<i32>} : memref<1x128x128xf32, #tpu.memory_space<vmem>>, vector<16xf32>,
      tpu.vector_store %arg8[%parallel_loop3A_231, %parallel_loop3A_232, %parallel_loop3A_233], %parallel_loop3A_229 {strides = array<i32>} : memref<1x128x128xf32, #tpu.memory_space<vmem>>, vector<16xf32>,
      %parallel_loop3A_235 = vector.broadcast %parallel_loop3A_208 : i32 to vector<16xi32>
      %parallel_loop3A_236 = arith.addi %parallel_loop3A_235, %add3A_43 : vector<16xi32>
      %parallel_loop3A_237 = arith.cmpi sge, %parallel_loop3A_236, %add3A_82 : vector<16xi32>
      %parallel_loop3A_238 = arith.constant 16384 : i32
      %parallel_loop3A_239 = vector.broadcast %parallel_loop3A_238 : i32 to vector<16xi32>
      %parallel_loop3A_240 = arith.subi %parallel_loop3A_236, %parallel_loop3A_239 : vector<16xi32>
      %parallel_loop3A_241 = arith.select %parallel_loop3A_237, %parallel_loop3A_240, %parallel_loop3A_236 : vector<16xi1>, vector<16xi32>
      %parallel_loop3A_242 = tpu.vector_load_idx %arg5[%parallel_loop3A_241] : memref<16384xf32, #tpu.memory_space<vmem>>[vector<16xi32>], vector<16xf32>,
      %parallel_loop3A_243 = arith.constant 0 : i32
      %parallel_loop3A_244 = arith.index_cast %parallel_loop3A_243 : i32 to index
      %parallel_loop3A_245 = arith.index_cast %parallel_loop3A_206 : i32 to index
      %parallel_loop3A_246 = arith.constant 32 : index
      %parallel_loop3A_247 = tpu.vector_load %arg8[%parallel_loop3A_244, %parallel_loop3A_245, %parallel_loop3A_246] {strides = array<i32>} : memref<1x128x128xf32, #tpu.memory_space<vmem>>, vector<16xf32>,
      tpu.vector_store %arg8[%parallel_loop3A_244, %parallel_loop3A_245, %parallel_loop3A_246], %parallel_loop3A_242 {strides = array<i32>} : memref<1x128x128xf32, #tpu.memory_space<vmem>>, vector<16xf32>,
      %parallel_loop3A_248 = vector.broadcast %parallel_loop3A_208 : i32 to vector<16xi32>
      %parallel_loop3A_249 = arith.addi %parallel_loop3A_248, %add3A_49 : vector<16xi32>
      %parallel_loop3A_250 = arith.cmpi sge, %parallel_loop3A_249, %add3A_85 : vector<16xi32>
      %parallel_loop3A_251 = arith.constant 16384 : i32
      %parallel_loop3A_252 = vector.broadcast %parallel_loop3A_251 : i32 to vector<16xi32>
      %parallel_loop3A_253 = arith.subi %parallel_loop3A_249, %parallel_loop3A_252 : vector<16xi32>
      %parallel_loop3A_254 = arith.select %parallel_loop3A_250, %parallel_loop3A_253, %parallel_loop3A_249 : vector<16xi1>, vector<16xi32>
      %parallel_loop3A_255 = tpu.vector_load_idx %arg5[%parallel_loop3A_254] : memref<16384xf32, #tpu.memory_space<vmem>>[vector<16xi32>], vector<16xf32>,
      %parallel_loop3A_256 = arith.constant 0 : i32
      %parallel_loop3A_257 = arith.index_cast %parallel_loop3A_256 : i32 to index
      %parallel_loop3A_258 = arith.index_cast %parallel_loop3A_206 : i32 to index
      %parallel_loop3A_259 = arith.constant 48 : index
      %parallel_loop3A_260 = tpu.vector_load %arg8[%parallel_loop3A_257, %parallel_loop3A_258, %parallel_loop3A_259] {strides = array<i32>} : memref<1x128x128xf32, #tpu.memory_space<vmem>>, vector<16xf32>,
      tpu.vector_store %arg8[%parallel_loop3A_257, %parallel_loop3A_258, %parallel_loop3A_259], %parallel_loop3A_255 {strides = array<i32>} : memref<1x128x128xf32, #tpu.memory_space<vmem>>, vector<16xf32>,
      %parallel_loop3A_261 = vector.broadcast %parallel_loop3A_208 : i32 to vector<16xi32>
      %parallel_loop3A_262 = arith.addi %parallel_loop3A_261, %add3A_55 : vector<16xi32>
      %parallel_loop3A_263 = arith.cmpi sge, %parallel_loop3A_262, %add3A_88 : vector<16xi32>
      %parallel_loop3A_264 = arith.constant 16384 : i32
      %parallel_loop3A_265 = vector.broadcast %parallel_loop3A_264 : i32 to vector<16xi32>
      %parallel_loop3A_266 = arith.subi %parallel_loop3A_262, %parallel_loop3A_265 : vector<16xi32>
      %parallel_loop3A_267 = arith.select %parallel_loop3A_263, %parallel_loop3A_266, %parallel_loop3A_262 : vector<16xi1>, vector<16xi32>
      %parallel_loop3A_268 = tpu.vector_load_idx %arg5[%parallel_loop3A_267] : memref<16384xf32, #tpu.memory_space<vmem>>[vector<16xi32>], vector<16xf32>,
      %parallel_loop3A_269 = arith.constant 0 : i32
      %parallel_loop3A_270 = arith.index_cast %parallel_loop3A_269 : i32 to index
      %parallel_loop3A_271 = arith.index_cast %parallel_loop3A_206 : i32 to index
      %parallel_loop3A_272 = arith.constant 64 : index
      %parallel_loop3A_273 = tpu.vector_load %arg8[%parallel_loop3A_270, %parallel_loop3A_271, %parallel_loop3A_272] {strides = array<i32>} : memref<1x128x128xf32, #tpu.memory_space<vmem>>, vector<16xf32>,
      tpu.vector_store %arg8[%parallel_loop3A_270, %parallel_loop3A_271, %parallel_loop3A_272], %parallel_loop3A_268 {strides = array<i32>} : memref<1x128x128xf32, #tpu.memory_space<vmem>>, vector<16xf32>,
      %parallel_loop3A_274 = vector.broadcast %parallel_loop3A_208 : i32 to vector<16xi32>
      %parallel_loop3A_275 = arith.addi %parallel_loop3A_274, %add3A_61 : vector<16xi32>
      %parallel_loop3A_276 = arith.cmpi sge, %parallel_loop3A_275, %add3A_91 : vector<16xi32>
      %parallel_loop3A_277 = arith.constant 16384 : i32
      %parallel_loop3A_278 = vector.broadcast %parallel_loop3A_277 : i32 to vector<16xi32>
      %parallel_loop3A_279 = arith.subi %parallel_loop3A_275, %parallel_loop3A_278 : vector<16xi32>
      %parallel_loop3A_280 = arith.select %parallel_loop3A_276, %parallel_loop3A_279, %parallel_loop3A_275 : vector<16xi1>, vector<16xi32>
      %parallel_loop3A_281 = tpu.vector_load_idx %arg5[%parallel_loop3A_280] : memref<16384xf32, #tpu.memory_space<vmem>>[vector<16xi32>], vector<16xf32>,
      %parallel_loop3A_282 = arith.constant 0 : i32
      %parallel_loop3A_283 = arith.index_cast %parallel_loop3A_282 : i32 to index
      %parallel_loop3A_284 = arith.index_cast %parallel_loop3A_206 : i32 to index
      %parallel_loop3A_285 = arith.constant 80 : index
      %parallel_loop3A_286 = tpu.vector_load %arg8[%parallel_loop3A_283, %parallel_loop3A_284, %parallel_loop3A_285] {strides = array<i32>} : memref<1x128x128xf32, #tpu.memory_space<vmem>>, vector<16xf32>,
      tpu.vector_store %arg8[%parallel_loop3A_283, %parallel_loop3A_284, %parallel_loop3A_285], %parallel_loop3A_281 {strides = array<i32>} : memref<1x128x128xf32, #tpu.memory_space<vmem>>, vector<16xf32>,
      %parallel_loop3A_287 = vector.broadcast %parallel_loop3A_208 : i32 to vector<16xi32>
      %parallel_loop3A_288 = arith.addi %parallel_loop3A_287, %add3A_67 : vector<16xi32>
      %parallel_loop3A_289 = arith.cmpi sge, %parallel_loop3A_288, %add3A_94 : vector<16xi32>
      %parallel_loop3A_290 = arith.constant 16384 : i32
      %parallel_loop3A_291 = vector.broadcast %parallel_loop3A_290 : i32 to vector<16xi32>
      %parallel_loop3A_292 = arith.subi %parallel_loop3A_288, %parallel_loop3A_291 : vector<16xi32>
      %parallel_loop3A_293 = arith.select %parallel_loop3A_289, %parallel_loop3A_292, %parallel_loop3A_288 : vector<16xi1>, vector<16xi32>
      %parallel_loop3A_294 = tpu.vector_load_idx %arg5[%parallel_loop3A_293] : memref<16384xf32, #tpu.memory_space<vmem>>[vector<16xi32>], vector<16xf32>,
      %parallel_loop3A_295 = arith.constant 0 : i32
      %parallel_loop3A_296 = arith.index_cast %parallel_loop3A_295 : i32 to index
      %parallel_loop3A_297 = arith.index_cast %parallel_loop3A_206 : i32 to index
      %parallel_loop3A_298 = arith.constant 96 : index
      %parallel_loop3A_299 = tpu.vector_load %arg8[%parallel_loop3A_296, %parallel_loop3A_297, %parallel_loop3A_298] {strides = array<i32>} : memref<1x128x128xf32, #tpu.memory_space<vmem>>, vector<16xf32>,
      tpu.vector_store %arg8[%parallel_loop3A_296, %parallel_loop3A_297, %parallel_loop3A_298], %parallel_loop3A_294 {strides = array<i32>} : memref<1x128x128xf32, #tpu.memory_space<vmem>>, vector<16xf32>,
      %parallel_loop3A_300 = vector.broadcast %parallel_loop3A_208 : i32 to vector<16xi32>
      %parallel_loop3A_301 = arith.addi %parallel_loop3A_300, %add3A_73 : vector<16xi32>
      %parallel_loop3A_302 = arith.cmpi sge, %parallel_loop3A_301, %add3A_97 : vector<16xi32>
      %parallel_loop3A_303 = arith.constant 16384 : i32
      %parallel_loop3A_304 = vector.broadcast %parallel_loop3A_303 : i32 to vector<16xi32>
      %parallel_loop3A_305 = arith.subi %parallel_loop3A_301, %parallel_loop3A_304 : vector<16xi32>
      %parallel_loop3A_306 = arith.select %parallel_loop3A_302, %parallel_loop3A_305, %parallel_loop3A_301 : vector<16xi1>, vector<16xi32>
      %parallel_loop3A_307 = tpu.vector_load_idx %arg5[%parallel_loop3A_306] : memref<16384xf32, #tpu.memory_space<vmem>>[vector<16xi32>], vector<16xf32>,
      %parallel_loop3A_308 = arith.constant 0 : i32
      %parallel_loop3A_309 = arith.index_cast %parallel_loop3A_308 : i32 to index
      %parallel_loop3A_310 = arith.index_cast %parallel_loop3A_206 : i32 to index
      %parallel_loop3A_311 = arith.constant 112 : index
      %parallel_loop3A_312 = tpu.vector_load %arg8[%parallel_loop3A_309, %parallel_loop3A_310, %parallel_loop3A_311] {strides = array<i32>} : memref<1x128x128xf32, #tpu.memory_space<vmem>>, vector<16xf32>,
      tpu.vector_store %arg8[%parallel_loop3A_309, %parallel_loop3A_310, %parallel_loop3A_311], %parallel_loop3A_307 {strides = array<i32>} : memref<1x128x128xf32, #tpu.memory_space<vmem>>, vector<16xf32>,
    } {sc.loop_unroll_factor = 4 : i64, sc.parallel_access}
    %dma_start3A_160 = arith.constant 0 : i32
    %dma_start3A_161 = arith.constant 0 : i32
    %dma_start3A_162 = arith.constant 0 : i32
    %dma_start3A_163 = tpu.memref_slice %arg3[%add3A_138, %dma_start3A_160, %dma_start3A_161, %dma_start3A_162] : memref<4096x1x128x128xf32, #tpu.memory_space<hbm>> -> memref<1x1x128x128xf32, #tpu.memory_space<hbm>>
    %dma_start3A_164 = tpu.memref_squeeze %dma_start3A_163 : memref<1x1x128x128xf32, #tpu.memory_space<hbm>> -> memref<1x128x128xf32, #tpu.memory_space<hbm>>
    %dma_start3A_165 = arith.constant 0 : i32
    %dma_start3A_166 = arith.constant 0 : i32
    %dma_start3A_167 = arith.constant 0 : i32
    %dma_start3A_168 = tpu.memref_slice %arg3[%add3A_138, %dma_start3A_165, %dma_start3A_166, %dma_start3A_167] : memref<4096x1x128x128xf32, #tpu.memory_space<hbm>> -> memref<1x1x128x128xf32, #tpu.memory_space<hbm>>
    %dma_start3A_169 = tpu.memref_squeeze %dma_start3A_168 : memref<1x1x128x128xf32, #tpu.memory_space<hbm>> -> memref<1x128x128xf32, #tpu.memory_space<hbm>>
    tpu.enqueue_dma source(%arg8 : memref<1x128x128xf32, #tpu.memory_space<vmem>>) target(%dma_start3A_169 : memref<1x128x128xf32, #tpu.memory_space<hbm>>) target_semaphore(%arg14 : memref<!tpu.dma_semaphore, #tpu.memory_space<semaphore_mem>>)
    %add3A_170 = arith.constant 125 : i32
    %add3A_171 = arith.addi %mul3A_2, %add3A_170 : i32
    %dma_wait3A_172 = arith.constant 0 : i32
    %dma_wait3A_173 = arith.constant 0 : i32
    %dma_wait3A_174 = arith.constant 0 : i32
    %dma_wait3A_175 = tpu.memref_slice %arg3[%add3A_171, %dma_wait3A_172, %dma_wait3A_173, %dma_wait3A_174] : memref<4096x1x128x128xf32, #tpu.memory_space<hbm>> -> memref<1x1x128x128xf32, #tpu.memory_space<hbm>>
    %dma_wait3A_176 = tpu.memref_squeeze %dma_wait3A_175 : memref<1x1x128x128xf32, #tpu.memory_space<hbm>> -> memref<1x128x128xf32, #tpu.memory_space<hbm>>
    %dma_wait3A_177 = arith.constant 0 : i32
    %dma_wait3A_178 = arith.constant 0 : i32
    %dma_wait3A_179 = arith.constant 0 : i32
    %dma_wait3A_180 = tpu.memref_slice %arg3[%add3A_171, %dma_wait3A_177, %dma_wait3A_178, %dma_wait3A_179] : memref<4096x1x128x128xf32, #tpu.memory_space<hbm>> -> memref<1x1x128x128xf32, #tpu.memory_space<hbm>>
    %dma_wait3A_181 = tpu.memref_squeeze %dma_wait3A_180 : memref<1x1x128x128xf32, #tpu.memory_space<hbm>> -> memref<1x128x128xf32, #tpu.memory_space<hbm>>
    tpu.wait_dma2 semaphore(%arg15 : memref<!tpu.dma_semaphore, #tpu.memory_space<semaphore_mem>>) src(%arg9 : memref<1x128x128xf32, #tpu.memory_space<vmem>>) dst(%dma_wait3A_181 : memref<1x128x128xf32, #tpu.memory_space<hbm>>)
    %add3A_182 = arith.constant 126 : i32
    %add3A_183 = arith.addi %mul3A_2, %add3A_182 : i32
    %dma_wait3A_184 = arith.constant 0 : i32
    %dma_wait3A_185 = arith.constant 0 : i32
    %dma_wait3A_186 = arith.constant 0 : i32
    %dma_wait3A_187 = tpu.memref_slice %arg3[%add3A_183, %dma_wait3A_184, %dma_wait3A_185, %dma_wait3A_186] : memref<4096x1x128x128xf32, #tpu.memory_space<hbm>> -> memref<1x1x128x128xf32, #tpu.memory_space<hbm>>
    %dma_wait3A_188 = tpu.memref_squeeze %dma_wait3A_187 : memref<1x1x128x128xf32, #tpu.memory_space<hbm>> -> memref<1x128x128xf32, #tpu.memory_space<hbm>>
    %dma_wait3A_189 = arith.constant 0 : i32
    %dma_wait3A_190 = arith.constant 0 : i32
    %dma_wait3A_191 = arith.constant 0 : i32
    %dma_wait3A_192 = tpu.memref_slice %arg3[%add3A_183, %dma_wait3A_189, %dma_wait3A_190, %dma_wait3A_191] : memref<4096x1x128x128xf32, #tpu.memory_space<hbm>> -> memref<1x1x128x128xf32, #tpu.memory_space<hbm>>
    %dma_wait3A_193 = tpu.memref_squeeze %dma_wait3A_192 : memref<1x1x128x128xf32, #tpu.memory_space<hbm>> -> memref<1x128x128xf32, #tpu.memory_space<hbm>>
    tpu.wait_dma2 semaphore(%arg13 : memref<!tpu.dma_semaphore, #tpu.memory_space<semaphore_mem>>) src(%arg7 : memref<1x128x128xf32, #tpu.memory_space<vmem>>) dst(%dma_wait3A_193 : memref<1x128x128xf32, #tpu.memory_space<hbm>>)
    %add3A_194 = arith.constant 127 : i32
    %add3A_195 = arith.addi %mul3A_2, %add3A_194 : i32
    %dma_wait3A_196 = arith.constant 0 : i32
    %dma_wait3A_197 = arith.constant 0 : i32
    %dma_wait3A_198 = arith.constant 0 : i32
    %dma_wait3A_199 = tpu.memref_slice %arg3[%add3A_195, %dma_wait3A_196, %dma_wait3A_197, %dma_wait3A_198] : memref<4096x1x128x128xf32, #tpu.memory_space<hbm>> -> memref<1x1x128x128xf32, #tpu.memory_space<hbm>>
    %dma_wait3A_200 = tpu.memref_squeeze %dma_wait3A_199 : memref<1x1x128x128xf32, #tpu.memory_space<hbm>> -> memref<1x128x128xf32, #tpu.memory_space<hbm>>
    %dma_wait3A_201 = arith.constant 0 : i32
    %dma_wait3A_202 = arith.constant 0 : i32
    %dma_wait3A_203 = arith.constant 0 : i32
    %dma_wait3A_204 = tpu.memref_slice %arg3[%add3A_195, %dma_wait3A_201, %dma_wait3A_202, %dma_wait3A_203] : memref<4096x1x128x128xf32, #tpu.memory_space<hbm>> -> memref<1x1x128x128xf32, #tpu.memory_space<hbm>>
    %dma_wait3A_205 = tpu.memref_squeeze %dma_wait3A_204 : memref<1x1x128x128xf32, #tpu.memory_space<hbm>> -> memref<1x128x128xf32, #tpu.memory_space<hbm>>
    tpu.wait_dma2 semaphore(%arg14 : memref<!tpu.dma_semaphore, #tpu.memory_space<semaphore_mem>>) src(%arg8 : memref<1x128x128xf32, #tpu.memory_space<vmem>>) dst(%dma_wait3A_205 : memref<1x128x128xf32, #tpu.memory_space<hbm>>)
    return
  }
}

</mosaic_0001>

<sc_bundles>
// kernel: kernel.3.cloned.1.call-start
scs
__scs_entry_jumppad:
0x0: {  	(pc) =	sbr.rel $0x88, $3  }
0x1: {  	(tag) =	ssettag $0x0;
	lr =	simm.s32 $0x1  }
0x2: {  	[smem:$0x3FA0] =	sst lr;
	_ =	strace $0xD0000000  }
0x3: {  	_ = 	snop  }
0x4: {  	_ = 	snop  }
0x5: {  	_ = 	snop  }
0x6: {  	_ = 	snop  }
0x7: {  	_ = 	snop  }
__scs_overlays_trampoline_lowered:
0x8: {  	[smem:$0x3FAF] =	sst s0  }
0x9: {  	[smem:$0x3FB0] =	sst s1  }
0xa: {  	[smem:$0x3FB1] =	sst s2  }
0xb: {  	[smem:$0x3FB2] =	sst s3  }
0xc: {  	[smem:$0x3FB3] =	sst s4  }
0xd: {  	[smem:$0x3FB4] =	sst s5  }
0xe: {  	[smem:$0x3FB5] =	sst s6  }
0xf: {  	[smem:$0x3FB6] =	sst s7  }
0x10: {  	[smem:$0x3FB7] =	sst s8  }
0x11: {  	[smem:$0x3FB8] =	sst s9;
	s0 =	simm.s32 @!p0 $0x0  }
0x12: {  	s1 =	sld [smem:$0x3F9E];
	s0 =	simm.s32 @p0 $0x1  }
0x13: {  	[smem:$0x3FB9] =	sst s0;
	s0 =	simm.s32 @!p1 $0x0  }
0x14: {  	s2 =	sld [smem:$0x3F9D];
	s0 =	simm.s32 @p1 $0x1  }
0x15: {  	[smem:$0x3FBA] =	sst s0;
	s0 =	simm.s32 @!p2 $0x0  }
0x16: {  	s3 =	sld [smem:$0x3FDB];
	s0 =	simm.s32 @p2 $0x1  }
0x17: {  	s4 =	simm.s32 $0x1BF5;
	[smem:$0x3FBC] =	sst s0  }
0x18: {  	s0 =	sld [smem:$0x3F9F];
	_ =	swait.ge [sflag:s4], $0x0  }
0x19: {  	s7 =	sld [smem:$0x3FA0]  }
0x1a: {  	s8 =	sadd.s32 $0xFFFFE003, lr  }
0x1b: {  	s9 =	sadd.s32 $0xFFFFFEF7, lr;
	s5 =	simm.s32 $0xFFFFFFFF;
	p2 =	slt.u32 s8, $0xFFFFF086  }
0x1c: {  	p1 =	slt.u32 s9, $0xF7A;
	s5 =	simm.s32 @!p2 $0x0  }
0x1d: {  	s5 =	simm.s32 @p1 $0x1;
	p0 =	seq.s32 s7, s2  }
0x1e: {  	s7 =	smul.u32 @!p0 $0xF7A, s2;
	p2 =	seq.s32 @!p0 s5, $0x0  }
0x1f: {  	s9 =	smul.u32 $0xF7A, s1;
	s8 =	simm.s32 @!p0 $0x1BF5;
	p2 =	por !p2, p0  }
0x20: {  	[sflag:s8] =	ssyncset.s32 @!p0 $0xFFFFF086;
	s6 =	sadd.s32 @!p0 s3, s7;
	s7 =	simm.s32 @!p0 $0x108  }
0x21: {  	s3 =	sadd.s32 s3, s9;
	s6 =	sadd.s32 @!p0 $0x88, s6;
	s7 =	simm.s32 @p2 $0x1082  }
0x22: {  	[simem:s7], [sflag:s8] =	dma.local @!p0 [hbm:s6], $0xF7A  }
0x23: {  	s9 =	sor.u32 $0xD0000000, s2;
	s6 =	simm.s32 $0x108;
	_ =	swait.ge @!p0 [sflag:s8], $0x0  }
0x24: {  	s3 =	sadd.s32 $0x88, s3;
	s6 =	simm.s32 @!p1 $0x1082;
	[sflag:s4] =	ssyncset.s32 $0xFFFFF086  }
0x25: {  	[simem:s6], [sflag:s4] =	dma.local [hbm:s3], $0xF7A  }
0x26: {  	[smem:$0x3FA0] =	sst s1;
	(tag) =	ssettag s2;
	_ =	strace s9  }
0x27: {  	s1 =	sld [smem:$0x3FB0]  }
0x28: {  	s2 =	sld [smem:$0x3FB1]  }
0x29: {  	s4 =	sld [smem:$0x3FB3]  }
0x2a: {  	p0 =	seq.s32 s5, $0x0;
	s5 =	sld [smem:$0x3FB4]  }
0x2b: {  	s6 =	sld [smem:$0x3FB5]  }
0x2c: {  	s7 =	sld [smem:$0x3FB6]  }
0x2d: {  	s3 =	simm.s32 $0x108;
	s8 =	sld [smem:$0x3FB7]  }
0x2e: {  	s3 =	simm.s32 @!p0 $0x1082;
	s9 =	sld [smem:$0x3FB8]  }
0x2f: {  	lr =	sadd.s32 s0, s3;
	s0 =	sld [smem:$0x3FAF]  }
0x30: {  	s3 =	sld [smem:$0x3FB2]  }
0x31: {  	[smem:$0x3FBB] =	sst s10  }
0x32: {  	s10 =	sld [smem:$0x3FB9];
	_ =	sdelay $0x3  }
0x33: {  	p0 =	seq.s32 s10, $0x1;
	s10 =	sld [smem:$0x3FBB];
	_ =	sdelay $0x3  }
0x34: {  	[smem:$0x3FBB] =	sst s10  }
0x35: {  	s10 =	sld [smem:$0x3FBA];
	_ =	sdelay $0x3  }
0x36: {  	p1 =	seq.s32 s10, $0x1;
	s10 =	sld [smem:$0x3FBB];
	_ =	sdelay $0x3  }
0x37: {  	[smem:$0x3FBB] =	sst s10  }
0x38: {  	s10 =	sld [smem:$0x3FBC]  }
0x39: {  	_ = 	snop;
	(pc) =	sbr.ind lr, $3  }
0x3a: {  	_ = 	snop  }
0x3b: {  	_ = 	snop  }
0x3c: {  	p2 =	seq.s32 s10, $0x1;
	s10 =	sld [smem:$0x3FBB]  }
0x3d: {  	_ =	shalt  }
0x3e: {  	_ =	shalt  }
0x3f: {  	_ =	shalt  }
0x40: {  	_ =	shalt  }
0x41: {  	_ =	shalt  }
0x42: {  	_ =	shalt  }
0x43: {  	_ =	shalt  }
0x44: {  	_ =	shalt  }
0x45: {  	_ =	shalt  }
0x46: {  	_ =	shalt  }
0x47: {  	_ =	shalt  }
0x48: {  	_ =	shalt  }
0x49: {  	_ =	shalt  }
0x4a: {  	_ =	shalt  }
0x4b: {  	_ =	shalt  }
0x4c: {  	_ =	shalt  }
0x4d: {  	_ =	shalt  }
0x4e: {  	_ =	shalt  }
0x4f: {  	_ =	shalt  }
0x50: {  	_ =	shalt  }
0x51: {  	_ =	shalt  }
0x52: {  	_ =	shalt  }
0x53: {  	_ =	shalt  }
0x54: {  	_ =	shalt  }
0x55: {  	_ =	shalt  }
0x56: {  	_ =	shalt  }
0x57: {  	_ =	shalt  }
0x58: {  	_ =	shalt  }
0x59: {  	_ =	shalt  }
0x5a: {  	_ =	shalt  }
0x5b: {  	_ =	shalt  }
0x5c: {  	_ =	shalt  }
0x5d: {  	_ =	shalt  }
0x5e: {  	_ =	shalt  }
0x5f: {  	_ =	shalt  }
0x60: {  	_ =	shalt  }
0x61: {  	_ =	shalt  }
0x62: {  	_ =	shalt  }
0x63: {  	_ =	shalt  }
0x64: {  	_ =	shalt  }
0x65: {  	_ =	shalt  }
0x66: {  	_ =	shalt  }
0x67: {  	_ =	shalt  }
0x68: {  	_ =	shalt  }
0x69: {  	_ =	shalt  }
0x6a: {  	_ =	shalt  }
0x6b: {  	_ =	shalt  }
0x6c: {  	_ =	shalt  }
0x6d: {  	_ =	shalt  }
0x6e: {  	_ =	shalt  }
0x6f: {  	_ =	shalt  }
0x70: {  	_ =	shalt  }
0x71: {  	_ =	shalt  }
0x72: {  	_ =	shalt  }
0x73: {  	_ =	shalt  }
0x74: {  	_ =	shalt  }
0x75: {  	_ =	shalt  }
0x76: {  	_ =	shalt  }
0x77: {  	_ =	shalt  }
0x78: {  	_ =	shalt  }
0x79: {  	_ =	shalt  }
0x7a: {  	_ =	shalt  }
0x7b: {  	_ =	shalt  }
0x7c: {  	_ =	shalt  }
0x7d: {  	_ =	shalt  }
0x7e: {  	_ =	shalt  }
0x7f: {  	_ =	shalt  }
0x80: {  	_ =	shalt  }
0x81: {  	_ =	shalt  }
0x82: {  	_ =	shalt  }
0x83: {  	_ =	shalt  }
0x84: {  	_ =	shalt  }
0x85: {  	_ =	shalt  }
0x86: {  	_ =	shalt  }
0x87: {  	_ =	shalt  }
.Lfunc_end0:
.L_simem_size_0:
called_computation_lowered:
.L_overlay_start_0:
0x88: {  	s2 =	sld [smem:$0x3FD9]  }
0x89: {  	s3 =	sld [smem:$0x3FFE];
	_ =	sdelay $0x1  }
0x8a: {  	s1 =	srdreg.scid  }
0x8b: {  	s0 =	sand.u32 $0x1, s1  }
0x8c: {  	s18 =	sshll.u32 s0, $0xA;
	s2 =	sadd.s32 s3, s2  }
0x8d: {  	s2 =	sadd.s32 s2, s18  }
0x8e: {  	[smem:$0x3FC7] =	sst s2  }
0x8f: {  	_ = 	snop  }
0x90: {  	s2 =	sld [smem:$0x3FC9]  }
0x91: {  	s19 =	sld [smem:$0x3FD0];
	(tm) =	ssettm $0x1  }
0x92: {  	s4 =	sld [smem:$0x3FFB];
	_ =	sdelay $0x3  }
0x93: {  	_ =	strace s4  }
0x94: {  	s4 =	sld [smem:$0x3FFC];
	_ =	sdelay $0x3  }
0x95: {  	_ =	strace s4  }
0x96: {  	s4 =	sld [smem:$0x3FFD];
	_ =	sdelay $0x3  }
0x97: {  	_ =	strace s4  }
0x98: {  	_ =	strace $0x8FFFFFFF  }
0x99: {  	s20 =	sld [smem:$0x3FDB];
	_ =	sdelay $0x1  }
0x9a: {  	s5 =	simm.s32 $_scs_section_size  }
0x9b: {  	s6 =	simm.s32 $_size__tile_overlayer_lowered;
	s7 =	simm.s32 $_tile_overlayer_lowered  }
0x9c: {  	s23 =	simm.s32 $0x1BFF;
	s22 =	sshll.u32 s7, $0x1;
	s4 =	sadd.s32 s5, s20  }
0x9d: {  	s8 =	simm.s32 $0x0;
	s21 =	sshll.u32 s6, $0x1;
	s6 =	sadd.s32 s22, s4  }
0x9e: {  	[timem:s8], [sflag:s23] =	dma.local [hbm:s6], s21  }
0x9f: {  	_ =	swait.ge [sflag:s23], s21  }
0xa0: {  	s5 =	ssub.s32 $0x0, s21;
	[sflag:s23] =	ssyncset.done $0x0  }
0xa1: {  	[sflag:s23] =	ssyncadd.s32 s5;
	_ =	sdelay $0x1  }
0xa2: {  	s24 =	simm.s32 $0x1B8B  }
0xa3: {  	_ =	swait.ge [sflag:s24], $0x1  }
0xa4: {  	[sflag:s24] =	ssyncset.done $0x0  }
0xa5: {  	s25 =	simm.s32 $0x1B8E;
	[sflag:s24] =	ssyncadd.s32 $0xFFFFFFFF  }
0xa6: {  	s26 =	simm.s32 $execute0_lowered;
	[smem:$0x3FD2] =	sst s25  }
0xa7: {  	s5 =	sshll.u32 s26, $0x1;
	_ =	strace $0x80000046;
	[dreg:$0x1] =	wrdreg $0xFFFFFFFF  }
0xa8: {  	s28 =	simm.s32 $_size_execute0_lowered;
	s4 =	sadd.s32 s4, s5;
	[dreg:$0x0] =	wrdreg $0x0  }
0xa9: {  	s5 =	sshll.u32 s28, $0x1;
	[dreg:$0x2] =	wrdreg s4  }
0xaa: {  	[dreg:$0x3] =	wrdreg s5  }
0xab: {  	[dreg:$0x4] =	wrdreg $0xC0  }
0xac: {  	_ =	task [dreg:s8], $0x5FFFF  }
0xad: {  	[dreg:$0x1] =	wrdreg $0xFFFFFFFF  }
0xae: {  	[dreg:$0x0] =	wrdreg $0x60  }
0xaf: {  	[dreg:$0x2] =	wrdreg s2  }
0xb0: {  	[dreg:$0x3] =	wrdreg s19  }
0xb1: {  	[dreg:$0x4] =	wrdreg $0x9  }
0xb2: {  	_ =	task.clear_ibuf [dreg:s8], $0x5FFFF;
	_ =	strace $0x90000046  }
0xb3: {  	s29 =	simm.s32 $0x9;
	_ =	strace $0x80000048  }
0xb4: {  	_ =	swait.ge [sflag:s29], $0x1  }
0xb5: {  	[sflag:s29] =	ssyncadd.s32 $0xFFFFFFFF  }
0xb6: {  	_ =	strace $0x90000048  }
0xb7: {  	_ =	sfence  }
0xb8: {  	s30 =	sld [smem:$0x0];
	_ =	sdelay $0x2  }
0xb9: {  	s31 =	sshll.u32 s1, $0xD;
	s1 =	sshrl.u32 s1, $0x2  }
0xba: {  	s3 =	sand.u32 $0x4000, s31;
	s1 =	sadd.s32 s1, s30  }
0xbb: {  	s0 =	sor.u32 s3, s0;
	s1 =	sshll.u32 s1, $0x11  }
0xbc: {  	s0 =	sor.u32 s1, s0  }
0xbd: {  	s0 =	sadd.s32 $0x8F2B, s0  }
0xbe: {  	[sflag:s0] =	ssyncadd.remote.s32 $0x1  }
0xbf: {  	_ =	sfence.sel $0xFFFF  }
0xc0: {  	[dreg:$0x0] =	wrdreg $0xFFFFFFFF;
	(pc) =	sbr.abs _section_cstart, $3  }
0xc1: {  	[dreg:$0x1] =	wrdreg $0xFFFFFFFF  }
0xc2: {  	_ =	task.clear_ibuf [dreg:s8], $0x2FFFF;
	_ =	strace $0x9FFFFFFF  }
0xc3: {  	(tm) =	ssettm $0x7FFFFFFF  }
tec
execute0_lowered:
.L_overlay_start_1:
0x0: {  	(tag) =	ssettag $0x1  }
0x1: {  	s0 =	srdreg.scid;
	s2 =	rddreg [dreg:$0x0]  }
0x2: {  	s1 =	stileid.u32;
	s3 =	rddreg [dreg:$0x1];
	s4 =	simm.s32 $0x0  }
0x3: {  	s15 =	simm.s32 $0x80;
	s16 =	simm.s32 $0x400;
	s17 =	simm.s32 $0x4000  }
0x4: {  	s18 =	simm.s32 $0x8000;
	s19 =	simm.s32 $0x1;
	s20 =	simm.s32 $0xC000  }
0x5: {  	s21 =	simm.s32 $0x2;
	s22 =	simm.s32 $0x10000;
	s0 =	sand.u32 $0x1, s0  }
0x6: {  	s23 =	simm.s32 $0x3;
	s1 =	sshll.u32 s1, $0x8;
	s5 =	sshll.u32 s0, $0x7  }
0x7: {  	v22 =	vlaneseq.u32;
	s24 =	simm.s32 $0x14000;
	s0 =	ssub.s32 $0x2, s0;
	s5 =	sor.u32 s5, s1  }
0x8: {  	s25 =	simm.s32 $0x4;
	v0 =	vmul.u32 $0x81, v22;
	v1 =	vadd.s32 $0x3FFF, v22;
	v4 =	vadd.s32 $0x400F, v22;
	s6 =	sshrl.u32 s0, $0x1;
	s1 =	sshll.u32 s5, $0xB  }
0x9: {  	[smem:$0x7FF] =	sst s4;
	v7 =	vadd.s32 $0x401F, v22;
	v10 =	vadd.s32 $0x402F, v22;
	v13 =	vadd.s32 $0x403F, v22;
	s0 =	ssub.s32 s0, s6;
	s7 =	sadd.s32 s2, s1  }
0xa: {  	v16 =	vadd.s32 $0x404F, v22;
	v19 =	vadd.s32 $0x405F, v22;
	v22 =	vadd.s32 $0x406F, v22;
	_ =	strace $0x80000047;
	s0 =	smax.u32 s0, $0x1;
	[dreg:$0x3] =	wrdreg s7  }
0xb: {  	s26 =	simm.s32 $0x5;
	v2 =	vor.u32 $0xFFFFC000, v0;
	v3 =	vadd.s32 $0x810, v0;
	v5 =	vadd.s32 $0xFFFFC810, v0;
	s28 =	sadd.s32 $0x10, s7;
	[dreg:$0x8] =	wrdreg s0  }
0xc: {  	v6 =	vadd.s32 $0x1020, v0;
	v8 =	vadd.s32 $0xFFFFD020, v0;
	v9 =	vadd.s32 $0x1830, v0;
	s1 =	sadd.s32 s1, s3;
	s30 =	sadd.s32 $0x20, s7;
	[dreg:$0x4] =	wrdreg s28  }
0xd: {  	s29 =	simm.s32 $0x0;
	v11 =	vadd.s32 $0xFFFFD830, v0;
	v12 =	vadd.s32 $0x2040, v0;
	v14 =	vadd.s32 $0xFFFFE040, v0;
	s31 =	sadd.s32 $0x3F000, s1;
	[dreg:$0x5] =	wrdreg s30  }
0xe: {  	s10 =	sadd.s32 $0x800, s3;
	v15 =	vadd.s32 $0x2850, v0;
	v17 =	vadd.s32 $0xFFFFE850, v0;
	v18 =	vadd.s32 $0x3060, v0;
	s1 =	sadd.s32 $0x3F800, s1;
	[dreg:$0x6] =	wrdreg s31  }
0xf: {  	s11 =	sadd.s32 $0x1000, s3;
	v20 =	vadd.s32 $0xFFFFF060, v0;
	v21 =	vadd.s32 $0x3870, v0;
	v23 =	vadd.s32 $0xFFFFF870, v0;
	s9 =	sadd.s32 $0x80, s5;
	[dreg:$0x7] =	wrdreg s1  }
.LBB2_1:
0x10: {  	s0 =	rddreg [dreg:$0x3]  }
0x11: {  	[tilespmem:s4], [sflag:$0x1] =	stream.strided.gather [hbm4b:s0+s15], $0x4000, s16, s15, $0x38;
	[tilespmem:$0x18000] =	vst v63  }
0x12: {  	s28 =	rddreg [dreg:$0x4]  }
0x13: {  	[tilespmem:s17], [sflag:$0x2] =	stream.strided.gather [hbm4b:s28+s15], $0x4000, s16, s15, $0x38;
	[tilespmem:$0x18000] =	vst v63  }
0x14: {  	s31 =	rddreg [dreg:$0x5];
	s30 =	simm.s32 $0x0  }
0x15: {  	[tilespmem:s18], [sflag:$0x3] =	stream.strided.gather [hbm4b:s31+s15], $0x4000, s16, s15, $0x38;
	[tilespmem:$0x18000] =	vst v63  }
.LBB2_2:
0x16: {  	s0 =	simm.s32 $0x180;
	s6 =	simm.s32 $0x0  }
0x17: {  	s8 =	simm.s32 $0x80;
	s7 =	simm.s32 $0x100;
	v24 =	vadd.s32 s0, v0;
	v25 =	vadd.s32 s6, v0;
	v26 =	vadd.s32 s6, v2  }
0x18: {  	v27 =	vadd.s32 s0, v2;
	v28 =	vadd.s32 s8, v0;
	v29 =	vadd.s32 s7, v0  }
0x19: {  	v30 =	vadd.s32 s0, v3;
	v31 =	vadd.s32 s7, v3;
	v32 =	vadd.s32 s0, v5  }
0x1a: {  	v57 =	vadd.s32 s8, v5;
	v33 =	vadd.s32 s7, v5;
	v34 =	vadd.s32 s6, v5  }
0x1b: {  	_ =	swait.ge [sflag:s19], $0x4000;
	v58 =	vadd.s32 s8, v6;
	v59 =	vadd.s32 s7, v6;
	vm0 =	vgt.u32 v24, v1  }
0x1c: {  	p0 =	seq.s32 s30, $0x0;
	[sflag:s19] =	ssyncset.done $0x0;
	v60 =	vadd.s32 s6, v6;
	v35 =	vadd.s32 s8, v8;
	v24 =	vsel vm0, v27, v24  }
0x1d: {  	s1 =	simm.s32 @!p0 $0x4;
	v36 =	vadd.s32 s0, v6;
	v37 =	vadd.s32 s7, v8;
	vm10 =	vgt.u32 v25, v1;
	[sflag:s19] =	ssyncadd.s32 $0xFFFFC000  }
0x1e: {  	vm1 =	vgt.u32 v28, v1;
	v25 =	vsel vm10, v26, v25;
	v26 =	vadd.s32 s8, v2;
	_ =	swait.ge @!p0 [sflag:s1], $0x4000  }
0x1f: {  	vm2 =	vgt.u32 v29, v1;
	v27 =	vadd.s32 s7, v2;
	v26 =	vsel vm1, v26, v28;
	[sflag:s1] =	ssyncset.done @!p0 $0x0  }
0x20: {  	v38 =	vadd.s32 s0, v8;
	v39 =	vadd.s32 s6, v8;
	v27 =	vsel vm2, v27, v29;
	[sflag:s1] =	ssyncadd.s32 @!p0 $0xFFFFC000  }
0x21: {  	v62 =	vadd.s32 s8, v9;
	v63 =	vadd.s32 s6, v9;
	vm11 =	vgt.u32 v30, v4;
	v24 =	vld.idx.msk [tilespmem:v24+s4+$0x0], $0xffff  }
0x22: {  	v40 =	vadd.s32 s7, v9;
	v30 =	vsel vm11, v32, v30;
	v29 =	vadd.s32 s6, v3  }
0x23: {  	v41 =	vadd.s32 s6, v11;
	v28 =	vadd.s32 s8, v3;
	vm14 =	vgt.u32 v29, v4;
	v25 =	vld.idx.msk [tilespmem:v25+s4+$0x0], $0xffff  }
0x24: {  	v42 =	vadd.s32 s7, v11;
	vm12 =	vgt.u32 v28, v4;
	v29 =	vsel vm14, v34, v29;
	v26 =	vld.idx.msk [tilespmem:v26+s4+$0x0], $0xffff  }
0x25: {  	v43 =	vadd.s32 s0, v9;
	vm13 =	vgt.u32 v31, v4;
	s1 =	simm.s32 $0xC100;
	v28 =	vsel vm12, v57, v28;
	v27 =	vld.idx.msk [tilespmem:v27+s4+$0x0], $0xffff  }
0x26: {  	v44 =	vadd.s32 s0, v11;
	v45 =	vadd.s32 s7, v12;
	v31 =	vsel vm13, v33, v31;
	[tilespmem:s1+$0x80] =	vst v24  }
0x27: {  	v46 =	vadd.s32 s8, v14;
	v47 =	vadd.s32 s7, v14;
	vm3 =	vgt.u32 v36, v7;
	v30 =	vld.idx.msk [tilespmem:v30+s4+$0x0], $0xffff  }
0x28: {  	v49 =	vadd.s32 s0, v12;
	v50 =	vadd.s32 s0, v14;
	v61 =	vsel vm3, v38, v36;
	[tilespmem:s1+$0xFFFFFF00] =	vst v25  }
0x29: {  	v51 =	vadd.s32 s8, v17;
	v52 =	vadd.s32 s7, v17;
	vm7 =	vgt.u32 v60, v7;
	[tilespmem:s1+$0xFFFFFF80] =	vst v26;
	v29 =	vld.idx.msk [tilespmem:v29+s4+$0x0], $0xffff  }
0x2a: {  	v53 =	vadd.s32 s7, v18;
	vm15 =	vgt.u32 v58, v7;
	v24 =	vsel vm7, v39, v60;
	[tilespmem:s1+$0x0] =	vst v27;
	v28 =	vld.idx.msk [tilespmem:v28+s4+$0x0], $0xffff  }
0x2b: {  	v55 =	vadd.s32 s7, v20;
	vm6 =	vgt.u32 v59, v7;
	v32 =	vsel vm15, v35, v58;
	v25 =	vld.idx.msk [tilespmem:v31+s4+$0x0], $0xffff  }
0x2c: {  	v56 =	vadd.s32 s6, v20;
	vm8 =	vgt.u32 v62, v10;
	v33 =	vsel vm6, v37, v59;
	[tilespmem:s1+$0x90] =	vst v30  }
0x2d: {  	vm9 =	vgt.u32 v63, v10;
	vm11 =	vgt.u32 v43, v10;
	vm13 =	vgt.u32 v45, v13;
	v35 =	vld.idx.msk [tilespmem:v61+s4+$0x0], $0xffff  }
0x2e: {  	vm10 =	vgt.u32 v40, v10;
	v36 =	vsel vm11, v44, v43;
	v48 =	vsel vm13, v47, v45;
	[tilespmem:s1+$0xFFFFFF10] =	vst v29  }
0x2f: {  	v59 =	vadd.s32 s0, v17;
	v34 =	vsel vm10, v42, v40;
	vm10 =	vgt.u32 v53, v19;
	[tilespmem:s1+$0xFFFFFF90] =	vst v28;
	v24 =	vld.idx.msk [tilespmem:v24+s4+$0x0], $0xffff  }
0x30: {  	v60 =	vadd.s32 s8, v21;
	v26 =	vadd.s32 s8, v11;
	v27 =	vsel vm9, v41, v63;
	[tilespmem:s1+$0x10] =	vst v25;
	v40 =	vld.idx.msk [tilespmem:v32+s4+$0x0], $0xffff  }
0x31: {  	v57 =	vadd.s32 s0, v15;
	vm13 =	vgt.u32 v60, v22;
	v26 =	vsel vm8, v26, v62;
	v29 =	vld.idx.msk [tilespmem:v33+s4+$0x0], $0xffff  }
0x32: {  	v31 =	vadd.s32 s8, v12;
	vm8 =	vgt.u32 v49, v13;
	v30 =	vadd.s32 s6, v12;
	[tilespmem:s1+$0xA0] =	vst v35  }
0x33: {  	v62 =	vadd.s32 s7, v21;
	vm12 =	vgt.u32 v31, v13;
	vm14 =	vgt.u32 v30, v13;
	v35 =	vld.idx.msk [tilespmem:v36+s4+$0x0], $0xffff  }
0x34: {  	v28 =	vadd.s32 s6, v14;
	v25 =	vadd.s32 s6, v15;
	v33 =	vsel vm8, v50, v49;
	[tilespmem:s1+$0xFFFFFF20] =	vst v24  }
0x35: {  	v61 =	vadd.s32 s6, v21;
	v41 =	vsel vm14, v28, v30;
	v28 =	vsel vm12, v46, v31;
	[tilespmem:s1+$0xFFFFFFA0] =	vst v40;
	v27 =	vld.idx.msk [tilespmem:v27+s4+$0x0], $0xffff  }
0x36: {  	v30 =	vadd.s32 s8, v15;
	v31 =	vadd.s32 s7, v15;
	vm7 =	vgt.u32 v25, v16;
	[tilespmem:s1+$0x20] =	vst v29;
	v54 =	vld.idx.msk [tilespmem:v26+s4+$0x0], $0xffff  }
0x37: {  	vm12 =	vgt.u32 v57, v16;
	vm14 =	vgt.u32 v61, v22;
	vm15 =	vgt.u32 v30, v16;
	v24 =	vld.idx.msk [tilespmem:v34+s4+$0x0], $0xffff  }
0x38: {  	vm6 =	vgt.u32 v31, v16;
	v32 =	vsel vm15, v51, v30;
	v30 =	vadd.s32 s6, v17;
	[tilespmem:s1+$0xB0] =	vst v35  }
0x39: {  	v31 =	vsel vm6, v52, v31;
	v30 =	vsel vm7, v30, v25;
	v25 =	vadd.s32 s8, v18;
	v58 =	vld.idx.msk [tilespmem:v33+s4+$0x0], $0xffff  }
0x3a: {  	vm9 =	vgt.u32 v25, v19;
	v29 =	vadd.s32 s8, v20;
	v34 =	vsel vm12, v59, v57;
	[tilespmem:s1+$0xFFFFFF30] =	vst v27  }
0x3b: {  	s12 =	smul.u32 $0x3, s30;
	vm15 =	vgt.u32 v62, v22;
	v26 =	vadd.s32 s6, v18;
	v29 =	vsel vm9, v29, v25;
	[tilespmem:s1+$0xFFFFFFB0] =	vst v54;
	v36 =	vld.idx.msk [tilespmem:v41+s4+$0x0], $0xffff  }
0x3c: {  	v63 =	vadd.s32 s7, v23;
	v25 =	vsel vm10, v55, v53;
	vm11 =	vgt.u32 v26, v19;
	[tilespmem:s1+$0x30] =	vst v24;
	v33 =	vld.idx.msk [tilespmem:v28+s4+$0x0], $0xffff  }
0x3d: {  	s31 =	sadd.s32 s5, s12;
	v26 =	vsel vm11, v56, v26;
	v27 =	vadd.s32 s6, v23;
	v24 =	vadd.s32 s8, v23;
	v35 =	vld.idx.msk [tilespmem:v48+s4+$0x0], $0xffff  }
0x3e: {  	s12 =	simm.s32 $0x200;
	s7 =	simm.s32 $0xC100;
	s8 =	simm.s32 $0x0;
	v28 =	vsel vm13, v24, v60;
	v24 =	vsel vm14, v27, v61;
	v27 =	vsel vm15, v63, v62;
	[tilespmem:s1+$0xC0] =	vst v58  }
.LBB2_3:
0x3f: {  	v37 =	vadd.s32 s12, v0;
	v38 =	vadd.s32 s12, v2;
	s14 =	sadd.s32 $0x80, s12;
	s6 =	sadd.s32 $0x180, s12;
	s8 =	sadd.s32 $0x4, s8;
	v34 =	vld.idx.msk [tilespmem:v34+s4+$0x0], $0xffff;
	v39 =	vadd.s32 s0, v18  }
0x40: {  	s13 =	sadd.s32 $0x100, s12;
	v41 =	vadd.s32 s0, v20;
	v40 =	vadd.s32 s6, v0;
	p1 =	slt.u32 s8, $0x7C;
	vm0 =	vgt.u32 v39, v19  }
0x41: {  	v42 =	vadd.s32 s6, v2;
	vm1 =	vgt.u32 v40, v1;
	[tilespmem:s1+$0xFFFFFFC0] =	vst v33;
	v33 =	vsel vm0, v41, v39  }
0x42: {  	v39 =	vadd.s32 s14, v0;
	v41 =	vadd.s32 s13, v0;
	v40 =	vsel vm1, v42, v40;
	v32 =	vld.idx.msk [tilespmem:v32+s4+$0x0], $0xffff;
	[tilespmem:s1+$0x40] =	vst v35  }
0x43: {  	vm0 =	vgt.u32 v37, v1;
	vm1 =	vgt.u32 v39, v1;
	vm2 =	vgt.u32 v41, v1;
	[tilespmem:s1+$0xFFFFFF40] =	vst v36  }
0x44: {  	v35 =	vsel vm0, v38, v37;
	v37 =	vadd.s32 s13, v2;
	v36 =	vadd.s32 s14, v2;
	v31 =	vld.idx.msk [tilespmem:v31+s4+$0x0], $0xffff  }
0x45: {  	v38 =	vadd.s32 s14, v3;
	v37 =	vsel vm2, v37, v41;
	v36 =	vsel vm1, v36, v39;
	v30 =	vld.idx.msk [tilespmem:v30+s4+$0x0], $0xffff;
	[tilespmem:s1+$0xD0] =	vst v34  }
0x46: {  	v41 =	vadd.s32 s0, v21;
	v39 =	vadd.s32 s13, v3;
	v34 =	vadd.s32 s12, v3;
	v33 =	vld.idx.msk [tilespmem:v33+s4+$0x0], $0xffff  }
0x47: {  	v43 =	vadd.s32 s0, v23;
	v42 =	vadd.s32 s6, v3;
	s0 =	smov.u32 s6;
	vm0 =	vgt.u32 v41, v22;
	v40 =	vld.idx.msk [tilespmem:v40+s4+$0x0], $0xffff  }
0x48: {  	vm1 =	vgt.u32 v42, v4;
	v44 =	vadd.s32 s0, v5;
	[tilespmem:s1+$0xFFFFFFD0] =	vst v32;
	v32 =	vsel vm0, v43, v41  }
0x49: {  	vm2 =	vgt.u32 v39, v4;
	vm0 =	vgt.u32 v38, v4;
	v41 =	vsel vm1, v44, v42;
	v35 =	vld.idx.msk [tilespmem:v35+s4+$0x0], $0xffff  }
0x4a: {  	vm1 =	vgt.u32 v34, v4;
	v42 =	vadd.s32 s14, v5;
	v43 =	vadd.s32 s13, v5;
	v36 =	vld.idx.msk [tilespmem:v36+s4+$0x0], $0xffff;
	[tilespmem:s1+$0x50] =	vst v31  }
0x4b: {  	v38 =	vsel vm0, v42, v38;
	v39 =	vsel vm2, v43, v39;
	v31 =	vadd.s32 s12, v5;
	v37 =	vld.idx.msk [tilespmem:v37+s4+$0x0], $0xffff;
	[tilespmem:s1+$0xFFFFFF50] =	vst v30  }
0x4c: {  	v30 =	vsel vm1, v31, v34;
	v31 =	vadd.s32 s14, v6;
	v34 =	vadd.s32 s13, v6;
	s1 =	sadd.s32 $0x200, s1;
	v29 =	vld.idx.msk [tilespmem:v29+s4+$0x0], $0xffff;
	[tilespmem:s7+$0xE0] =	vst v33  }
0x4d: {  	v33 =	vadd.s32 s12, v6;
	vm0 =	vgt.u32 v31, v7;
	vm1 =	vgt.u32 v34, v7;
	[tilespmem:s1+$0x80] =	vst v40;
	v32 =	vld.idx.msk [tilespmem:v32+s4+$0x0], $0xffff  }
0x4e: {  	v42 =	vadd.s32 s0, v6;
	vm2 =	vgt.u32 v33, v7;
	v40 =	vadd.s32 s14, v8;
	v41 =	vld.idx.msk [tilespmem:v41+s4+$0x0], $0xffff  }
0x4f: {  	v43 =	vadd.s32 s0, v8;
	vm3 =	vgt.u32 v42, v7;
	[tilespmem:s1+$0xFFFFFF00] =	vst v35;
	v35 =	vadd.s32 s13, v8;
	v25 =	vld.idx.msk [tilespmem:v25+s4+$0x0], $0xffff  }
0x50: {  	v44 =	vadd.s32 s12, v8;
	v31 =	vsel vm0, v40, v31;
	[tilespmem:s1+$0xFFFFFF80] =	vst v36;
	v36 =	vsel vm3, v43, v42;
	v26 =	vld.idx.msk [tilespmem:v26+s4+$0x0], $0xffff  }
0x51: {  	v33 =	vsel vm2, v44, v33;
	v40 =	vadd.s32 s14, v9;
	v34 =	vsel vm1, v35, v34;
	v38 =	vld.idx.msk [tilespmem:v38+s4+$0x0], $0xffff;
	[tilespmem:s1+$0x0] =	vst v37  }
0x52: {  	vm0 =	vgt.u32 v40, v10;
	v35 =	vadd.s32 s12, v9;
	v37 =	vld.idx.msk [tilespmem:v39+s4+$0x0], $0xffff;
	v39 =	vadd.s32 s13, v9;
	[tilespmem:s7+$0xFFFFFFE0] =	vst v29  }
0x53: {  	vm1 =	vgt.u32 v35, v10;
	v29 =	vld.idx.msk [tilespmem:v30+s4+$0x0], $0xffff;
	v30 =	vadd.s32 s14, v11;
	vm2 =	vgt.u32 v39, v10;
	[tilespmem:s7+$0xF0] =	vst v32  }
0x54: {  	v32 =	vadd.s32 s12, v11;
	v30 =	vsel vm0, v30, v40;
	v40 =	vadd.s32 s13, v11;
	[tilespmem:s1+$0x90] =	vst v41;
	v28 =	vld.idx.msk [tilespmem:v28+s4+$0x0], $0xffff  }
0x55: {  	v35 =	vsel vm1, v32, v35;
	v39 =	vsel vm2, v40, v39;
	v32 =	vld.idx.msk [tilespmem:v36+s4+$0x0], $0xffff;
	v36 =	vadd.s32 s0, v9;
	[tilespmem:s7+$0x60] =	vst v25  }
0x56: {  	v25 =	vadd.s32 s14, v12;
	v40 =	vadd.s32 s0, v11;
	vm0 =	vgt.u32 v36, v10;
	[tilespmem:s7+$0xFFFFFF60] =	vst v26;
	v26 =	vld.idx.msk [tilespmem:v27+s4+$0x0], $0xffff  }
0x57: {  	v27 =	vadd.s32 s12, v12;
	[tilespmem:s1+$0xFFFFFF90] =	vst v38;
	v38 =	vadd.s32 s13, v12;
	v36 =	vsel vm0, v40, v36;
	v24 =	vld.idx.msk [tilespmem:v24+s4+$0x0], $0xffff  }
0x58: {  	vm0 =	vgt.u32 v25, v13;
	v40 =	vadd.s32 s14, v14;
	v31 =	vld.idx.msk [tilespmem:v31+s4+$0x0], $0xffff;
	[tilespmem:s1+$0x10] =	vst v37;
	vm1 =	vgt.u32 v38, v13  }
0x59: {  	vm2 =	vgt.u32 v27, v13;
	v37 =	vadd.s32 s13, v14;
	[tilespmem:s1+$0xFFFFFF10] =	vst v29;
	v29 =	vadd.s32 s12, v14;
	v34 =	vld.idx.msk [tilespmem:v34+s4+$0x0], $0xffff  }
0x5a: {  	v40 =	vsel vm0, v40, v25;
	v37 =	vsel vm1, v37, v38;
	v33 =	vld.idx.msk [tilespmem:v33+s4+$0x0], $0xffff;
	v27 =	vsel vm2, v29, v27  }
0x5b: {  	v25 =	vadd.s32 s12, v15;
	v38 =	vadd.s32 s13, v15;
	v29 =	vadd.s32 s14, v15;
	[tilespmem:s1+$0xA0] =	vst v32  }
0x5c: {  	vm1 =	vgt.u32 v38, v16;
	vm0 =	vgt.u32 v29, v16;
	v32 =	vadd.s32 s0, v12;
	v36 =	vld.idx.msk [tilespmem:v36+s4+$0x0], $0xffff;
	[tilespmem:s7+$0xFFFFFFF0] =	vst v28  }
0x5d: {  	vm2 =	vgt.u32 v25, v16;
	vm3 =	vgt.u32 v32, v13;
	v28 =	vadd.s32 s0, v14;
	[tilespmem:s7+$0x70] =	vst v26  }
0x5e: {  	v26 =	vadd.s32 s14, v17;
	v28 =	vsel vm3, v28, v32;
	[tilespmem:s1+$0xFFFFFFA0] =	vst v31;
	v31 =	vadd.s32 s13, v17  }
0x5f: {  	v41 =	vadd.s32 s12, v17;
	v32 =	vsel vm0, v26, v29;
	v42 =	vld.idx.msk [tilespmem:v30+s4+$0x0], $0xffff;
	[tilespmem:s1+$0x20] =	vst v34;
	v31 =	vsel vm1, v31, v38  }
0x60: {  	v26 =	vadd.s32 s13, v18;
	v30 =	vsel vm2, v41, v25;
	v25 =	vadd.s32 s14, v18;
	[tilespmem:s1+$0xFFFFFF20] =	vst v33;
	v38 =	vld.idx.msk [tilespmem:v39+s4+$0x0], $0xffff  }
0x61: {  	vm1 =	vgt.u32 v26, v19;
	v33 =	vadd.s32 s12, v18;
	vm0 =	vgt.u32 v25, v19;
	v35 =	vld.idx.msk [tilespmem:v35+s4+$0x0], $0xffff;
	[tilespmem:s7+$0xFFFFFF70] =	vst v24;
	s7 =	smov.u32 s1  }
0x62: {  	v34 =	vadd.s32 s13, v20;
	vm2 =	vgt.u32 v33, v19;
	v24 =	vadd.s32 s14, v20;
	[tilespmem:s1+$0xB0] =	vst v36  }
0x63: {  	v36 =	vadd.s32 s12, v20;
	v29 =	vsel vm0, v24, v25;
	v24 =	vadd.s32 s0, v15;
	v39 =	vld.idx.msk [tilespmem:v28+s4+$0x0], $0xffff  }
0x64: {  	v25 =	vsel vm1, v34, v26;
	vm0 =	vgt.u32 v24, v16;
	v28 =	vadd.s32 s0, v17  }
.Ltmp0:
0x65: {  	v41 =	vadd.s32 s14, v21;
	v26 =	vsel vm2, v36, v33;
	v34 =	vsel vm0, v28, v24;
	[tilespmem:s1+$0xFFFFFFB0] =	vst v42;
	(pc) =	sbr.rel @p1 .LBB2_3-.Ltmp0, $4  }
0x66: {  	v24 =	vadd.s32 s12, v21;
	vm0 =	vgt.u32 v41, v22;
	v33 =	vld.idx.msk [tilespmem:v40+s4+$0x0], $0xffff;
	[tilespmem:s1+$0x30] =	vst v38;
	v38 =	vadd.s32 s13, v21  }
0x67: {  	v28 =	vadd.s32 s14, v23;
	vm1 =	vgt.u32 v24, v22;
	[tilespmem:s1+$0xFFFFFF30] =	vst v35;
	v35 =	vld.idx.msk [tilespmem:v37+s4+$0x0], $0xffff;
	vm2 =	vgt.u32 v38, v22  }
0x68: {  	v28 =	vsel vm0, v28, v41;
	v37 =	vadd.s32 s13, v23;
	v36 =	vld.idx.msk [tilespmem:v27+s4+$0x0], $0xffff;
	v27 =	vadd.s32 s12, v23  }
0x69: {  	s12 =	sadd.s32 $0x200, s12;
	v24 =	vsel vm1, v27, v24;
	v27 =	vsel vm2, v37, v38;
	[tilespmem:s1+$0xC0] =	vst v39  }
0x6a: {  	_ =	sdelay $0x2  }
0x6b: {  	v37 =	vadd.s32 s0, v18  }
0x6c: {  	v34 =	vld.idx.msk [tilespmem:v34+s4+$0x0], $0xffff;
	v38 =	vadd.s32 s0, v20;
	vm0 =	vgt.u32 v37, v19;
	[tilespmem:s1+$0xFFFFFFC0] =	vst v33  }
0x6d: {  	v46 =	vsel vm0, v38, v37;
	v32 =	vld.idx.msk [tilespmem:v32+s4+$0x0], $0xffff;
	[tilespmem:s1+$0x40] =	vst v35  }
0x6e: {  	[tilespmem:s1+$0xFFFFFF40] =	vst v36;
	v31 =	vld.idx.msk [tilespmem:v31+s4+$0x0], $0xffff  }
0x6f: {  	v30 =	vld.idx.msk [tilespmem:v30+s4+$0x0], $0xffff;
	_ =	sdelay $0x1  }
0x70: {  	v47 =	vadd.s32 s0, v21;
	[tilespmem:s1+$0xD0] =	vst v34  }
0x71: {  	v48 =	vadd.s32 s0, v23;
	vm8 =	vgt.u32 v47, v22;
	v33 =	vld.idx.msk [tilespmem:v46+s4+$0x0], $0xffff;
	[tilespmem:s1+$0xFFFFFFD0] =	vst v32  }
0x72: {  	v49 =	vsel vm8, v48, v47;
	[tilespmem:s1+$0x50] =	vst v31;
	v29 =	vld.idx.msk [tilespmem:v29+s4+$0x0], $0xffff  }
0x73: {  	[tilespmem:s1+$0xFFFFFF50] =	vst v30;
	v25 =	vld.idx.msk [tilespmem:v25+s4+$0x0], $0xffff  }
0x74: {  	v26 =	vld.idx.msk [tilespmem:v26+s4+$0x0], $0xffff;
	_ =	sdelay $0x1  }
0x75: {  	[tilespmem:s7+$0xE0] =	vst v33  }
0x76: {  	v30 =	vld.idx.msk [tilespmem:v49+s4+$0x0], $0xffff;
	[tilespmem:s7+$0xFFFFFFE0] =	vst v29  }
0x77: {  	v28 =	vld.idx.msk [tilespmem:v28+s4+$0x0], $0xffff;
	[tilespmem:s7+$0x60] =	vst v25  }
0x78: {  	[tilespmem:s7+$0xFFFFFF60] =	vst v26;
	v25 =	vld.idx.msk [tilespmem:v27+s4+$0x0], $0xffff  }
0x79: {  	v24 =	vld.idx.msk [tilespmem:v24+s4+$0x0], $0xffff;
	_ =	sdelay $0x1  }
0x7a: {  	[tilespmem:s7+$0xF0] =	vst v30  }
0x7b: {  	s6 =	sadd.s32 $0x3, s31;
	s0 =	simm.s32 $0x180;
	[tilespmem:s7+$0xFFFFFFF0] =	vst v28  }
0x7c: {  	s14 =	simm.s32 $0x0;
	s12 =	simm.s32 $0x80;
	s1 =	sshll.u32 s31, $0xB;
	[tilespmem:s7+$0x70] =	vst v25  }
0x7d: {  	s28 =	simm.s32 $0x100;
	s8 =	sshll.u32 s6, $0x4;
	s13 =	sadd.s32 s3, s1;
	[tilespmem:s7+$0xFFFFFF70] =	vst v24  }
0x7e: {  	v50 =	vadd.s32 s0, v5;
	[hbm4b:s13+s4] =	stream.linear.scatter [tilespmem:s20], [sflag:$0x4], $0x4000, $0x38;
	[tilespmem:$0x18000] =	vst v63  }
0x7f: {  	v51 =	vadd.s32 s12, v5;
	v52 =	vadd.s32 s28, v5;
	v53 =	vadd.s32 s14, v5;
	s7 =	sshll.u32 s6, $0xB;
	s13 =	sand.u32 $0x70, s8  }
0x80: {  	v54 =	vadd.s32 s12, v6;
	v55 =	vadd.s32 s28, v6;
	v56 =	vadd.s32 s14, v6;
	s7 =	sand.u32 $0xFFFC000, s7;
	s13 =	sadd.s32 s2, s13  }
0x81: {  	v57 =	vadd.s32 s12, v8;
	v58 =	vadd.s32 s0, v6;
	v59 =	vadd.s32 s28, v8;
	s7 =	sadd.s32 s7, s13  }
0x82: {  	v60 =	vadd.s32 s0, v8;
	v39 =	vadd.s32 s14, v8;
	v24 =	vadd.s32 s0, v0;
	[tilespmem:s4], [sflag:$0x1] =	stream.strided.gather [hbm4b:s7+s15], $0x4000, s16, s15, $0x38;
	[tilespmem:$0x18000] =	vst v63  }
0x83: {  	v62 =	vadd.s32 s12, v9;
	v27 =	vadd.s32 s0, v2;
	vm9 =	vgt.u32 v24, v1;
	_ =	swait.ge [sflag:s21], $0x4000  }
0x84: {  	v29 =	vadd.s32 s28, v0;
	v25 =	vadd.s32 s14, v0;
	v24 =	vsel vm9, v27, v24;
	[sflag:s21] =	ssyncset.done $0x0  }
0x85: {  	v26 =	vadd.s32 s14, v2;
	v28 =	vadd.s32 s12, v0;
	vm10 =	vgt.u32 v25, v1;
	s7 =	simm.s32 @!p0 $0x5;
	[sflag:s21] =	ssyncadd.s32 $0xFFFFC000  }
0x86: {  	vm1 =	vgt.u32 v28, v1;
	v25 =	vsel vm10, v26, v25;
	v26 =	vadd.s32 s12, v2;
	_ =	swait.ge @!p0 [sflag:s7], $0x4000  }
0x87: {  	vm2 =	vgt.u32 v29, v1;
	v27 =	vadd.s32 s28, v2;
	v26 =	vsel vm1, v26, v28;
	[sflag:s7] =	ssyncset.done @!p0 $0x0  }
0x88: {  	v63 =	vadd.s32 s14, v9;
	v30 =	vadd.s32 s0, v3;
	v27 =	vsel vm2, v27, v29;
	[sflag:s7] =	ssyncadd.s32 @!p0 $0xFFFFC000  }
0x89: {  	v40 =	vadd.s32 s28, v9;
	v41 =	vadd.s32 s14, v11;
	vm11 =	vgt.u32 v30, v4;
	v24 =	vld.idx.msk [tilespmem:v24+s17+$0x0], $0xffff  }
0x8a: {  	v42 =	vadd.s32 s28, v11;
	v43 =	vadd.s32 s0, v9;
	v30 =	vsel vm11, v50, v30  }
0x8b: {  	v44 =	vadd.s32 s0, v11;
	vm15 =	vgt.u32 v54, v7;
	v28 =	vadd.s32 s12, v3  }
0x8c: {  	vm6 =	vgt.u32 v55, v7;
	v31 =	vadd.s32 s28, v3;
	vm12 =	vgt.u32 v28, v4;
	v26 =	vld.idx.msk [tilespmem:v26+s17+$0x0], $0xffff  }
0x8d: {  	vm13 =	vgt.u32 v31, v4;
	v29 =	vadd.s32 s14, v3;
	v28 =	vsel vm12, v51, v28;
	s7 =	simm.s32 $0x10100;
	v27 =	vld.idx.msk [tilespmem:v27+s17+$0x0], $0xffff  }
0x8e: {  	v45 =	vadd.s32 s28, v12;
	v31 =	vsel vm13, v52, v31;
	vm14 =	vgt.u32 v29, v4;
	v25 =	vld.idx.msk [tilespmem:v25+s17+$0x0], $0xffff;
	[tilespmem:s7+$0x80] =	vst v24  }
0x8f: {  	vm7 =	vgt.u32 v56, v7;
	vm3 =	vgt.u32 v58, v7;
	v29 =	vsel vm14, v53, v29;
	v30 =	vld.idx.msk [tilespmem:v30+s17+$0x0], $0xffff  }
0x90: {  	vm8 =	vgt.u32 v62, v10;
	v47 =	vadd.s32 s28, v14;
	v61 =	vsel vm3, v60, v58  }
0x91: {  	v60 =	vadd.s32 s12, v21;
	v32 =	vsel vm15, v57, v54;
	vm13 =	vgt.u32 v45, v13;
	[tilespmem:s7+$0xFFFFFF80] =	vst v26  }
0x92: {  	v46 =	vadd.s32 s12, v14;
	v57 =	vadd.s32 s0, v15;
	v48 =	vsel vm13, v47, v45;
	[tilespmem:s7+$0x0] =	vst v27;
	v28 =	vld.idx.msk [tilespmem:v28+s17+$0x0], $0xffff  }
0x93: {  	v52 =	vadd.s32 s28, v17;
	vm13 =	vgt.u32 v60, v22;
	v33 =	vsel vm6, v59, v55;
	[tilespmem:s7+$0xFFFFFF00] =	vst v25;
	v25 =	vld.idx.msk [tilespmem:v31+s17+$0x0], $0xffff  }
0x94: {  	v55 =	vadd.s32 s28, v20;
	v59 =	vadd.s32 s0, v17;
	v49 =	vadd.s32 s0, v12;
	v29 =	vld.idx.msk [tilespmem:v29+s17+$0x0], $0xffff;
	[tilespmem:s7+$0x90] =	vst v30  }
0x95: {  	vm11 =	vgt.u32 v43, v10;
	v50 =	vadd.s32 s0, v14;
	v24 =	vsel vm7, v39, v56;
	v35 =	vld.idx.msk [tilespmem:v61+s17+$0x0], $0xffff  }
0x96: {  	v36 =	vsel vm11, v44, v43;
	vm10 =	vgt.u32 v40, v10;
	vm9 =	vgt.u32 v63, v10  }
0x97: {  	v34 =	vsel vm10, v42, v40;
	v51 =	vadd.s32 s12, v17;
	v53 =	vadd.s32 s28, v18;
	[tilespmem:s7+$0xFFFFFF90] =	vst v28  }
0x98: {  	vm10 =	vgt.u32 v53, v19;
	v26 =	vadd.s32 s12, v11;
	v27 =	vsel vm9, v41, v63;
	[tilespmem:s7+$0x10] =	vst v25;
	v40 =	vld.idx.msk [tilespmem:v32+s17+$0x0], $0xffff  }
0x99: {  	v56 =	vadd.s32 s14, v20;
	v63 =	vadd.s32 s28, v23;
	v26 =	vsel vm8, v26, v62;
	[tilespmem:s7+$0xFFFFFF10] =	vst v29;
	v29 =	vld.idx.msk [tilespmem:v33+s17+$0x0], $0xffff  }
0x9a: {  	v31 =	vadd.s32 s12, v12;
	vm8 =	vgt.u32 v49, v13;
	v62 =	vadd.s32 s28, v21;
	v24 =	vld.idx.msk [tilespmem:v24+s17+$0x0], $0xffff;
	[tilespmem:s7+$0xA0] =	vst v35  }
0x9b: {  	vm12 =	vgt.u32 v31, v13;
	v30 =	vadd.s32 s14, v12;
	v28 =	vadd.s32 s14, v14;
	v35 =	vld.idx.msk [tilespmem:v36+s17+$0x0], $0xffff  }
0x9c: {  	v25 =	vadd.s32 s14, v15;
	vm14 =	vgt.u32 v30, v13;
	v33 =	vsel vm8, v50, v49  }
0x9d: {  	vm7 =	vgt.u32 v25, v16;
	v61 =	vadd.s32 s14, v21;
	v41 =	vsel vm14, v28, v30;
	[tilespmem:s7+$0xFFFFFFA0] =	vst v40  }
0x9e: {  	v28 =	vsel vm12, v46, v31;
	v30 =	vadd.s32 s12, v15;
	vm12 =	vgt.u32 v57, v16;
	[tilespmem:s7+$0x20] =	vst v29;
	v54 =	vld.idx.msk [tilespmem:v26+s17+$0x0], $0xffff  }
0x9f: {  	v31 =	vadd.s32 s28, v15;
	vm14 =	vgt.u32 v61, v22;
	vm15 =	vgt.u32 v30, v16;
	[tilespmem:s7+$0xFFFFFF20] =	vst v24;
	v24 =	vld.idx.msk [tilespmem:v34+s17+$0x0], $0xffff  }
0xa0: {  	vm6 =	vgt.u32 v31, v16;
	v32 =	vsel vm15, v51, v30;
	v30 =	vadd.s32 s14, v17;
	v27 =	vld.idx.msk [tilespmem:v27+s17+$0x0], $0xffff;
	[tilespmem:s7+$0xB0] =	vst v35  }
0xa1: {  	v31 =	vsel vm6, v52, v31;
	v30 =	vsel vm7, v30, v25;
	v25 =	vadd.s32 s12, v18;
	v58 =	vld.idx.msk [tilespmem:v33+s17+$0x0], $0xffff  }
0xa2: {  	vm9 =	vgt.u32 v25, v19;
	v29 =	vadd.s32 s12, v20;
	v35 =	vsel vm12, v59, v57  }
0xa3: {  	vm15 =	vgt.u32 v62, v22;
	v26 =	vadd.s32 s14, v18;
	v29 =	vsel vm9, v29, v25;
	[tilespmem:s7+$0xFFFFFFB0] =	vst v54  }
0xa4: {  	v25 =	vsel vm10, v55, v53;
	vm11 =	vgt.u32 v26, v19;
	[tilespmem:s7+$0x30] =	vst v24;
	v24 =	vadd.s32 s12, v23;
	v33 =	vld.idx.msk [tilespmem:v28+s17+$0x0], $0xffff  }
0xa5: {  	v26 =	vsel vm11, v56, v26;
	[tilespmem:s7+$0xFFFFFF30] =	vst v27;
	v27 =	vadd.s32 s14, v23;
	v34 =	vld.idx.msk [tilespmem:v48+s17+$0x0], $0xffff;
	v28 =	vsel vm13, v24, v60  }
0xa6: {  	s8 =	simm.s32 $0x10100;
	s13 =	simm.s32 $0x200;
	s12 =	simm.s32 $0x0;
	v36 =	vld.idx.msk [tilespmem:v41+s17+$0x0], $0xffff;
	v24 =	vsel vm14, v27, v61;
	v27 =	vsel vm15, v63, v62;
	[tilespmem:s7+$0xC0] =	vst v58  }
.LBB2_5:
0xa7: {  	v37 =	vadd.s32 s13, v0;
	v38 =	vadd.s32 s13, v2;
	s6 =	sadd.s32 $0x80, s13;
	s28 =	sadd.s32 $0x180, s13;
	s12 =	sadd.s32 $0x4, s12;
	v35 =	vld.idx.msk [tilespmem:v35+s17+$0x0], $0xffff;
	v39 =	vadd.s32 s0, v18  }
0xa8: {  	s14 =	sadd.s32 $0x100, s13;
	v41 =	vadd.s32 s0, v20;
	v40 =	vadd.s32 s28, v0;
	p1 =	slt.u32 s12, $0x7C;
	vm0 =	vgt.u32 v39, v19  }
0xa9: {  	v42 =	vadd.s32 s28, v2;
	vm1 =	vgt.u32 v40, v1;
	[tilespmem:s7+$0xFFFFFFC0] =	vst v33;
	v33 =	vsel vm0, v41, v39  }
0xaa: {  	v39 =	vadd.s32 s6, v0;
	v41 =	vadd.s32 s14, v0;
	v40 =	vsel vm1, v42, v40;
	v32 =	vld.idx.msk [tilespmem:v32+s17+$0x0], $0xffff;
	[tilespmem:s7+$0x40] =	vst v34  }
0xab: {  	vm0 =	vgt.u32 v37, v1;
	vm1 =	vgt.u32 v39, v1;
	vm2 =	vgt.u32 v41, v1;
	[tilespmem:s7+$0xFFFFFF40] =	vst v36  }
0xac: {  	v34 =	vsel vm0, v38, v37;
	v37 =	vadd.s32 s14, v2;
	v36 =	vadd.s32 s6, v2;
	v31 =	vld.idx.msk [tilespmem:v31+s17+$0x0], $0xffff  }
0xad: {  	v38 =	vadd.s32 s6, v3;
	v37 =	vsel vm2, v37, v41;
	v36 =	vsel vm1, v36, v39;
	v30 =	vld.idx.msk [tilespmem:v30+s17+$0x0], $0xffff;
	[tilespmem:s7+$0xD0] =	vst v35  }
0xae: {  	v41 =	vadd.s32 s0, v21;
	v39 =	vadd.s32 s14, v3;
	v35 =	vadd.s32 s13, v3;
	v33 =	vld.idx.msk [tilespmem:v33+s17+$0x0], $0xffff  }
0xaf: {  	v43 =	vadd.s32 s0, v23;
	v42 =	vadd.s32 s28, v3;
	s0 =	smov.u32 s28;
	vm0 =	vgt.u32 v41, v22;
	v40 =	vld.idx.msk [tilespmem:v40+s17+$0x0], $0xffff  }
0xb0: {  	vm1 =	vgt.u32 v42, v4;
	v44 =	vadd.s32 s0, v5;
	[tilespmem:s7+$0xFFFFFFD0] =	vst v32;
	v32 =	vsel vm0, v43, v41  }
0xb1: {  	vm2 =	vgt.u32 v39, v4;
	vm0 =	vgt.u32 v38, v4;
	v41 =	vsel vm1, v44, v42;
	v34 =	vld.idx.msk [tilespmem:v34+s17+$0x0], $0xffff  }
0xb2: {  	vm1 =	vgt.u32 v35, v4;
	v42 =	vadd.s32 s6, v5;
	v43 =	vadd.s32 s14, v5;
	v36 =	vld.idx.msk [tilespmem:v36+s17+$0x0], $0xffff;
	[tilespmem:s7+$0x50] =	vst v31  }
0xb3: {  	v38 =	vsel vm0, v42, v38;
	v39 =	vsel vm2, v43, v39;
	v31 =	vadd.s32 s13, v5;
	v37 =	vld.idx.msk [tilespmem:v37+s17+$0x0], $0xffff;
	[tilespmem:s7+$0xFFFFFF50] =	vst v30  }
0xb4: {  	v30 =	vsel vm1, v31, v35;
	v31 =	vadd.s32 s6, v6;
	v35 =	vadd.s32 s14, v6;
	s7 =	sadd.s32 $0x200, s7;
	v29 =	vld.idx.msk [tilespmem:v29+s17+$0x0], $0xffff;
	[tilespmem:s8+$0xE0] =	vst v33  }
0xb5: {  	v33 =	vadd.s32 s13, v6;
	vm0 =	vgt.u32 v31, v7;
	vm1 =	vgt.u32 v35, v7;
	[tilespmem:s7+$0x80] =	vst v40;
	v32 =	vld.idx.msk [tilespmem:v32+s17+$0x0], $0xffff  }
0xb6: {  	v42 =	vadd.s32 s0, v6;
	vm2 =	vgt.u32 v33, v7;
	v40 =	vadd.s32 s6, v8;
	v41 =	vld.idx.msk [tilespmem:v41+s17+$0x0], $0xffff  }
0xb7: {  	v43 =	vadd.s32 s0, v8;
	vm3 =	vgt.u32 v42, v7;
	[tilespmem:s7+$0xFFFFFF00] =	vst v34;
	v34 =	vadd.s32 s14, v8;
	v25 =	vld.idx.msk [tilespmem:v25+s17+$0x0], $0xffff  }
0xb8: {  	v44 =	vadd.s32 s13, v8;
	v31 =	vsel vm0, v40, v31;
	[tilespmem:s7+$0xFFFFFF80] =	vst v36;
	v36 =	vsel vm3, v43, v42;
	v26 =	vld.idx.msk [tilespmem:v26+s17+$0x0], $0xffff  }
0xb9: {  	v33 =	vsel vm2, v44, v33;
	v40 =	vadd.s32 s6, v9;
	v34 =	vsel vm1, v34, v35;
	v38 =	vld.idx.msk [tilespmem:v38+s17+$0x0], $0xffff;
	[tilespmem:s7+$0x0] =	vst v37  }
0xba: {  	vm0 =	vgt.u32 v40, v10;
	v35 =	vadd.s32 s13, v9;
	v37 =	vld.idx.msk [tilespmem:v39+s17+$0x0], $0xffff;
	v39 =	vadd.s32 s14, v9;
	[tilespmem:s8+$0xFFFFFFE0] =	vst v29  }
0xbb: {  	vm1 =	vgt.u32 v35, v10;
	v29 =	vld.idx.msk [tilespmem:v30+s17+$0x0], $0xffff;
	v30 =	vadd.s32 s6, v11;
	vm2 =	vgt.u32 v39, v10;
	[tilespmem:s8+$0xF0] =	vst v32  }
0xbc: {  	v32 =	vadd.s32 s13, v11;
	v30 =	vsel vm0, v30, v40;
	v40 =	vadd.s32 s14, v11;
	[tilespmem:s7+$0x90] =	vst v41;
	v28 =	vld.idx.msk [tilespmem:v28+s17+$0x0], $0xffff  }
0xbd: {  	v35 =	vsel vm1, v32, v35;
	v39 =	vsel vm2, v40, v39;
	v32 =	vld.idx.msk [tilespmem:v36+s17+$0x0], $0xffff;
	v36 =	vadd.s32 s0, v9;
	[tilespmem:s8+$0x60] =	vst v25  }
0xbe: {  	v25 =	vadd.s32 s6, v12;
	v40 =	vadd.s32 s0, v11;
	vm0 =	vgt.u32 v36, v10;
	[tilespmem:s8+$0xFFFFFF60] =	vst v26;
	v26 =	vld.idx.msk [tilespmem:v27+s17+$0x0], $0xffff  }
0xbf: {  	v27 =	vadd.s32 s13, v12;
	[tilespmem:s7+$0xFFFFFF90] =	vst v38;
	v38 =	vadd.s32 s14, v12;
	v36 =	vsel vm0, v40, v36;
	v24 =	vld.idx.msk [tilespmem:v24+s17+$0x0], $0xffff  }
0xc0: {  	vm0 =	vgt.u32 v25, v13;
	v40 =	vadd.s32 s6, v14;
	v31 =	vld.idx.msk [tilespmem:v31+s17+$0x0], $0xffff;
	[tilespmem:s7+$0x10] =	vst v37;
	vm1 =	vgt.u32 v38, v13  }
0xc1: {  	vm2 =	vgt.u32 v27, v13;
	v37 =	vadd.s32 s14, v14;
	[tilespmem:s7+$0xFFFFFF10] =	vst v29;
	v29 =	vadd.s32 s13, v14;
	v34 =	vld.idx.msk [tilespmem:v34+s17+$0x0], $0xffff  }
0xc2: {  	v40 =	vsel vm0, v40, v25;
	v37 =	vsel vm1, v37, v38;
	v33 =	vld.idx.msk [tilespmem:v33+s17+$0x0], $0xffff;
	v27 =	vsel vm2, v29, v27  }
0xc3: {  	v25 =	vadd.s32 s13, v15;
	v38 =	vadd.s32 s14, v15;
	v29 =	vadd.s32 s6, v15;
	[tilespmem:s7+$0xA0] =	vst v32  }
0xc4: {  	vm1 =	vgt.u32 v38, v16;
	vm0 =	vgt.u32 v29, v16;
	v32 =	vadd.s32 s0, v12;
	v36 =	vld.idx.msk [tilespmem:v36+s17+$0x0], $0xffff;
	[tilespmem:s8+$0xFFFFFFF0] =	vst v28  }
0xc5: {  	vm2 =	vgt.u32 v25, v16;
	vm3 =	vgt.u32 v32, v13;
	v28 =	vadd.s32 s0, v14;
	[tilespmem:s8+$0x70] =	vst v26  }
0xc6: {  	v26 =	vadd.s32 s6, v17;
	v28 =	vsel vm3, v28, v32;
	[tilespmem:s7+$0xFFFFFFA0] =	vst v31;
	v31 =	vadd.s32 s14, v17  }
0xc7: {  	v41 =	vadd.s32 s13, v17;
	v32 =	vsel vm0, v26, v29;
	v42 =	vld.idx.msk [tilespmem:v30+s17+$0x0], $0xffff;
	[tilespmem:s7+$0x20] =	vst v34;
	v31 =	vsel vm1, v31, v38  }
0xc8: {  	v26 =	vadd.s32 s14, v18;
	v30 =	vsel vm2, v41, v25;
	v25 =	vadd.s32 s6, v18;
	[tilespmem:s7+$0xFFFFFF20] =	vst v33;
	v34 =	vld.idx.msk [tilespmem:v39+s17+$0x0], $0xffff  }
0xc9: {  	vm1 =	vgt.u32 v26, v19;
	v33 =	vadd.s32 s13, v18;
	vm0 =	vgt.u32 v25, v19;
	v38 =	vld.idx.msk [tilespmem:v35+s17+$0x0], $0xffff;
	[tilespmem:s8+$0xFFFFFF70] =	vst v24;
	s8 =	smov.u32 s7  }
0xca: {  	vm2 =	vgt.u32 v33, v19;
	v24 =	vadd.s32 s6, v20;
	v35 =	vadd.s32 s14, v20;
	[tilespmem:s7+$0xB0] =	vst v36  }
0xcb: {  	v36 =	vadd.s32 s13, v20;
	v29 =	vsel vm0, v24, v25;
	v24 =	vadd.s32 s0, v15;
	v39 =	vld.idx.msk [tilespmem:v28+s17+$0x0], $0xffff  }
0xcc: {  	v25 =	vsel vm1, v35, v26;
	vm0 =	vgt.u32 v24, v16;
	v28 =	vadd.s32 s0, v17  }
.Ltmp1:
0xcd: {  	v41 =	vadd.s32 s6, v21;
	v26 =	vsel vm2, v36, v33;
	v35 =	vsel vm0, v28, v24;
	[tilespmem:s7+$0xFFFFFFB0] =	vst v42;
	(pc) =	sbr.rel @p1 .LBB2_5-.Ltmp1, $4  }
0xce: {  	v24 =	vadd.s32 s13, v21;
	vm0 =	vgt.u32 v41, v22;
	v33 =	vld.idx.msk [tilespmem:v40+s17+$0x0], $0xffff;
	[tilespmem:s7+$0x30] =	vst v34;
	v40 =	vadd.s32 s14, v21  }
0xcf: {  	v28 =	vadd.s32 s6, v23;
	vm1 =	vgt.u32 v24, v22;
	[tilespmem:s7+$0xFFFFFF30] =	vst v38;
	v34 =	vld.idx.msk [tilespmem:v37+s17+$0x0], $0xffff;
	vm2 =	vgt.u32 v40, v22  }
0xd0: {  	v28 =	vsel vm0, v28, v41;
	v37 =	vadd.s32 s14, v23;
	v36 =	vld.idx.msk [tilespmem:v27+s17+$0x0], $0xffff;
	v27 =	vadd.s32 s13, v23  }
0xd1: {  	s13 =	sadd.s32 $0x200, s13;
	v24 =	vsel vm1, v27, v24;
	v27 =	vsel vm2, v37, v40;
	[tilespmem:s7+$0xC0] =	vst v39  }
0xd2: {  	_ =	sdelay $0x2  }
0xd3: {  	v37 =	vadd.s32 s0, v18  }
0xd4: {  	v35 =	vld.idx.msk [tilespmem:v35+s17+$0x0], $0xffff;
	v38 =	vadd.s32 s0, v20;
	vm0 =	vgt.u32 v37, v19;
	[tilespmem:s7+$0xFFFFFFC0] =	vst v33  }
0xd5: {  	v46 =	vsel vm0, v38, v37;
	v32 =	vld.idx.msk [tilespmem:v32+s17+$0x0], $0xffff;
	[tilespmem:s7+$0x40] =	vst v34  }
0xd6: {  	[tilespmem:s7+$0xFFFFFF40] =	vst v36;
	v31 =	vld.idx.msk [tilespmem:v31+s17+$0x0], $0xffff  }
0xd7: {  	v30 =	vld.idx.msk [tilespmem:v30+s17+$0x0], $0xffff;
	_ =	sdelay $0x1  }
0xd8: {  	v47 =	vadd.s32 s0, v21;
	[tilespmem:s7+$0xD0] =	vst v35  }
0xd9: {  	v48 =	vadd.s32 s0, v23;
	vm8 =	vgt.u32 v47, v22;
	v33 =	vld.idx.msk [tilespmem:v46+s17+$0x0], $0xffff;
	[tilespmem:s7+$0xFFFFFFD0] =	vst v32  }
0xda: {  	v49 =	vsel vm8, v48, v47;
	[tilespmem:s7+$0x50] =	vst v31;
	v29 =	vld.idx.msk [tilespmem:v29+s17+$0x0], $0xffff  }
0xdb: {  	[tilespmem:s7+$0xFFFFFF50] =	vst v30;
	v25 =	vld.idx.msk [tilespmem:v25+s17+$0x0], $0xffff  }
0xdc: {  	v26 =	vld.idx.msk [tilespmem:v26+s17+$0x0], $0xffff;
	_ =	sdelay $0x1  }
0xdd: {  	[tilespmem:s8+$0xE0] =	vst v33  }
0xde: {  	v30 =	vld.idx.msk [tilespmem:v49+s17+$0x0], $0xffff;
	[tilespmem:s8+$0xFFFFFFE0] =	vst v29  }
0xdf: {  	v28 =	vld.idx.msk [tilespmem:v28+s17+$0x0], $0xffff;
	[tilespmem:s8+$0x60] =	vst v25  }
0xe0: {  	[tilespmem:s8+$0xFFFFFF60] =	vst v26;
	v25 =	vld.idx.msk [tilespmem:v27+s17+$0x0], $0xffff  }
0xe1: {  	v24 =	vld.idx.msk [tilespmem:v24+s17+$0x0], $0xffff;
	_ =	sdelay $0x1  }
0xe2: {  	s6 =	sadd.s32 $0x4, s31;
	[tilespmem:s8+$0xF0] =	vst v30  }
0xe3: {  	s0 =	simm.s32 $0x180;
	s14 =	simm.s32 $0x0;
	s13 =	sshll.u32 s6, $0x4;
	[tilespmem:s8+$0xFFFFFFF0] =	vst v28  }
0xe4: {  	s28 =	simm.s32 $0x100;
	v50 =	vadd.s32 s0, v5;
	s13 =	sand.u32 $0x70, s13;
	s7 =	sshll.u32 s6, $0xB;
	[tilespmem:s8+$0x70] =	vst v25  }
0xe5: {  	s12 =	sadd.s32 s1, s10;
	v52 =	vadd.s32 s28, v5;
	v53 =	vadd.s32 s14, v5;
	v55 =	vadd.s32 s28, v6;
	s13 =	sadd.s32 s2, s13;
	s7 =	sand.u32 $0xFFFC000, s7;
	[tilespmem:s8+$0xFFFFFF70] =	vst v24  }
0xe6: {  	v56 =	vadd.s32 s14, v6;
	v58 =	vadd.s32 s0, v6;
	v59 =	vadd.s32 s28, v8;
	[hbm4b:s12+s4] =	stream.linear.scatter [tilespmem:s22], [sflag:$0x5], $0x4000, $0x38;
	[tilespmem:$0x18000] =	vst v63  }
0xe7: {  	v60 =	vadd.s32 s0, v8;
	v39 =	vadd.s32 s14, v8;
	v40 =	vadd.s32 s28, v9;
	s7 =	sadd.s32 s7, s13  }
0xe8: {  	v63 =	vadd.s32 s14, v9;
	v41 =	vadd.s32 s14, v11;
	v24 =	vadd.s32 s0, v0;
	[tilespmem:s17], [sflag:$0x2] =	stream.strided.gather [hbm4b:s7+s15], $0x4000, s16, s15, $0x38;
	[tilespmem:$0x18000] =	vst v63  }
0xe9: {  	v42 =	vadd.s32 s28, v11;
	v27 =	vadd.s32 s0, v2;
	vm9 =	vgt.u32 v24, v1;
	_ =	swait.ge [sflag:s23], $0x4000  }
0xea: {  	v29 =	vadd.s32 s28, v0;
	v25 =	vadd.s32 s14, v0;
	s12 =	simm.s32 $0x80;
	v24 =	vsel vm9, v27, v24;
	[sflag:s23] =	ssyncset.done $0x0  }
0xeb: {  	v26 =	vadd.s32 s14, v2;
	vm10 =	vgt.u32 v25, v1;
	v28 =	vadd.s32 s12, v0;
	s7 =	simm.s32 @!p0 $0x6;
	[sflag:s23] =	ssyncadd.s32 $0xFFFFC000  }
0xec: {  	v25 =	vsel vm10, v26, v25;
	v26 =	vadd.s32 s12, v2;
	vm1 =	vgt.u32 v28, v1;
	_ =	swait.ge @!p0 [sflag:s7], $0x4000  }
0xed: {  	vm2 =	vgt.u32 v29, v1;
	v27 =	vadd.s32 s28, v2;
	v26 =	vsel vm1, v26, v28;
	[sflag:s7] =	ssyncset.done @!p0 $0x0  }
0xee: {  	v43 =	vadd.s32 s0, v9;
	v30 =	vadd.s32 s0, v3;
	v27 =	vsel vm2, v27, v29;
	[sflag:s7] =	ssyncadd.s32 @!p0 $0xFFFFC000  }
0xef: {  	v44 =	vadd.s32 s0, v11;
	v45 =	vadd.s32 s28, v12;
	vm11 =	vgt.u32 v30, v4;
	v24 =	vld.idx.msk [tilespmem:v24+s18+$0x0], $0xffff  }
0xf0: {  	vm6 =	vgt.u32 v55, v7;
	vm3 =	vgt.u32 v58, v7;
	v30 =	vsel vm11, v50, v30  }
0xf1: {  	vm7 =	vgt.u32 v56, v7;
	v61 =	vsel vm3, v60, v58;
	v28 =	vadd.s32 s12, v3  }
0xf2: {  	v31 =	vadd.s32 s28, v3;
	v51 =	vadd.s32 s12, v5;
	vm12 =	vgt.u32 v28, v4;
	v26 =	vld.idx.msk [tilespmem:v26+s18+$0x0], $0xffff  }
0xf3: {  	vm13 =	vgt.u32 v31, v4;
	v29 =	vadd.s32 s14, v3;
	v28 =	vsel vm12, v51, v28;
	s7 =	simm.s32 $0x14100;
	v27 =	vld.idx.msk [tilespmem:v27+s18+$0x0], $0xffff  }
0xf4: {  	v47 =	vadd.s32 s28, v14;
	v31 =	vsel vm13, v52, v31;
	vm14 =	vgt.u32 v29, v4;
	v25 =	vld.idx.msk [tilespmem:v25+s18+$0x0], $0xffff;
	[tilespmem:s7+$0x80] =	vst v24  }
0xf5: {  	vm13 =	vgt.u32 v45, v13;
	v52 =	vadd.s32 s28, v17;
	v29 =	vsel vm14, v53, v29;
	v30 =	vld.idx.msk [tilespmem:v30+s18+$0x0], $0xffff  }
0xf6: {  	v48 =	vsel vm13, v47, v45;
	v33 =	vsel vm6, v59, v55;
	v55 =	vadd.s32 s28, v20  }
0xf7: {  	v59 =	vadd.s32 s0, v17;
	v49 =	vadd.s32 s0, v12;
	v54 =	vadd.s32 s12, v6;
	[tilespmem:s7+$0xFFFFFF80] =	vst v26  }
0xf8: {  	vm11 =	vgt.u32 v43, v10;
	v57 =	vadd.s32 s12, v8;
	vm15 =	vgt.u32 v54, v7;
	[tilespmem:s7+$0x0] =	vst v27;
	v28 =	vld.idx.msk [tilespmem:v28+s18+$0x0], $0xffff  }
0xf9: {  	v50 =	vadd.s32 s0, v14;
	v36 =	vsel vm11, v44, v43;
	v32 =	vsel vm15, v57, v54;
	[tilespmem:s7+$0xFFFFFF00] =	vst v25;
	v25 =	vld.idx.msk [tilespmem:v31+s18+$0x0], $0xffff  }
0xfa: {  	vm10 =	vgt.u32 v40, v10;
	v62 =	vadd.s32 s12, v9;
	vm9 =	vgt.u32 v63, v10;
	v29 =	vld.idx.msk [tilespmem:v29+s18+$0x0], $0xffff;
	[tilespmem:s7+$0x90] =	vst v30  }
0xfb: {  	v34 =	vsel vm10, v42, v40;
	v60 =	vadd.s32 s12, v21;
	v24 =	vsel vm7, v39, v56;
	v35 =	vld.idx.msk [tilespmem:v61+s18+$0x0], $0xffff  }
0xfc: {  	v46 =	vadd.s32 s12, v14;
	vm8 =	vgt.u32 v62, v10;
	vm13 =	vgt.u32 v60, v22  }
0xfd: {  	v57 =	vadd.s32 s0, v15;
	v53 =	vadd.s32 s28, v18;
	v51 =	vadd.s32 s12, v17;
	[tilespmem:s7+$0xFFFFFF90] =	vst v28  }
0xfe: {  	vm10 =	vgt.u32 v53, v19;
	v26 =	vadd.s32 s12, v11;
	v27 =	vsel vm9, v41, v63;
	[tilespmem:s7+$0x10] =	vst v25;
	v40 =	vld.idx.msk [tilespmem:v32+s18+$0x0], $0xffff  }
0xff: {  	v56 =	vadd.s32 s14, v20;
	v63 =	vadd.s32 s28, v23;
	v26 =	vsel vm8, v26, v62;
	[tilespmem:s7+$0xFFFFFF10] =	vst v29;
	v29 =	vld.idx.msk [tilespmem:v33+s18+$0x0], $0xffff  }
0x100: {  	v31 =	vadd.s32 s12, v12;
	vm8 =	vgt.u32 v49, v13;
	v62 =	vadd.s32 s28, v21;
	v24 =	vld.idx.msk [tilespmem:v24+s18+$0x0], $0xffff;
	[tilespmem:s7+$0xA0] =	vst v35  }
0x101: {  	vm12 =	vgt.u32 v31, v13;
	v30 =	vadd.s32 s14, v12;
	v28 =	vadd.s32 s14, v14;
	v35 =	vld.idx.msk [tilespmem:v36+s18+$0x0], $0xffff  }
0x102: {  	v25 =	vadd.s32 s14, v15;
	vm14 =	vgt.u32 v30, v13;
	v33 =	vsel vm8, v50, v49  }
0x103: {  	vm7 =	vgt.u32 v25, v16;
	v61 =	vadd.s32 s14, v21;
	v41 =	vsel vm14, v28, v30;
	[tilespmem:s7+$0xFFFFFFA0] =	vst v40  }
0x104: {  	v28 =	vsel vm12, v46, v31;
	v30 =	vadd.s32 s12, v15;
	vm12 =	vgt.u32 v57, v16;
	[tilespmem:s7+$0x20] =	vst v29;
	v54 =	vld.idx.msk [tilespmem:v26+s18+$0x0], $0xffff  }
0x105: {  	v31 =	vadd.s32 s28, v15;
	vm14 =	vgt.u32 v61, v22;
	vm15 =	vgt.u32 v30, v16;
	[tilespmem:s7+$0xFFFFFF20] =	vst v24;
	v24 =	vld.idx.msk [tilespmem:v34+s18+$0x0], $0xffff  }
0x106: {  	vm6 =	vgt.u32 v31, v16;
	v32 =	vsel vm15, v51, v30;
	v30 =	vadd.s32 s14, v17;
	v27 =	vld.idx.msk [tilespmem:v27+s18+$0x0], $0xffff;
	[tilespmem:s7+$0xB0] =	vst v35  }
0x107: {  	v31 =	vsel vm6, v52, v31;
	v30 =	vsel vm7, v30, v25;
	v25 =	vadd.s32 s12, v18;
	v58 =	vld.idx.msk [tilespmem:v33+s18+$0x0], $0xffff  }
0x108: {  	vm9 =	vgt.u32 v25, v19;
	v29 =	vadd.s32 s12, v20;
	v35 =	vsel vm12, v59, v57  }
0x109: {  	vm15 =	vgt.u32 v62, v22;
	v26 =	vadd.s32 s14, v18;
	v29 =	vsel vm9, v29, v25;
	[tilespmem:s7+$0xFFFFFFB0] =	vst v54  }
0x10a: {  	v25 =	vsel vm10, v55, v53;
	vm11 =	vgt.u32 v26, v19;
	[tilespmem:s7+$0x30] =	vst v24;
	v24 =	vadd.s32 s12, v23;
	v33 =	vld.idx.msk [tilespmem:v28+s18+$0x0], $0xffff  }
0x10b: {  	v26 =	vsel vm11, v56, v26;
	[tilespmem:s7+$0xFFFFFF30] =	vst v27;
	v27 =	vadd.s32 s14, v23;
	v34 =	vld.idx.msk [tilespmem:v48+s18+$0x0], $0xffff;
	v28 =	vsel vm13, v24, v60  }
0x10c: {  	s13 =	simm.s32 $0x200;
	s8 =	simm.s32 $0x14100;
	s12 =	simm.s32 $0x0;
	v36 =	vld.idx.msk [tilespmem:v41+s18+$0x0], $0xffff;
	v24 =	vsel vm14, v27, v61;
	v27 =	vsel vm15, v63, v62;
	[tilespmem:s7+$0xC0] =	vst v58  }
.LBB2_7:
0x10d: {  	v37 =	vadd.s32 s13, v0;
	v38 =	vadd.s32 s13, v2;
	s6 =	sadd.s32 $0x80, s13;
	s28 =	sadd.s32 $0x180, s13;
	s12 =	sadd.s32 $0x4, s12;
	v35 =	vld.idx.msk [tilespmem:v35+s18+$0x0], $0xffff;
	v39 =	vadd.s32 s0, v18  }
0x10e: {  	s14 =	sadd.s32 $0x100, s13;
	v41 =	vadd.s32 s0, v20;
	v40 =	vadd.s32 s28, v0;
	p0 =	slt.u32 s12, $0x7C;
	vm0 =	vgt.u32 v39, v19  }
0x10f: {  	v42 =	vadd.s32 s28, v2;
	vm1 =	vgt.u32 v40, v1;
	[tilespmem:s7+$0xFFFFFFC0] =	vst v33;
	v33 =	vsel vm0, v41, v39  }
0x110: {  	v39 =	vadd.s32 s6, v0;
	v41 =	vadd.s32 s14, v0;
	v40 =	vsel vm1, v42, v40;
	v32 =	vld.idx.msk [tilespmem:v32+s18+$0x0], $0xffff;
	[tilespmem:s7+$0x40] =	vst v34  }
0x111: {  	vm0 =	vgt.u32 v37, v1;
	vm1 =	vgt.u32 v39, v1;
	vm2 =	vgt.u32 v41, v1;
	[tilespmem:s7+$0xFFFFFF40] =	vst v36  }
0x112: {  	v34 =	vsel vm0, v38, v37;
	v37 =	vadd.s32 s14, v2;
	v36 =	vadd.s32 s6, v2;
	v31 =	vld.idx.msk [tilespmem:v31+s18+$0x0], $0xffff  }
0x113: {  	v38 =	vadd.s32 s6, v3;
	v37 =	vsel vm2, v37, v41;
	v36 =	vsel vm1, v36, v39;
	v30 =	vld.idx.msk [tilespmem:v30+s18+$0x0], $0xffff;
	[tilespmem:s7+$0xD0] =	vst v35  }
0x114: {  	v41 =	vadd.s32 s0, v21;
	v39 =	vadd.s32 s14, v3;
	v35 =	vadd.s32 s13, v3;
	v33 =	vld.idx.msk [tilespmem:v33+s18+$0x0], $0xffff  }
0x115: {  	v43 =	vadd.s32 s0, v23;
	v42 =	vadd.s32 s28, v3;
	s0 =	smov.u32 s28;
	vm0 =	vgt.u32 v41, v22;
	v40 =	vld.idx.msk [tilespmem:v40+s18+$0x0], $0xffff  }
0x116: {  	vm1 =	vgt.u32 v42, v4;
	v44 =	vadd.s32 s0, v5;
	[tilespmem:s7+$0xFFFFFFD0] =	vst v32;
	v32 =	vsel vm0, v43, v41  }
0x117: {  	vm2 =	vgt.u32 v39, v4;
	vm0 =	vgt.u32 v38, v4;
	v41 =	vsel vm1, v44, v42;
	v34 =	vld.idx.msk [tilespmem:v34+s18+$0x0], $0xffff  }
0x118: {  	vm1 =	vgt.u32 v35, v4;
	v42 =	vadd.s32 s6, v5;
	v43 =	vadd.s32 s14, v5;
	v36 =	vld.idx.msk [tilespmem:v36+s18+$0x0], $0xffff;
	[tilespmem:s7+$0x50] =	vst v31  }
0x119: {  	v38 =	vsel vm0, v42, v38;
	v39 =	vsel vm2, v43, v39;
	v31 =	vadd.s32 s13, v5;
	v37 =	vld.idx.msk [tilespmem:v37+s18+$0x0], $0xffff;
	[tilespmem:s7+$0xFFFFFF50] =	vst v30  }
0x11a: {  	v30 =	vsel vm1, v31, v35;
	v31 =	vadd.s32 s6, v6;
	v35 =	vadd.s32 s14, v6;
	s7 =	sadd.s32 $0x200, s7;
	v29 =	vld.idx.msk [tilespmem:v29+s18+$0x0], $0xffff;
	[tilespmem:s8+$0xE0] =	vst v33  }
0x11b: {  	v33 =	vadd.s32 s13, v6;
	vm0 =	vgt.u32 v31, v7;
	vm1 =	vgt.u32 v35, v7;
	[tilespmem:s7+$0x80] =	vst v40;
	v32 =	vld.idx.msk [tilespmem:v32+s18+$0x0], $0xffff  }
0x11c: {  	v42 =	vadd.s32 s0, v6;
	vm2 =	vgt.u32 v33, v7;
	v40 =	vadd.s32 s6, v8;
	v41 =	vld.idx.msk [tilespmem:v41+s18+$0x0], $0xffff  }
0x11d: {  	v43 =	vadd.s32 s0, v8;
	vm3 =	vgt.u32 v42, v7;
	[tilespmem:s7+$0xFFFFFF00] =	vst v34;
	v34 =	vadd.s32 s14, v8;
	v25 =	vld.idx.msk [tilespmem:v25+s18+$0x0], $0xffff  }
0x11e: {  	v44 =	vadd.s32 s13, v8;
	v31 =	vsel vm0, v40, v31;
	[tilespmem:s7+$0xFFFFFF80] =	vst v36;
	v36 =	vsel vm3, v43, v42;
	v26 =	vld.idx.msk [tilespmem:v26+s18+$0x0], $0xffff  }
0x11f: {  	v33 =	vsel vm2, v44, v33;
	v40 =	vadd.s32 s6, v9;
	v34 =	vsel vm1, v34, v35;
	v38 =	vld.idx.msk [tilespmem:v38+s18+$0x0], $0xffff;
	[tilespmem:s7+$0x0] =	vst v37  }
0x120: {  	vm0 =	vgt.u32 v40, v10;
	v35 =	vadd.s32 s13, v9;
	v37 =	vld.idx.msk [tilespmem:v39+s18+$0x0], $0xffff;
	v39 =	vadd.s32 s14, v9;
	[tilespmem:s8+$0xFFFFFFE0] =	vst v29  }
0x121: {  	vm1 =	vgt.u32 v35, v10;
	v29 =	vld.idx.msk [tilespmem:v30+s18+$0x0], $0xffff;
	v30 =	vadd.s32 s6, v11;
	vm2 =	vgt.u32 v39, v10;
	[tilespmem:s8+$0xF0] =	vst v32  }
0x122: {  	v32 =	vadd.s32 s13, v11;
	v30 =	vsel vm0, v30, v40;
	v40 =	vadd.s32 s14, v11;
	[tilespmem:s7+$0x90] =	vst v41;
	v28 =	vld.idx.msk [tilespmem:v28+s18+$0x0], $0xffff  }
0x123: {  	v35 =	vsel vm1, v32, v35;
	v39 =	vsel vm2, v40, v39;
	v32 =	vld.idx.msk [tilespmem:v36+s18+$0x0], $0xffff;
	v36 =	vadd.s32 s0, v9;
	[tilespmem:s8+$0x60] =	vst v25  }
0x124: {  	v25 =	vadd.s32 s6, v12;
	v40 =	vadd.s32 s0, v11;
	vm0 =	vgt.u32 v36, v10;
	[tilespmem:s8+$0xFFFFFF60] =	vst v26;
	v26 =	vld.idx.msk [tilespmem:v27+s18+$0x0], $0xffff  }
0x125: {  	v27 =	vadd.s32 s13, v12;
	[tilespmem:s7+$0xFFFFFF90] =	vst v38;
	v38 =	vadd.s32 s14, v12;
	v36 =	vsel vm0, v40, v36;
	v24 =	vld.idx.msk [tilespmem:v24+s18+$0x0], $0xffff  }
0x126: {  	vm0 =	vgt.u32 v25, v13;
	v40 =	vadd.s32 s6, v14;
	v31 =	vld.idx.msk [tilespmem:v31+s18+$0x0], $0xffff;
	[tilespmem:s7+$0x10] =	vst v37;
	vm1 =	vgt.u32 v38, v13  }
0x127: {  	vm2 =	vgt.u32 v27, v13;
	v37 =	vadd.s32 s14, v14;
	[tilespmem:s7+$0xFFFFFF10] =	vst v29;
	v29 =	vadd.s32 s13, v14;
	v34 =	vld.idx.msk [tilespmem:v34+s18+$0x0], $0xffff  }
0x128: {  	v40 =	vsel vm0, v40, v25;
	v37 =	vsel vm1, v37, v38;
	v33 =	vld.idx.msk [tilespmem:v33+s18+$0x0], $0xffff;
	v27 =	vsel vm2, v29, v27  }
0x129: {  	v25 =	vadd.s32 s13, v15;
	v38 =	vadd.s32 s14, v15;
	v29 =	vadd.s32 s6, v15;
	[tilespmem:s7+$0xA0] =	vst v32  }
0x12a: {  	vm1 =	vgt.u32 v38, v16;
	vm0 =	vgt.u32 v29, v16;
	v32 =	vadd.s32 s0, v12;
	v36 =	vld.idx.msk [tilespmem:v36+s18+$0x0], $0xffff;
	[tilespmem:s8+$0xFFFFFFF0] =	vst v28  }
0x12b: {  	vm2 =	vgt.u32 v25, v16;
	vm3 =	vgt.u32 v32, v13;
	v28 =	vadd.s32 s0, v14;
	[tilespmem:s8+$0x70] =	vst v26  }
0x12c: {  	v26 =	vadd.s32 s6, v17;
	v28 =	vsel vm3, v28, v32;
	[tilespmem:s7+$0xFFFFFFA0] =	vst v31;
	v31 =	vadd.s32 s14, v17  }
0x12d: {  	v41 =	vadd.s32 s13, v17;
	v32 =	vsel vm0, v26, v29;
	v42 =	vld.idx.msk [tilespmem:v30+s18+$0x0], $0xffff;
	[tilespmem:s7+$0x20] =	vst v34;
	v31 =	vsel vm1, v31, v38  }
0x12e: {  	v26 =	vadd.s32 s14, v18;
	v30 =	vsel vm2, v41, v25;
	v25 =	vadd.s32 s6, v18;
	[tilespmem:s7+$0xFFFFFF20] =	vst v33;
	v34 =	vld.idx.msk [tilespmem:v39+s18+$0x0], $0xffff  }
0x12f: {  	vm1 =	vgt.u32 v26, v19;
	v33 =	vadd.s32 s13, v18;
	vm0 =	vgt.u32 v25, v19;
	v38 =	vld.idx.msk [tilespmem:v35+s18+$0x0], $0xffff;
	[tilespmem:s8+$0xFFFFFF70] =	vst v24;
	s8 =	smov.u32 s7  }
0x130: {  	vm2 =	vgt.u32 v33, v19;
	v24 =	vadd.s32 s6, v20;
	v35 =	vadd.s32 s14, v20;
	[tilespmem:s7+$0xB0] =	vst v36  }
0x131: {  	v36 =	vadd.s32 s13, v20;
	v29 =	vsel vm0, v24, v25;
	v24 =	vadd.s32 s0, v15;
	v39 =	vld.idx.msk [tilespmem:v28+s18+$0x0], $0xffff  }
0x132: {  	v25 =	vsel vm1, v35, v26;
	vm0 =	vgt.u32 v24, v16;
	v28 =	vadd.s32 s0, v17  }
.Ltmp2:
0x133: {  	v41 =	vadd.s32 s6, v21;
	v26 =	vsel vm2, v36, v33;
	v35 =	vsel vm0, v28, v24;
	[tilespmem:s7+$0xFFFFFFB0] =	vst v42;
	(pc) =	sbr.rel @p0 .LBB2_7-.Ltmp2, $4  }
0x134: {  	v24 =	vadd.s32 s13, v21;
	vm0 =	vgt.u32 v41, v22;
	v33 =	vld.idx.msk [tilespmem:v40+s18+$0x0], $0xffff;
	[tilespmem:s7+$0x30] =	vst v34;
	v40 =	vadd.s32 s14, v21  }
0x135: {  	v28 =	vadd.s32 s6, v23;
	vm1 =	vgt.u32 v24, v22;
	[tilespmem:s7+$0xFFFFFF30] =	vst v38;
	v34 =	vld.idx.msk [tilespmem:v37+s18+$0x0], $0xffff;
	vm2 =	vgt.u32 v40, v22  }
0x136: {  	v28 =	vsel vm0, v28, v41;
	v37 =	vadd.s32 s14, v23;
	v36 =	vld.idx.msk [tilespmem:v27+s18+$0x0], $0xffff;
	v27 =	vadd.s32 s13, v23  }
0x137: {  	s13 =	sadd.s32 $0x200, s13;
	v24 =	vsel vm1, v27, v24;
	v27 =	vsel vm2, v37, v40;
	[tilespmem:s7+$0xC0] =	vst v39  }
0x138: {  	_ =	sdelay $0x2  }
0x139: {  	v37 =	vadd.s32 s0, v18  }
0x13a: {  	v35 =	vld.idx.msk [tilespmem:v35+s18+$0x0], $0xffff;
	v38 =	vadd.s32 s0, v20;
	vm0 =	vgt.u32 v37, v19;
	[tilespmem:s7+$0xFFFFFFC0] =	vst v33  }
0x13b: {  	v59 =	vsel vm0, v38, v37;
	v32 =	vld.idx.msk [tilespmem:v32+s18+$0x0], $0xffff;
	[tilespmem:s7+$0x40] =	vst v34  }
0x13c: {  	[tilespmem:s7+$0xFFFFFF40] =	vst v36;
	v31 =	vld.idx.msk [tilespmem:v31+s18+$0x0], $0xffff  }
0x13d: {  	v30 =	vld.idx.msk [tilespmem:v30+s18+$0x0], $0xffff;
	_ =	sdelay $0x1  }
0x13e: {  	v60 =	vadd.s32 s0, v21;
	[tilespmem:s7+$0xD0] =	vst v35  }
0x13f: {  	v61 =	vadd.s32 s0, v23;
	vm15 =	vgt.u32 v60, v22;
	v33 =	vld.idx.msk [tilespmem:v59+s18+$0x0], $0xffff;
	[tilespmem:s7+$0xFFFFFFD0] =	vst v32  }
0x140: {  	v62 =	vsel vm15, v61, v60;
	[tilespmem:s7+$0x50] =	vst v31;
	v29 =	vld.idx.msk [tilespmem:v29+s18+$0x0], $0xffff  }
0x141: {  	[tilespmem:s7+$0xFFFFFF50] =	vst v30;
	v25 =	vld.idx.msk [tilespmem:v25+s18+$0x0], $0xffff  }
0x142: {  	v26 =	vld.idx.msk [tilespmem:v26+s18+$0x0], $0xffff;
	_ =	sdelay $0x1  }
0x143: {  	[tilespmem:s8+$0xE0] =	vst v33  }
0x144: {  	v63 =	vld.idx.msk [tilespmem:v62+s18+$0x0], $0xffff;
	[tilespmem:s8+$0xFFFFFFE0] =	vst v29  }
0x145: {  	v28 =	vld.idx.msk [tilespmem:v28+s18+$0x0], $0xffff;
	[tilespmem:s8+$0x60] =	vst v25  }
0x146: {  	[tilespmem:s8+$0xFFFFFF60] =	vst v26;
	v25 =	vld.idx.msk [tilespmem:v27+s18+$0x0], $0xffff  }
0x147: {  	v24 =	vld.idx.msk [tilespmem:v24+s18+$0x0], $0xffff  }
0x148: {  	s0 =	sadd.s32 $0x5, s31  }
0x149: {  	p0 =	sge.u32 s0, s9;
	[tilespmem:s8+$0xF0] =	vst v63  }
0x14a: {  	s28 =	sadd.s32 s1, s11;
	s1 =	sshll.u32 @!p0 s0, $0x4;
	[tilespmem:s8+$0xFFFFFFF0] =	vst v28  }
0x14b: {  	s30 =	sadd.s32 $0x1, s30;
	s0 =	sshll.u32 @!p0 s0, $0xB;
	s1 =	sand.u32 @!p0 $0x70, s1;
	[tilespmem:s8+$0x70] =	vst v25  }
0x14c: {  	s6 =	simm.s32 @!p0 $0x400;
	s0 =	sand.u32 @!p0 $0xFFFC000, s0;
	s1 =	sadd.s32 @!p0 s2, s1;
	[tilespmem:s8+$0xFFFFFF70] =	vst v24  }
0x14d: {  	[hbm4b:s28+s4] =	stream.linear.scatter [tilespmem:s24], [sflag:$0x6], $0x4000, $0x38;
	[tilespmem:$0x18000] =	vst v63  }
0x14e: {  	s0 =	sadd.s32 @!p0 s0, s1;
	s1 =	simm.s32 @!p0 $0x80;
	s7 =	simm.s32 @!p0 $0x8000  }
0x14f: {  	[tilespmem:s7], [sflag:$0x3] =	stream.strided.gather @!p0 [hbm4b:s0+s1], $0x4000, s6, s1, $0x38;
	[tilespmem:$0x18000] =	vst v63  }
0x150: {  	p0 =	sne.s32 s30, $0x2A  }
.Ltmp3:
0x151: {  	_ = 	snop;
	(pc) =	sbr.rel @p0 .LBB2_2-.Ltmp3, $1  }
0x152: {  	_ =	sdelay $0x3  }
0x153: {  	s0 =	simm.s32 $0x180;
	s6 =	simm.s32 $0x0  }
0x154: {  	s8 =	simm.s32 $0x80;
	s7 =	simm.s32 $0x100;
	v24 =	vadd.s32 s0, v0;
	v25 =	vadd.s32 s6, v0;
	v26 =	vadd.s32 s6, v2  }
0x155: {  	v27 =	vadd.s32 s0, v2;
	v28 =	vadd.s32 s8, v0;
	v29 =	vadd.s32 s7, v0  }
0x156: {  	v30 =	vadd.s32 s0, v3;
	v31 =	vadd.s32 s7, v3;
	v32 =	vadd.s32 s0, v5  }
0x157: {  	v57 =	vadd.s32 s8, v5;
	v33 =	vadd.s32 s7, v5;
	v34 =	vadd.s32 s6, v5  }
0x158: {  	_ =	swait.ge [sflag:s19], $0x4000;
	v58 =	vadd.s32 s8, v6;
	v59 =	vadd.s32 s7, v6;
	vm0 =	vgt.u32 v24, v1  }
0x159: {  	[sflag:s19] =	ssyncset.done $0x0;
	v60 =	vadd.s32 s6, v6;
	v35 =	vadd.s32 s8, v8;
	v24 =	vsel vm0, v27, v24  }
0x15a: {  	v36 =	vadd.s32 s0, v6;
	v37 =	vadd.s32 s7, v8;
	vm10 =	vgt.u32 v25, v1;
	[sflag:s19] =	ssyncadd.s32 $0xFFFFC000  }
0x15b: {  	vm1 =	vgt.u32 v28, v1;
	v25 =	vsel vm10, v26, v25;
	v26 =	vadd.s32 s8, v2;
	_ =	swait.ge [sflag:s25], $0x4000  }
0x15c: {  	vm2 =	vgt.u32 v29, v1;
	v27 =	vadd.s32 s7, v2;
	v26 =	vsel vm1, v26, v28;
	[sflag:s25] =	ssyncset.done $0x0  }
0x15d: {  	v38 =	vadd.s32 s0, v8;
	v39 =	vadd.s32 s6, v8;
	v27 =	vsel vm2, v27, v29;
	[sflag:s25] =	ssyncadd.s32 $0xFFFFC000  }
0x15e: {  	v62 =	vadd.s32 s8, v9;
	v63 =	vadd.s32 s6, v9;
	vm11 =	vgt.u32 v30, v4;
	v24 =	vld.idx.msk [tilespmem:v24+s4+$0x0], $0xffff  }
0x15f: {  	v40 =	vadd.s32 s7, v9;
	v30 =	vsel vm11, v32, v30;
	v29 =	vadd.s32 s6, v3  }
0x160: {  	v41 =	vadd.s32 s6, v11;
	v28 =	vadd.s32 s8, v3;
	vm14 =	vgt.u32 v29, v4;
	v25 =	vld.idx.msk [tilespmem:v25+s4+$0x0], $0xffff  }
0x161: {  	v42 =	vadd.s32 s7, v11;
	vm12 =	vgt.u32 v28, v4;
	v29 =	vsel vm14, v34, v29;
	v26 =	vld.idx.msk [tilespmem:v26+s4+$0x0], $0xffff  }
0x162: {  	s1 =	simm.s32 $0xC100;
	v43 =	vadd.s32 s0, v9;
	vm13 =	vgt.u32 v31, v4;
	v28 =	vsel vm12, v57, v28;
	v27 =	vld.idx.msk [tilespmem:v27+s4+$0x0], $0xffff  }
0x163: {  	v44 =	vadd.s32 s0, v11;
	v45 =	vadd.s32 s7, v12;
	v31 =	vsel vm13, v33, v31;
	[tilespmem:s1+$0x80] =	vst v24  }
0x164: {  	v46 =	vadd.s32 s8, v14;
	v47 =	vadd.s32 s7, v14;
	vm3 =	vgt.u32 v36, v7;
	v30 =	vld.idx.msk [tilespmem:v30+s4+$0x0], $0xffff  }
0x165: {  	v49 =	vadd.s32 s0, v12;
	v50 =	vadd.s32 s0, v14;
	v61 =	vsel vm3, v38, v36;
	[tilespmem:s1+$0xFFFFFF00] =	vst v25  }
0x166: {  	v51 =	vadd.s32 s8, v17;
	v52 =	vadd.s32 s7, v17;
	vm7 =	vgt.u32 v60, v7;
	[tilespmem:s1+$0xFFFFFF80] =	vst v26;
	v29 =	vld.idx.msk [tilespmem:v29+s4+$0x0], $0xffff  }
0x167: {  	v53 =	vadd.s32 s7, v18;
	vm15 =	vgt.u32 v58, v7;
	v24 =	vsel vm7, v39, v60;
	[tilespmem:s1+$0x0] =	vst v27;
	v28 =	vld.idx.msk [tilespmem:v28+s4+$0x0], $0xffff  }
0x168: {  	v55 =	vadd.s32 s7, v20;
	vm6 =	vgt.u32 v59, v7;
	v32 =	vsel vm15, v35, v58;
	v25 =	vld.idx.msk [tilespmem:v31+s4+$0x0], $0xffff  }
0x169: {  	v56 =	vadd.s32 s6, v20;
	vm8 =	vgt.u32 v62, v10;
	v33 =	vsel vm6, v37, v59;
	[tilespmem:s1+$0x90] =	vst v30  }
0x16a: {  	vm9 =	vgt.u32 v63, v10;
	vm11 =	vgt.u32 v43, v10;
	vm13 =	vgt.u32 v45, v13;
	v35 =	vld.idx.msk [tilespmem:v61+s4+$0x0], $0xffff  }
0x16b: {  	vm10 =	vgt.u32 v40, v10;
	v36 =	vsel vm11, v44, v43;
	v48 =	vsel vm13, v47, v45;
	[tilespmem:s1+$0xFFFFFF10] =	vst v29  }
0x16c: {  	v59 =	vadd.s32 s0, v17;
	v34 =	vsel vm10, v42, v40;
	vm10 =	vgt.u32 v53, v19;
	[tilespmem:s1+$0xFFFFFF90] =	vst v28;
	v24 =	vld.idx.msk [tilespmem:v24+s4+$0x0], $0xffff  }
0x16d: {  	v60 =	vadd.s32 s8, v21;
	v26 =	vadd.s32 s8, v11;
	v27 =	vsel vm9, v41, v63;
	[tilespmem:s1+$0x10] =	vst v25;
	v40 =	vld.idx.msk [tilespmem:v32+s4+$0x0], $0xffff  }
0x16e: {  	v57 =	vadd.s32 s0, v15;
	vm13 =	vgt.u32 v60, v22;
	v26 =	vsel vm8, v26, v62;
	v29 =	vld.idx.msk [tilespmem:v33+s4+$0x0], $0xffff  }
0x16f: {  	v31 =	vadd.s32 s8, v12;
	vm8 =	vgt.u32 v49, v13;
	v30 =	vadd.s32 s6, v12;
	[tilespmem:s1+$0xA0] =	vst v35  }
0x170: {  	v62 =	vadd.s32 s7, v21;
	vm12 =	vgt.u32 v31, v13;
	vm14 =	vgt.u32 v30, v13;
	v35 =	vld.idx.msk [tilespmem:v36+s4+$0x0], $0xffff  }
0x171: {  	v28 =	vadd.s32 s6, v14;
	v25 =	vadd.s32 s6, v15;
	v33 =	vsel vm8, v50, v49;
	[tilespmem:s1+$0xFFFFFF20] =	vst v24  }
0x172: {  	v61 =	vadd.s32 s6, v21;
	v41 =	vsel vm14, v28, v30;
	v28 =	vsel vm12, v46, v31;
	[tilespmem:s1+$0xFFFFFFA0] =	vst v40;
	v27 =	vld.idx.msk [tilespmem:v27+s4+$0x0], $0xffff  }
0x173: {  	v30 =	vadd.s32 s8, v15;
	v31 =	vadd.s32 s7, v15;
	vm7 =	vgt.u32 v25, v16;
	[tilespmem:s1+$0x20] =	vst v29;
	v54 =	vld.idx.msk [tilespmem:v26+s4+$0x0], $0xffff  }
0x174: {  	vm12 =	vgt.u32 v57, v16;
	vm14 =	vgt.u32 v61, v22;
	vm15 =	vgt.u32 v30, v16;
	v24 =	vld.idx.msk [tilespmem:v34+s4+$0x0], $0xffff  }
0x175: {  	vm6 =	vgt.u32 v31, v16;
	v32 =	vsel vm15, v51, v30;
	v30 =	vadd.s32 s6, v17;
	[tilespmem:s1+$0xB0] =	vst v35  }
0x176: {  	v31 =	vsel vm6, v52, v31;
	v30 =	vsel vm7, v30, v25;
	v25 =	vadd.s32 s8, v18;
	v58 =	vld.idx.msk [tilespmem:v33+s4+$0x0], $0xffff  }
0x177: {  	vm9 =	vgt.u32 v25, v19;
	v29 =	vadd.s32 s8, v20;
	v35 =	vsel vm12, v59, v57;
	[tilespmem:s1+$0xFFFFFF30] =	vst v27  }
0x178: {  	vm15 =	vgt.u32 v62, v22;
	v26 =	vadd.s32 s6, v18;
	v29 =	vsel vm9, v29, v25;
	[tilespmem:s1+$0xFFFFFFB0] =	vst v54;
	v36 =	vld.idx.msk [tilespmem:v41+s4+$0x0], $0xffff  }
0x179: {  	v63 =	vadd.s32 s7, v23;
	v25 =	vsel vm10, v55, v53;
	vm11 =	vgt.u32 v26, v19;
	[tilespmem:s1+$0x30] =	vst v24;
	v33 =	vld.idx.msk [tilespmem:v28+s4+$0x0], $0xffff  }
0x17a: {  	v26 =	vsel vm11, v56, v26;
	v27 =	vadd.s32 s6, v23;
	v24 =	vadd.s32 s8, v23;
	v34 =	vld.idx.msk [tilespmem:v48+s4+$0x0], $0xffff  }
0x17b: {  	s12 =	simm.s32 $0x200;
	s7 =	simm.s32 $0xC100;
	s8 =	simm.s32 $0x0;
	v28 =	vsel vm13, v24, v60;
	v24 =	vsel vm14, v27, v61;
	v27 =	vsel vm15, v63, v62;
	[tilespmem:s1+$0xC0] =	vst v58  }
.LBB2_10:
0x17c: {  	v37 =	vadd.s32 s12, v0;
	v38 =	vadd.s32 s12, v2;
	s6 =	sadd.s32 $0x80, s12;
	s14 =	sadd.s32 $0x180, s12;
	s8 =	sadd.s32 $0x4, s8;
	v35 =	vld.idx.msk [tilespmem:v35+s4+$0x0], $0xffff;
	v39 =	vadd.s32 s0, v18  }
0x17d: {  	s13 =	sadd.s32 $0x100, s12;
	v41 =	vadd.s32 s0, v20;
	v40 =	vadd.s32 s14, v0;
	p0 =	slt.u32 s8, $0x7C;
	vm0 =	vgt.u32 v39, v19  }
0x17e: {  	v42 =	vadd.s32 s14, v2;
	vm1 =	vgt.u32 v40, v1;
	[tilespmem:s1+$0xFFFFFFC0] =	vst v33;
	v33 =	vsel vm0, v41, v39  }
0x17f: {  	v39 =	vadd.s32 s6, v0;
	v41 =	vadd.s32 s13, v0;
	v40 =	vsel vm1, v42, v40;
	v32 =	vld.idx.msk [tilespmem:v32+s4+$0x0], $0xffff;
	[tilespmem:s1+$0x40] =	vst v34  }
0x180: {  	vm0 =	vgt.u32 v37, v1;
	vm1 =	vgt.u32 v39, v1;
	vm2 =	vgt.u32 v41, v1;
	[tilespmem:s1+$0xFFFFFF40] =	vst v36  }
0x181: {  	v34 =	vsel vm0, v38, v37;
	v37 =	vadd.s32 s13, v2;
	v36 =	vadd.s32 s6, v2;
	v31 =	vld.idx.msk [tilespmem:v31+s4+$0x0], $0xffff  }
0x182: {  	v38 =	vadd.s32 s6, v3;
	v37 =	vsel vm2, v37, v41;
	v36 =	vsel vm1, v36, v39;
	v30 =	vld.idx.msk [tilespmem:v30+s4+$0x0], $0xffff;
	[tilespmem:s1+$0xD0] =	vst v35  }
0x183: {  	v41 =	vadd.s32 s0, v21;
	v39 =	vadd.s32 s13, v3;
	v35 =	vadd.s32 s12, v3;
	v33 =	vld.idx.msk [tilespmem:v33+s4+$0x0], $0xffff  }
0x184: {  	v43 =	vadd.s32 s0, v23;
	v42 =	vadd.s32 s14, v3;
	s0 =	smov.u32 s14;
	vm0 =	vgt.u32 v41, v22;
	v40 =	vld.idx.msk [tilespmem:v40+s4+$0x0], $0xffff  }
0x185: {  	vm1 =	vgt.u32 v42, v4;
	v44 =	vadd.s32 s0, v5;
	[tilespmem:s1+$0xFFFFFFD0] =	vst v32;
	v32 =	vsel vm0, v43, v41  }
0x186: {  	vm2 =	vgt.u32 v39, v4;
	vm0 =	vgt.u32 v38, v4;
	v41 =	vsel vm1, v44, v42;
	v34 =	vld.idx.msk [tilespmem:v34+s4+$0x0], $0xffff  }
0x187: {  	vm1 =	vgt.u32 v35, v4;
	v42 =	vadd.s32 s6, v5;
	v43 =	vadd.s32 s13, v5;
	v36 =	vld.idx.msk [tilespmem:v36+s4+$0x0], $0xffff;
	[tilespmem:s1+$0x50] =	vst v31  }
0x188: {  	v38 =	vsel vm0, v42, v38;
	v39 =	vsel vm2, v43, v39;
	v31 =	vadd.s32 s12, v5;
	v37 =	vld.idx.msk [tilespmem:v37+s4+$0x0], $0xffff;
	[tilespmem:s1+$0xFFFFFF50] =	vst v30  }
0x189: {  	v30 =	vsel vm1, v31, v35;
	v31 =	vadd.s32 s6, v6;
	v35 =	vadd.s32 s13, v6;
	s1 =	sadd.s32 $0x200, s1;
	v29 =	vld.idx.msk [tilespmem:v29+s4+$0x0], $0xffff;
	[tilespmem:s7+$0xE0] =	vst v33  }
0x18a: {  	v33 =	vadd.s32 s12, v6;
	vm0 =	vgt.u32 v31, v7;
	vm1 =	vgt.u32 v35, v7;
	[tilespmem:s1+$0x80] =	vst v40;
	v32 =	vld.idx.msk [tilespmem:v32+s4+$0x0], $0xffff  }
0x18b: {  	v42 =	vadd.s32 s0, v6;
	vm2 =	vgt.u32 v33, v7;
	v40 =	vadd.s32 s6, v8;
	v41 =	vld.idx.msk [tilespmem:v41+s4+$0x0], $0xffff  }
0x18c: {  	v43 =	vadd.s32 s0, v8;
	vm3 =	vgt.u32 v42, v7;
	[tilespmem:s1+$0xFFFFFF00] =	vst v34;
	v34 =	vadd.s32 s13, v8;
	v25 =	vld.idx.msk [tilespmem:v25+s4+$0x0], $0xffff  }
0x18d: {  	v44 =	vadd.s32 s12, v8;
	v31 =	vsel vm0, v40, v31;
	[tilespmem:s1+$0xFFFFFF80] =	vst v36;
	v36 =	vsel vm3, v43, v42;
	v26 =	vld.idx.msk [tilespmem:v26+s4+$0x0], $0xffff  }
0x18e: {  	v33 =	vsel vm2, v44, v33;
	v40 =	vadd.s32 s6, v9;
	v34 =	vsel vm1, v34, v35;
	v38 =	vld.idx.msk [tilespmem:v38+s4+$0x0], $0xffff;
	[tilespmem:s1+$0x0] =	vst v37  }
0x18f: {  	vm0 =	vgt.u32 v40, v10;
	v35 =	vadd.s32 s12, v9;
	v37 =	vld.idx.msk [tilespmem:v39+s4+$0x0], $0xffff;
	v39 =	vadd.s32 s13, v9;
	[tilespmem:s7+$0xFFFFFFE0] =	vst v29  }
0x190: {  	vm1 =	vgt.u32 v35, v10;
	v29 =	vld.idx.msk [tilespmem:v30+s4+$0x0], $0xffff;
	v30 =	vadd.s32 s6, v11;
	vm2 =	vgt.u32 v39, v10;
	[tilespmem:s7+$0xF0] =	vst v32  }
0x191: {  	v32 =	vadd.s32 s12, v11;
	v30 =	vsel vm0, v30, v40;
	v40 =	vadd.s32 s13, v11;
	[tilespmem:s1+$0x90] =	vst v41;
	v28 =	vld.idx.msk [tilespmem:v28+s4+$0x0], $0xffff  }
0x192: {  	v35 =	vsel vm1, v32, v35;
	v39 =	vsel vm2, v40, v39;
	v32 =	vld.idx.msk [tilespmem:v36+s4+$0x0], $0xffff;
	v36 =	vadd.s32 s0, v9;
	[tilespmem:s7+$0x60] =	vst v25  }
0x193: {  	v25 =	vadd.s32 s6, v12;
	v40 =	vadd.s32 s0, v11;
	vm0 =	vgt.u32 v36, v10;
	[tilespmem:s7+$0xFFFFFF60] =	vst v26;
	v26 =	vld.idx.msk [tilespmem:v27+s4+$0x0], $0xffff  }
0x194: {  	v27 =	vadd.s32 s12, v12;
	[tilespmem:s1+$0xFFFFFF90] =	vst v38;
	v38 =	vadd.s32 s13, v12;
	v36 =	vsel vm0, v40, v36;
	v24 =	vld.idx.msk [tilespmem:v24+s4+$0x0], $0xffff  }
0x195: {  	vm0 =	vgt.u32 v25, v13;
	v40 =	vadd.s32 s6, v14;
	v31 =	vld.idx.msk [tilespmem:v31+s4+$0x0], $0xffff;
	[tilespmem:s1+$0x10] =	vst v37;
	vm1 =	vgt.u32 v38, v13  }
0x196: {  	vm2 =	vgt.u32 v27, v13;
	v37 =	vadd.s32 s13, v14;
	[tilespmem:s1+$0xFFFFFF10] =	vst v29;
	v29 =	vadd.s32 s12, v14;
	v34 =	vld.idx.msk [tilespmem:v34+s4+$0x0], $0xffff  }
0x197: {  	v40 =	vsel vm0, v40, v25;
	v37 =	vsel vm1, v37, v38;
	v33 =	vld.idx.msk [tilespmem:v33+s4+$0x0], $0xffff;
	v27 =	vsel vm2, v29, v27  }
0x198: {  	v25 =	vadd.s32 s12, v15;
	v38 =	vadd.s32 s13, v15;
	v29 =	vadd.s32 s6, v15;
	[tilespmem:s1+$0xA0] =	vst v32  }
0x199: {  	vm1 =	vgt.u32 v38, v16;
	vm0 =	vgt.u32 v29, v16;
	v32 =	vadd.s32 s0, v12;
	v36 =	vld.idx.msk [tilespmem:v36+s4+$0x0], $0xffff;
	[tilespmem:s7+$0xFFFFFFF0] =	vst v28  }
0x19a: {  	vm2 =	vgt.u32 v25, v16;
	vm3 =	vgt.u32 v32, v13;
	v28 =	vadd.s32 s0, v14;
	[tilespmem:s7+$0x70] =	vst v26  }
0x19b: {  	v26 =	vadd.s32 s6, v17;
	v28 =	vsel vm3, v28, v32;
	[tilespmem:s1+$0xFFFFFFA0] =	vst v31;
	v31 =	vadd.s32 s13, v17  }
0x19c: {  	v41 =	vadd.s32 s12, v17;
	v32 =	vsel vm0, v26, v29;
	v42 =	vld.idx.msk [tilespmem:v30+s4+$0x0], $0xffff;
	[tilespmem:s1+$0x20] =	vst v34;
	v31 =	vsel vm1, v31, v38  }
0x19d: {  	v26 =	vadd.s32 s13, v18;
	v30 =	vsel vm2, v41, v25;
	v25 =	vadd.s32 s6, v18;
	[tilespmem:s1+$0xFFFFFF20] =	vst v33;
	v34 =	vld.idx.msk [tilespmem:v39+s4+$0x0], $0xffff  }
0x19e: {  	vm1 =	vgt.u32 v26, v19;
	v33 =	vadd.s32 s12, v18;
	vm0 =	vgt.u32 v25, v19;
	v38 =	vld.idx.msk [tilespmem:v35+s4+$0x0], $0xffff;
	[tilespmem:s7+$0xFFFFFF70] =	vst v24;
	s7 =	smov.u32 s1  }
0x19f: {  	vm2 =	vgt.u32 v33, v19;
	v24 =	vadd.s32 s6, v20;
	v35 =	vadd.s32 s13, v20;
	[tilespmem:s1+$0xB0] =	vst v36  }
0x1a0: {  	v36 =	vadd.s32 s12, v20;
	v29 =	vsel vm0, v24, v25;
	v24 =	vadd.s32 s0, v15;
	v39 =	vld.idx.msk [tilespmem:v28+s4+$0x0], $0xffff  }
0x1a1: {  	v25 =	vsel vm1, v35, v26;
	vm0 =	vgt.u32 v24, v16;
	v28 =	vadd.s32 s0, v17  }
.Ltmp4:
0x1a2: {  	v41 =	vadd.s32 s6, v21;
	v26 =	vsel vm2, v36, v33;
	v35 =	vsel vm0, v28, v24;
	[tilespmem:s1+$0xFFFFFFB0] =	vst v42;
	(pc) =	sbr.rel @p0 .LBB2_10-.Ltmp4, $4  }
0x1a3: {  	v24 =	vadd.s32 s12, v21;
	vm0 =	vgt.u32 v41, v22;
	v33 =	vld.idx.msk [tilespmem:v40+s4+$0x0], $0xffff;
	[tilespmem:s1+$0x30] =	vst v34;
	v40 =	vadd.s32 s13, v21  }
0x1a4: {  	v28 =	vadd.s32 s6, v23;
	vm1 =	vgt.u32 v24, v22;
	[tilespmem:s1+$0xFFFFFF30] =	vst v38;
	v34 =	vld.idx.msk [tilespmem:v37+s4+$0x0], $0xffff;
	vm2 =	vgt.u32 v40, v22  }
0x1a5: {  	v28 =	vsel vm0, v28, v41;
	v37 =	vadd.s32 s13, v23;
	v36 =	vld.idx.msk [tilespmem:v27+s4+$0x0], $0xffff;
	v27 =	vadd.s32 s12, v23  }
0x1a6: {  	s12 =	sadd.s32 $0x200, s12;
	v24 =	vsel vm1, v27, v24;
	v27 =	vsel vm2, v37, v40;
	[tilespmem:s1+$0xC0] =	vst v39  }
0x1a7: {  	_ =	sdelay $0x2  }
0x1a8: {  	v37 =	vadd.s32 s0, v18  }
0x1a9: {  	v35 =	vld.idx.msk [tilespmem:v35+s4+$0x0], $0xffff;
	v38 =	vadd.s32 s0, v20;
	vm0 =	vgt.u32 v37, v19;
	[tilespmem:s1+$0xFFFFFFC0] =	vst v33  }
0x1aa: {  	v46 =	vsel vm0, v38, v37;
	v32 =	vld.idx.msk [tilespmem:v32+s4+$0x0], $0xffff;
	[tilespmem:s1+$0x40] =	vst v34  }
0x1ab: {  	[tilespmem:s1+$0xFFFFFF40] =	vst v36;
	v31 =	vld.idx.msk [tilespmem:v31+s4+$0x0], $0xffff  }
0x1ac: {  	v30 =	vld.idx.msk [tilespmem:v30+s4+$0x0], $0xffff;
	_ =	sdelay $0x1  }
0x1ad: {  	v47 =	vadd.s32 s0, v21;
	[tilespmem:s1+$0xD0] =	vst v35  }
0x1ae: {  	v48 =	vadd.s32 s0, v23;
	vm8 =	vgt.u32 v47, v22;
	v33 =	vld.idx.msk [tilespmem:v46+s4+$0x0], $0xffff;
	[tilespmem:s1+$0xFFFFFFD0] =	vst v32  }
0x1af: {  	v49 =	vsel vm8, v48, v47;
	[tilespmem:s1+$0x50] =	vst v31;
	v29 =	vld.idx.msk [tilespmem:v29+s4+$0x0], $0xffff  }
0x1b0: {  	[tilespmem:s1+$0xFFFFFF50] =	vst v30;
	v25 =	vld.idx.msk [tilespmem:v25+s4+$0x0], $0xffff  }
0x1b1: {  	v26 =	vld.idx.msk [tilespmem:v26+s4+$0x0], $0xffff;
	_ =	sdelay $0x1  }
0x1b2: {  	[tilespmem:s7+$0xE0] =	vst v33  }
0x1b3: {  	v30 =	vld.idx.msk [tilespmem:v49+s4+$0x0], $0xffff;
	[tilespmem:s7+$0xFFFFFFE0] =	vst v29  }
0x1b4: {  	v28 =	vld.idx.msk [tilespmem:v28+s4+$0x0], $0xffff;
	[tilespmem:s7+$0x60] =	vst v25  }
0x1b5: {  	[tilespmem:s7+$0xFFFFFF60] =	vst v26;
	v25 =	vld.idx.msk [tilespmem:v27+s4+$0x0], $0xffff  }
0x1b6: {  	v24 =	vld.idx.msk [tilespmem:v24+s4+$0x0], $0xffff;
	_ =	sdelay $0x1  }
0x1b7: {  	s0 =	simm.s32 $0x180;
	[tilespmem:s7+$0xF0] =	vst v30  }
0x1b8: {  	s6 =	simm.s32 $0x0;
	s12 =	simm.s32 $0x80;
	s8 =	simm.s32 $0x100;
	v50 =	vadd.s32 s0, v5;
	[tilespmem:s7+$0xFFFFFFF0] =	vst v28  }
0x1b9: {  	v51 =	vadd.s32 s12, v5;
	v52 =	vadd.s32 s8, v5;
	v53 =	vadd.s32 s6, v5;
	[tilespmem:s7+$0x70] =	vst v25  }
0x1ba: {  	v54 =	vadd.s32 s12, v6;
	v55 =	vadd.s32 s8, v6;
	v56 =	vadd.s32 s6, v6;
	[tilespmem:s7+$0xFFFFFF70] =	vst v24  }
0x1bb: {  	v57 =	vadd.s32 s12, v8;
	v58 =	vadd.s32 s0, v6;
	v59 =	vadd.s32 s8, v8;
	s1 =	rddreg [dreg:$0x6]  }
0x1bc: {  	v60 =	vadd.s32 s0, v8;
	v39 =	vadd.s32 s6, v8;
	v26 =	vadd.s32 s0, v0;
	[hbm4b:s1+s6] =	stream.linear.scatter [tilespmem:s20], [sflag:$0x4], $0x4000, $0x38;
	[tilespmem:$0x18000] =	vst v63  }
0x1bd: {  	v62 =	vadd.s32 s12, v9;
	vm9 =	vgt.u32 v26, v1;
	v25 =	vadd.s32 s0, v2;
	_ =	swait.ge [sflag:s21], $0x4000  }
0x1be: {  	v29 =	vadd.s32 s12, v0;
	v27 =	vadd.s32 s6, v0;
	v24 =	vsel vm9, v25, v26;
	[sflag:s21] =	ssyncset.done $0x0  }
0x1bf: {  	vm1 =	vgt.u32 v29, v1;
	vm10 =	vgt.u32 v27, v1;
	v30 =	vadd.s32 s8, v0;
	[sflag:s21] =	ssyncadd.s32 $0xFFFFC000  }
0x1c0: {  	v28 =	vadd.s32 s6, v2;
	vm2 =	vgt.u32 v30, v1;
	v26 =	vadd.s32 s12, v2;
	_ =	swait.ge [sflag:s26], $0x4000  }
0x1c1: {  	v25 =	vsel vm10, v28, v27;
	v27 =	vadd.s32 s8, v2;
	v26 =	vsel vm1, v26, v29;
	[sflag:s26] =	ssyncset.done $0x0  }
0x1c2: {  	v63 =	vadd.s32 s6, v9;
	v27 =	vsel vm2, v27, v30;
	v30 =	vadd.s32 s0, v3;
	[sflag:s26] =	ssyncadd.s32 $0xFFFFC000  }
0x1c3: {  	v40 =	vadd.s32 s8, v9;
	v41 =	vadd.s32 s6, v11;
	vm11 =	vgt.u32 v30, v4;
	v24 =	vld.idx.msk [tilespmem:v24+s17+$0x0], $0xffff  }
0x1c4: {  	v42 =	vadd.s32 s8, v11;
	v43 =	vadd.s32 s0, v9;
	v30 =	vsel vm11, v50, v30  }
0x1c5: {  	v44 =	vadd.s32 s0, v11;
	vm15 =	vgt.u32 v54, v7;
	v28 =	vadd.s32 s12, v3  }
0x1c6: {  	vm6 =	vgt.u32 v55, v7;
	v31 =	vadd.s32 s8, v3;
	vm12 =	vgt.u32 v28, v4;
	v26 =	vld.idx.msk [tilespmem:v26+s17+$0x0], $0xffff  }
0x1c7: {  	vm13 =	vgt.u32 v31, v4;
	v29 =	vadd.s32 s6, v3;
	v28 =	vsel vm12, v51, v28;
	s1 =	simm.s32 $0x10100;
	v27 =	vld.idx.msk [tilespmem:v27+s17+$0x0], $0xffff  }
0x1c8: {  	v45 =	vadd.s32 s8, v12;
	v31 =	vsel vm13, v52, v31;
	vm14 =	vgt.u32 v29, v4;
	v25 =	vld.idx.msk [tilespmem:v25+s17+$0x0], $0xffff;
	[tilespmem:s1+$0x80] =	vst v24  }
0x1c9: {  	vm7 =	vgt.u32 v56, v7;
	vm3 =	vgt.u32 v58, v7;
	v29 =	vsel vm14, v53, v29;
	v30 =	vld.idx.msk [tilespmem:v30+s17+$0x0], $0xffff  }
0x1ca: {  	vm8 =	vgt.u32 v62, v10;
	v47 =	vadd.s32 s8, v14;
	v61 =	vsel vm3, v60, v58  }
0x1cb: {  	v60 =	vadd.s32 s12, v21;
	v32 =	vsel vm15, v57, v54;
	vm13 =	vgt.u32 v45, v13;
	[tilespmem:s1+$0xFFFFFF80] =	vst v26  }
0x1cc: {  	v46 =	vadd.s32 s12, v14;
	v57 =	vadd.s32 s0, v15;
	v48 =	vsel vm13, v47, v45;
	[tilespmem:s1+$0x0] =	vst v27;
	v28 =	vld.idx.msk [tilespmem:v28+s17+$0x0], $0xffff  }
0x1cd: {  	v52 =	vadd.s32 s8, v17;
	vm13 =	vgt.u32 v60, v22;
	v33 =	vsel vm6, v59, v55;
	[tilespmem:s1+$0xFFFFFF00] =	vst v25;
	v25 =	vld.idx.msk [tilespmem:v31+s17+$0x0], $0xffff  }
0x1ce: {  	v55 =	vadd.s32 s8, v20;
	v59 =	vadd.s32 s0, v17;
	v49 =	vadd.s32 s0, v12;
	v29 =	vld.idx.msk [tilespmem:v29+s17+$0x0], $0xffff;
	[tilespmem:s1+$0x90] =	vst v30  }
0x1cf: {  	vm10 =	vgt.u32 v40, v10;
	vm11 =	vgt.u32 v43, v10;
	v24 =	vsel vm7, v39, v56;
	v35 =	vld.idx.msk [tilespmem:v61+s17+$0x0], $0xffff  }
0x1d0: {  	vm9 =	vgt.u32 v63, v10;
	v34 =	vsel vm10, v42, v40;
	v36 =	vsel vm11, v44, v43  }
0x1d1: {  	v51 =	vadd.s32 s12, v17;
	v50 =	vadd.s32 s0, v14;
	v53 =	vadd.s32 s8, v18;
	[tilespmem:s1+$0xFFFFFF90] =	vst v28  }
0x1d2: {  	vm10 =	vgt.u32 v53, v19;
	v26 =	vadd.s32 s12, v11;
	v27 =	vsel vm9, v41, v63;
	[tilespmem:s1+$0x10] =	vst v25;
	v40 =	vld.idx.msk [tilespmem:v32+s17+$0x0], $0xffff  }
0x1d3: {  	v56 =	vadd.s32 s6, v20;
	v63 =	vadd.s32 s8, v23;
	v26 =	vsel vm8, v26, v62;
	[tilespmem:s1+$0xFFFFFF10] =	vst v29;
	v29 =	vld.idx.msk [tilespmem:v33+s17+$0x0], $0xffff  }
0x1d4: {  	v31 =	vadd.s32 s12, v12;
	vm8 =	vgt.u32 v49, v13;
	v62 =	vadd.s32 s8, v21;
	v24 =	vld.idx.msk [tilespmem:v24+s17+$0x0], $0xffff;
	[tilespmem:s1+$0xA0] =	vst v35  }
0x1d5: {  	vm12 =	vgt.u32 v31, v13;
	v30 =	vadd.s32 s6, v12;
	v28 =	vadd.s32 s6, v14;
	v35 =	vld.idx.msk [tilespmem:v36+s17+$0x0], $0xffff  }
0x1d6: {  	v25 =	vadd.s32 s6, v15;
	vm14 =	vgt.u32 v30, v13;
	v33 =	vsel vm8, v50, v49  }
0x1d7: {  	vm7 =	vgt.u32 v25, v16;
	v61 =	vadd.s32 s6, v21;
	v41 =	vsel vm14, v28, v30;
	[tilespmem:s1+$0xFFFFFFA0] =	vst v40  }
0x1d8: {  	v28 =	vsel vm12, v46, v31;
	v30 =	vadd.s32 s12, v15;
	vm12 =	vgt.u32 v57, v16;
	[tilespmem:s1+$0x20] =	vst v29;
	v54 =	vld.idx.msk [tilespmem:v26+s17+$0x0], $0xffff  }
0x1d9: {  	v31 =	vadd.s32 s8, v15;
	vm14 =	vgt.u32 v61, v22;
	vm15 =	vgt.u32 v30, v16;
	[tilespmem:s1+$0xFFFFFF20] =	vst v24;
	v24 =	vld.idx.msk [tilespmem:v34+s17+$0x0], $0xffff  }
0x1da: {  	vm6 =	vgt.u32 v31, v16;
	v32 =	vsel vm15, v51, v30;
	v30 =	vadd.s32 s6, v17;
	v27 =	vld.idx.msk [tilespmem:v27+s17+$0x0], $0xffff;
	[tilespmem:s1+$0xB0] =	vst v35  }
0x1db: {  	v31 =	vsel vm6, v52, v31;
	v30 =	vsel vm7, v30, v25;
	v25 =	vadd.s32 s12, v18;
	v58 =	vld.idx.msk [tilespmem:v33+s17+$0x0], $0xffff  }
0x1dc: {  	vm9 =	vgt.u32 v25, v19;
	v29 =	vadd.s32 s12, v20;
	v35 =	vsel vm12, v59, v57  }
0x1dd: {  	vm15 =	vgt.u32 v62, v22;
	v26 =	vadd.s32 s6, v18;
	v29 =	vsel vm9, v29, v25;
	[tilespmem:s1+$0xFFFFFFB0] =	vst v54  }
0x1de: {  	v25 =	vsel vm10, v55, v53;
	vm11 =	vgt.u32 v26, v19;
	[tilespmem:s1+$0x30] =	vst v24;
	v24 =	vadd.s32 s12, v23;
	v33 =	vld.idx.msk [tilespmem:v28+s17+$0x0], $0xffff  }
0x1df: {  	v26 =	vsel vm11, v56, v26;
	[tilespmem:s1+$0xFFFFFF30] =	vst v27;
	v27 =	vadd.s32 s6, v23;
	v34 =	vld.idx.msk [tilespmem:v48+s17+$0x0], $0xffff;
	v28 =	vsel vm13, v24, v60  }
0x1e0: {  	s7 =	simm.s32 $0x10100;
	s8 =	simm.s32 $0x0;
	s12 =	simm.s32 $0x200;
	v36 =	vld.idx.msk [tilespmem:v41+s17+$0x0], $0xffff;
	v24 =	vsel vm14, v27, v61;
	v27 =	vsel vm15, v63, v62;
	[tilespmem:s1+$0xC0] =	vst v58  }
.LBB2_12:
0x1e1: {  	v37 =	vadd.s32 s12, v0;
	v38 =	vadd.s32 s12, v2;
	s6 =	sadd.s32 $0x80, s12;
	s14 =	sadd.s32 $0x180, s12;
	s8 =	sadd.s32 $0x4, s8;
	v35 =	vld.idx.msk [tilespmem:v35+s17+$0x0], $0xffff;
	v39 =	vadd.s32 s0, v18  }
0x1e2: {  	s13 =	sadd.s32 $0x100, s12;
	v41 =	vadd.s32 s0, v20;
	v40 =	vadd.s32 s14, v0;
	p0 =	slt.u32 s8, $0x7C;
	vm0 =	vgt.u32 v39, v19  }
0x1e3: {  	v42 =	vadd.s32 s14, v2;
	vm1 =	vgt.u32 v40, v1;
	[tilespmem:s1+$0xFFFFFFC0] =	vst v33;
	v33 =	vsel vm0, v41, v39  }
0x1e4: {  	v39 =	vadd.s32 s6, v0;
	v41 =	vadd.s32 s13, v0;
	v40 =	vsel vm1, v42, v40;
	v32 =	vld.idx.msk [tilespmem:v32+s17+$0x0], $0xffff;
	[tilespmem:s1+$0x40] =	vst v34  }
0x1e5: {  	vm0 =	vgt.u32 v37, v1;
	vm1 =	vgt.u32 v39, v1;
	vm2 =	vgt.u32 v41, v1;
	[tilespmem:s1+$0xFFFFFF40] =	vst v36  }
0x1e6: {  	v34 =	vsel vm0, v38, v37;
	v37 =	vadd.s32 s13, v2;
	v36 =	vadd.s32 s6, v2;
	v31 =	vld.idx.msk [tilespmem:v31+s17+$0x0], $0xffff  }
0x1e7: {  	v38 =	vadd.s32 s6, v3;
	v37 =	vsel vm2, v37, v41;
	v36 =	vsel vm1, v36, v39;
	v30 =	vld.idx.msk [tilespmem:v30+s17+$0x0], $0xffff;
	[tilespmem:s1+$0xD0] =	vst v35  }
0x1e8: {  	v41 =	vadd.s32 s0, v21;
	v39 =	vadd.s32 s13, v3;
	v35 =	vadd.s32 s12, v3;
	v33 =	vld.idx.msk [tilespmem:v33+s17+$0x0], $0xffff  }
0x1e9: {  	v43 =	vadd.s32 s0, v23;
	v42 =	vadd.s32 s14, v3;
	s0 =	smov.u32 s14;
	vm0 =	vgt.u32 v41, v22;
	v40 =	vld.idx.msk [tilespmem:v40+s17+$0x0], $0xffff  }
0x1ea: {  	vm1 =	vgt.u32 v42, v4;
	v44 =	vadd.s32 s0, v5;
	[tilespmem:s1+$0xFFFFFFD0] =	vst v32;
	v32 =	vsel vm0, v43, v41  }
0x1eb: {  	vm2 =	vgt.u32 v39, v4;
	vm0 =	vgt.u32 v38, v4;
	v41 =	vsel vm1, v44, v42;
	v34 =	vld.idx.msk [tilespmem:v34+s17+$0x0], $0xffff  }
0x1ec: {  	vm1 =	vgt.u32 v35, v4;
	v42 =	vadd.s32 s6, v5;
	v43 =	vadd.s32 s13, v5;
	v36 =	vld.idx.msk [tilespmem:v36+s17+$0x0], $0xffff;
	[tilespmem:s1+$0x50] =	vst v31  }
0x1ed: {  	v38 =	vsel vm0, v42, v38;
	v39 =	vsel vm2, v43, v39;
	v31 =	vadd.s32 s12, v5;
	v37 =	vld.idx.msk [tilespmem:v37+s17+$0x0], $0xffff;
	[tilespmem:s1+$0xFFFFFF50] =	vst v30  }
0x1ee: {  	v30 =	vsel vm1, v31, v35;
	v31 =	vadd.s32 s6, v6;
	v35 =	vadd.s32 s13, v6;
	s1 =	sadd.s32 $0x200, s1;
	v29 =	vld.idx.msk [tilespmem:v29+s17+$0x0], $0xffff;
	[tilespmem:s7+$0xE0] =	vst v33  }
0x1ef: {  	v33 =	vadd.s32 s12, v6;
	vm0 =	vgt.u32 v31, v7;
	vm1 =	vgt.u32 v35, v7;
	[tilespmem:s1+$0x80] =	vst v40;
	v32 =	vld.idx.msk [tilespmem:v32+s17+$0x0], $0xffff  }
0x1f0: {  	v42 =	vadd.s32 s0, v6;
	vm2 =	vgt.u32 v33, v7;
	v40 =	vadd.s32 s6, v8;
	v41 =	vld.idx.msk [tilespmem:v41+s17+$0x0], $0xffff  }
0x1f1: {  	v43 =	vadd.s32 s0, v8;
	vm3 =	vgt.u32 v42, v7;
	[tilespmem:s1+$0xFFFFFF00] =	vst v34;
	v34 =	vadd.s32 s13, v8;
	v25 =	vld.idx.msk [tilespmem:v25+s17+$0x0], $0xffff  }
0x1f2: {  	v44 =	vadd.s32 s12, v8;
	v31 =	vsel vm0, v40, v31;
	[tilespmem:s1+$0xFFFFFF80] =	vst v36;
	v36 =	vsel vm3, v43, v42;
	v26 =	vld.idx.msk [tilespmem:v26+s17+$0x0], $0xffff  }
0x1f3: {  	v33 =	vsel vm2, v44, v33;
	v40 =	vadd.s32 s6, v9;
	v34 =	vsel vm1, v34, v35;
	v38 =	vld.idx.msk [tilespmem:v38+s17+$0x0], $0xffff;
	[tilespmem:s1+$0x0] =	vst v37  }
0x1f4: {  	vm0 =	vgt.u32 v40, v10;
	v35 =	vadd.s32 s12, v9;
	v37 =	vld.idx.msk [tilespmem:v39+s17+$0x0], $0xffff;
	v39 =	vadd.s32 s13, v9;
	[tilespmem:s7+$0xFFFFFFE0] =	vst v29  }
0x1f5: {  	vm1 =	vgt.u32 v35, v10;
	v29 =	vld.idx.msk [tilespmem:v30+s17+$0x0], $0xffff;
	v30 =	vadd.s32 s6, v11;
	vm2 =	vgt.u32 v39, v10;
	[tilespmem:s7+$0xF0] =	vst v32  }
0x1f6: {  	v32 =	vadd.s32 s12, v11;
	v30 =	vsel vm0, v30, v40;
	v40 =	vadd.s32 s13, v11;
	[tilespmem:s1+$0x90] =	vst v41;
	v28 =	vld.idx.msk [tilespmem:v28+s17+$0x0], $0xffff  }
0x1f7: {  	v35 =	vsel vm1, v32, v35;
	v39 =	vsel vm2, v40, v39;
	v32 =	vld.idx.msk [tilespmem:v36+s17+$0x0], $0xffff;
	v36 =	vadd.s32 s0, v9;
	[tilespmem:s7+$0x60] =	vst v25  }
0x1f8: {  	v25 =	vadd.s32 s6, v12;
	v40 =	vadd.s32 s0, v11;
	vm0 =	vgt.u32 v36, v10;
	[tilespmem:s7+$0xFFFFFF60] =	vst v26;
	v26 =	vld.idx.msk [tilespmem:v27+s17+$0x0], $0xffff  }
0x1f9: {  	v27 =	vadd.s32 s12, v12;
	[tilespmem:s1+$0xFFFFFF90] =	vst v38;
	v38 =	vadd.s32 s13, v12;
	v36 =	vsel vm0, v40, v36;
	v24 =	vld.idx.msk [tilespmem:v24+s17+$0x0], $0xffff  }
0x1fa: {  	vm0 =	vgt.u32 v25, v13;
	v40 =	vadd.s32 s6, v14;
	v31 =	vld.idx.msk [tilespmem:v31+s17+$0x0], $0xffff;
	[tilespmem:s1+$0x10] =	vst v37;
	vm1 =	vgt.u32 v38, v13  }
0x1fb: {  	vm2 =	vgt.u32 v27, v13;
	v37 =	vadd.s32 s13, v14;
	[tilespmem:s1+$0xFFFFFF10] =	vst v29;
	v29 =	vadd.s32 s12, v14;
	v34 =	vld.idx.msk [tilespmem:v34+s17+$0x0], $0xffff  }
0x1fc: {  	v40 =	vsel vm0, v40, v25;
	v37 =	vsel vm1, v37, v38;
	v33 =	vld.idx.msk [tilespmem:v33+s17+$0x0], $0xffff;
	v27 =	vsel vm2, v29, v27  }
0x1fd: {  	v25 =	vadd.s32 s12, v15;
	v38 =	vadd.s32 s13, v15;
	v29 =	vadd.s32 s6, v15;
	[tilespmem:s1+$0xA0] =	vst v32  }
0x1fe: {  	vm1 =	vgt.u32 v38, v16;
	vm0 =	vgt.u32 v29, v16;
	v32 =	vadd.s32 s0, v12;
	v36 =	vld.idx.msk [tilespmem:v36+s17+$0x0], $0xffff;
	[tilespmem:s7+$0xFFFFFFF0] =	vst v28  }
0x1ff: {  	vm2 =	vgt.u32 v25, v16;
	vm3 =	vgt.u32 v32, v13;
	v28 =	vadd.s32 s0, v14;
	[tilespmem:s7+$0x70] =	vst v26  }
0x200: {  	v26 =	vadd.s32 s6, v17;
	v28 =	vsel vm3, v28, v32;
	[tilespmem:s1+$0xFFFFFFA0] =	vst v31;
	v31 =	vadd.s32 s13, v17  }
0x201: {  	v41 =	vadd.s32 s12, v17;
	v32 =	vsel vm0, v26, v29;
	v42 =	vld.idx.msk [tilespmem:v30+s17+$0x0], $0xffff;
	[tilespmem:s1+$0x20] =	vst v34;
	v31 =	vsel vm1, v31, v38  }
0x202: {  	v26 =	vadd.s32 s13, v18;
	v30 =	vsel vm2, v41, v25;
	v25 =	vadd.s32 s6, v18;
	[tilespmem:s1+$0xFFFFFF20] =	vst v33;
	v34 =	vld.idx.msk [tilespmem:v39+s17+$0x0], $0xffff  }
0x203: {  	vm1 =	vgt.u32 v26, v19;
	v33 =	vadd.s32 s12, v18;
	vm0 =	vgt.u32 v25, v19;
	v38 =	vld.idx.msk [tilespmem:v35+s17+$0x0], $0xffff;
	[tilespmem:s7+$0xFFFFFF70] =	vst v24;
	s7 =	smov.u32 s1  }
0x204: {  	vm2 =	vgt.u32 v33, v19;
	v24 =	vadd.s32 s6, v20;
	v35 =	vadd.s32 s13, v20;
	[tilespmem:s1+$0xB0] =	vst v36  }
0x205: {  	v36 =	vadd.s32 s12, v20;
	v29 =	vsel vm0, v24, v25;
	v24 =	vadd.s32 s0, v15;
	v39 =	vld.idx.msk [tilespmem:v28+s17+$0x0], $0xffff  }
0x206: {  	v25 =	vsel vm1, v35, v26;
	vm0 =	vgt.u32 v24, v16;
	v28 =	vadd.s32 s0, v17  }
.Ltmp5:
0x207: {  	v41 =	vadd.s32 s6, v21;
	v26 =	vsel vm2, v36, v33;
	v35 =	vsel vm0, v28, v24;
	[tilespmem:s1+$0xFFFFFFB0] =	vst v42;
	(pc) =	sbr.rel @p0 .LBB2_12-.Ltmp5, $4  }
0x208: {  	v24 =	vadd.s32 s12, v21;
	vm0 =	vgt.u32 v41, v22;
	v33 =	vld.idx.msk [tilespmem:v40+s17+$0x0], $0xffff;
	[tilespmem:s1+$0x30] =	vst v34;
	v40 =	vadd.s32 s13, v21  }
0x209: {  	v28 =	vadd.s32 s6, v23;
	vm1 =	vgt.u32 v24, v22;
	[tilespmem:s1+$0xFFFFFF30] =	vst v38;
	v34 =	vld.idx.msk [tilespmem:v37+s17+$0x0], $0xffff;
	vm2 =	vgt.u32 v40, v22  }
0x20a: {  	v28 =	vsel vm0, v28, v41;
	v37 =	vadd.s32 s13, v23;
	v36 =	vld.idx.msk [tilespmem:v27+s17+$0x0], $0xffff;
	v27 =	vadd.s32 s12, v23  }
0x20b: {  	s12 =	sadd.s32 $0x200, s12;
	v24 =	vsel vm1, v27, v24;
	v27 =	vsel vm2, v37, v40;
	[tilespmem:s1+$0xC0] =	vst v39  }
0x20c: {  	_ =	sdelay $0x2  }
0x20d: {  	v37 =	vadd.s32 s0, v18  }
0x20e: {  	v35 =	vld.idx.msk [tilespmem:v35+s17+$0x0], $0xffff;
	v38 =	vadd.s32 s0, v20;
	vm0 =	vgt.u32 v37, v19;
	[tilespmem:s1+$0xFFFFFFC0] =	vst v33  }
0x20f: {  	v59 =	vsel vm0, v38, v37;
	v32 =	vld.idx.msk [tilespmem:v32+s17+$0x0], $0xffff;
	[tilespmem:s1+$0x40] =	vst v34  }
0x210: {  	[tilespmem:s1+$0xFFFFFF40] =	vst v36;
	v31 =	vld.idx.msk [tilespmem:v31+s17+$0x0], $0xffff  }
0x211: {  	v30 =	vld.idx.msk [tilespmem:v30+s17+$0x0], $0xffff;
	_ =	sdelay $0x1  }
0x212: {  	v60 =	vadd.s32 s0, v21;
	[tilespmem:s1+$0xD0] =	vst v35  }
0x213: {  	v61 =	vadd.s32 s0, v23;
	vm15 =	vgt.u32 v60, v22;
	v33 =	vld.idx.msk [tilespmem:v59+s17+$0x0], $0xffff;
	[tilespmem:s1+$0xFFFFFFD0] =	vst v32  }
0x214: {  	v62 =	vsel vm15, v61, v60;
	[tilespmem:s1+$0x50] =	vst v31;
	v29 =	vld.idx.msk [tilespmem:v29+s17+$0x0], $0xffff  }
0x215: {  	[tilespmem:s1+$0xFFFFFF50] =	vst v30;
	v25 =	vld.idx.msk [tilespmem:v25+s17+$0x0], $0xffff  }
0x216: {  	v26 =	vld.idx.msk [tilespmem:v26+s17+$0x0], $0xffff;
	_ =	sdelay $0x1  }
0x217: {  	[tilespmem:s7+$0xE0] =	vst v33  }
0x218: {  	v63 =	vld.idx.msk [tilespmem:v62+s17+$0x0], $0xffff;
	[tilespmem:s7+$0xFFFFFFE0] =	vst v29  }
0x219: {  	v28 =	vld.idx.msk [tilespmem:v28+s17+$0x0], $0xffff;
	[tilespmem:s7+$0x60] =	vst v25  }
0x21a: {  	[tilespmem:s7+$0xFFFFFF60] =	vst v26;
	v25 =	vld.idx.msk [tilespmem:v27+s17+$0x0], $0xffff  }
0x21b: {  	v24 =	vld.idx.msk [tilespmem:v24+s17+$0x0], $0xffff;
	_ =	sdelay $0x1  }
0x21c: {  	[tilespmem:s7+$0xF0] =	vst v63  }
0x21d: {  	[tilespmem:s7+$0xFFFFFFF0] =	vst v28  }
0x21e: {  	[tilespmem:s7+$0x70] =	vst v25  }
0x21f: {  	[tilespmem:s7+$0xFFFFFF70] =	vst v24  }
0x220: {  	s30 =	simm.s32 $0x6;
	s28 =	rddreg [dreg:$0x7]  }
0x221: {  	[hbm4b:s28+s4] =	stream.linear.scatter [tilespmem:s22], [sflag:$0x5], $0x4000, $0x38;
	[tilespmem:$0x18000] =	vst v63  }
0x222: {  	_ =	swait.ge [sflag:s30], $0x4000  }
0x223: {  	[sflag:s30] =	ssyncset.done $0x0  }
0x224: {  	[sflag:s30] =	ssyncadd.s32 $0xFFFFC000  }
0x225: {  	_ =	swait.ge [sflag:s25], $0x4000  }
0x226: {  	[sflag:s25] =	ssyncset.done $0x0  }
0x227: {  	[sflag:s25] =	ssyncadd.s32 $0xFFFFC000  }
0x228: {  	_ =	swait.ge [sflag:s26], $0x4000  }
0x229: {  	s29 =	sadd.s32 $0x1, s29;
	s31 =	rddreg [dreg:$0x8]  }
0x22a: {  	p0 =	sne.s32 s29, s31  }
.Ltmp6:
0x22b: {  	_ = 	snop;
	(pc) =	sbr.rel @p0 .LBB2_1-.Ltmp6, $3  }
0x22c: {  	_ =	sdelay $0x1  }
0x22d: {  	[sflag:s26] =	ssyncset.done $0x0  }
0x22e: {  	[sflag:s26] =	ssyncadd.s32 $0xFFFFC000  }
0x22f: {  	_ =	sfence.sel $0x180000  }
0x230: {  	[bflag:$0x0] =	sbarrier.arrive $0xFFFF  }
0x231: {  	_ =	strace $0x90000047  }
0x232: {  	s0 =	stileid.u32;
	[bflag:$0x2] =	sbarrier.arrive $0xFFFF  }
0x233: {  	p0 =	sne.s32 s0, $0x0;
	s0 =	rddreg [dreg:$0x2]  }
0x234: {  	s0 =	sadd.s32 @!p0 $0x100000, s0  }
0x235: {  	[sflag:s0] =	ssyncadd.tile.s32 @!p0 $0x1;
	_ =	shalt  }
.Lfunc_end2:
_tile_overlayer_lowered:
.L_overlay_start_2:
0x236: {  	(tag) =	ssettag $0x2  }
0x237: {  	s0 =	rddreg [dreg:$0x0];
	s2 =	stileid.u32  }
0x238: {  	s1 =	rddreg [dreg:$0x1];
	p0 =	sne.s32 s2, $0x0  }
0x239: {  	s3 =	rddreg [dreg:$0x2];
	[bflag:$0x3] =	sbarrier.arrive $0xFFFF;
	s2 =	simm.s32 @!p0 $0x1C07  }
0x23a: {  	[timem:s3], [sflag:s2] =	dma.local @!p0 [hbm:s0], s1  }
0x23b: {  	s0 =	simm.s32 @!p0 $0x7  }
0x23c: {  	_ =	swait.ge @!p0 [sflag:s0], s1  }
0x23d: {  	s1 =	ssub.s32 @!p0 $0x0, s1;
	[sflag:s0] =	ssyncset.done @!p0 $0x0  }
0x23e: {  	[sflag:s0] =	ssyncadd.s32 @!p0 s1  }
0x23f: {  	[bflag:$0x3] =	sbarrier.arrive $0xFFFF  }
0x240: {  	_ =	shalt  }

</sc_bundles>
